<compile_context>
chip_gen: v7x
topology: tpu7x:2x2x1
jax: 0.10.2.dev20260603
libtpu: 0.0.44.dev20260713+nightly
codegen_flags: <defaults>
</compile_context>

<pallas_src>
import jax
import jax.numpy as jnp
from jax import lax
from jax.experimental import pallas as pl
from jax.experimental.pallas import tpu as pltpu
from jax.experimental.pallas import tpu_sc as plsc

N_NODES = 10000
FEAT = 128
DEG = 32
CLIPS = 4
DIM = 64
NTOK = 8192

NC = 2
NS = 16
NW = NC * NS
CPW = FEAT // NW
L = 16

VCH = 400
NCH = N_NODES // VCH
BLK = 128
NBLK = NTOK // BLK

_INV_DEG = 1.0 / DEG

_CP = pltpu.CompilerParams(needs_layout_passes=False)


def _neigh_body(adjT_hbm, nodes_hbm, neighT_hbm, row_s, nodes_s, blk_s, sem):
    j = lax.axis_index("s") * NC + lax.axis_index("c")
    pltpu.sync_copy(adjT_hbm.at[j], row_s)
    pltpu.sync_copy(nodes_hbm, nodes_s)

    def blk_body(b, _):
        def i_body(ic, _):
            nv = nodes_s[pl.ds(b * BLK + ic * L, L)]
            blk_s[pl.ds(ic * L, L)] = plsc.load_gather(row_s, [nv])
            return _

        lax.fori_loop(0, BLK // L, i_body, None)
        pltpu.sync_copy(blk_s, neighT_hbm.at[b, j])
        return _

    lax.fori_loop(0, NBLK, blk_body, None)


def _sc_body(featT_hbm, adjc_hbm, neighT_hbm, out_hbm,
             feat_s, h1_s, adjc_s, neighc_s, featb_s, sem):
    wid = lax.axis_index("s") * NC + lax.axis_index("c")
    lane = lax.iota(jnp.int32, L)
    cvecs = [jnp.full((L,), c, jnp.int32) for c in range(CPW)]

    pltpu.sync_copy(featT_hbm.at[wid], feat_s)

    def chunk_body(ch, _):
        pltpu.sync_copy(adjc_hbm.at[ch], adjc_s)

        def v_body(vc, _):
            base = vc * L
            acc = [jnp.zeros((L,), jnp.float32) for _ in range(CPW)]
            for j in range(DEG):
                nidx = adjc_s[j, pl.ds(base, L)]
                for c in range(CPW):
                    acc[c] = acc[c] + plsc.load_gather(feat_s, [cvecs[c], nidx])
            row = ch * VCH + base
            for c in range(CPW):
                h1_s[c, pl.ds(row, L)] = acc[c] * _INV_DEG
            return _

        lax.fori_loop(0, VCH // L, v_body, None)
        return _

    lax.fori_loop(0, NCH, chunk_body, None)

    def blk_body(b, _):
        pltpu.sync_copy(neighT_hbm.at[b], neighc_s)

        def i_body(ic, _):
            acc = [jnp.zeros((L,), jnp.float32) for _ in range(CPW)]
            for j in range(DEG):
                nidx = neighc_s[j, pl.ds(ic * L, L)]
                for c in range(CPW):
                    acc[c] = acc[c] + plsc.load_gather(h1_s, [cvecs[c], nidx])
            for c in range(CPW):
                featb_s[c, pl.ds(ic * L, L)] = acc[c] * _INV_DEG
            return _

        lax.fori_loop(0, BLK // L, i_body, None)
        pltpu.sync_copy(featb_s, out_hbm.at[wid, b])
        return _

    lax.fori_loop(0, NBLK, blk_body, None)


def _sc_aggregate(featT, adjT, adjc, nodes_flat):
    mesh = plsc.VectorSubcoreMesh(core_axis_name="c", subcore_axis_name="s")
    neigh_fn = pl.kernel(
        _neigh_body,
        out_type=jax.ShapeDtypeStruct((NBLK, DEG, BLK), jnp.int32),
        mesh=mesh,
        compiler_params=_CP,
        scratch_types=[
            pltpu.VMEM((N_NODES,), jnp.int32),
            pltpu.VMEM((NTOK,), jnp.int32),
            pltpu.VMEM((BLK,), jnp.int32),
            pltpu.SemaphoreType.DMA,
        ],
    )
    neighT = neigh_fn(adjT, nodes_flat)

    main_fn = pl.kernel(
        _sc_body,
        out_type=jax.ShapeDtypeStruct((NW, NBLK, CPW, BLK), jnp.float32),
        mesh=mesh,
        compiler_params=_CP,
        scratch_types=[
            pltpu.VMEM((CPW, N_NODES), jnp.float32),
            pltpu.VMEM((CPW, N_NODES), jnp.float32),
            pltpu.VMEM((DEG, VCH), jnp.int32),
            pltpu.VMEM((DEG, BLK), jnp.int32),
            pltpu.VMEM((CPW, BLK), jnp.float32),
            pltpu.SemaphoreType.DMA,
        ],
    )
    return main_fn(featT, adjc, neighT)


def _mm_body(x_ref, w_ref, o_ref):
    o_ref[...] = jnp.maximum(
        jnp.dot(x_ref[...], w_ref[...], preferred_element_type=jnp.float32), 0.0)


def _project(feat, wt):
    return pl.pallas_call(
        _mm_body,
        grid=(8,),
        in_specs=[
            pl.BlockSpec((NTOK // 8, FEAT), lambda i: (i, 0)),
            pl.BlockSpec((FEAT, CLIPS * DIM), lambda i: (0, 0)),
        ],
        out_specs=pl.BlockSpec((NTOK // 8, CLIPS * DIM), lambda i: (i, 0)),
        out_shape=jax.ShapeDtypeStruct((NTOK, CLIPS * DIM), jnp.float32),
    )(feat, wt)


def kernel(nodes, features, adj, local_weight):
    nodes_flat = nodes.reshape(-1).astype(jnp.int32)
    adj = adj.astype(jnp.int32)
    featT = features.T.reshape(NW, CPW, N_NODES)
    adjT = adj.T
    adjc = adjT.reshape(DEG, NCH, VCH).transpose(1, 0, 2)

    featT_out = _sc_aggregate(featT, adjT, adjc, nodes_flat)
    feat = featT_out.transpose(1, 3, 0, 2).reshape(NTOK, FEAT)

    wt = local_weight.reshape(CLIPS * DIM, FEAT).T
    out = _project(feat, wt)
    return out.reshape(nodes.shape[0], nodes.shape[1], CLIPS, DIM)

# --- scband reference (transcript-rebuilt; emitter-appended) ---
"""Pipeline reference for scband-encoder-1400159339188 (READ-ONLY COPY).

The authoritative reference and input builder live on the scoring server;
editing this copy changes nothing except your own understanding.
"""

import jax, jax.numpy as jnp
import numpy as np

N_NODES = 10000
FEAT_DIM = 128
DEG = 32
CLIPS = 4
DIM = 64
ORDER = 2
B, S = 512, 16


def setup_inputs(seed: int = 0) -> dict:
    key = jax.random.key(seed)
    k1, k2, k3, k4 = jax.random.split(key, 4)
    nodes = jax.random.randint(k1, (B, S), 0, N_NODES)
    features = jax.random.normal(k2, (N_NODES, FEAT_DIM), dtype=jnp.float32)
    adj = jax.random.randint(k3, (N_NODES, DEG), 0, N_NODES)
    bound = float(np.sqrt(6.0 / (DIM + FEAT_DIM)))
    local_weight = jax.random.uniform(k4, (CLIPS, DIM, FEAT_DIM), dtype=jnp.float32, minval=-bound, maxval=bound)
    return {"nodes": nodes, "features": features, "adj": adj, "local_weight": local_weight}


def reference(nodes, features, adj, local_weight):
    nodes_flat = nodes.reshape(-1)
    # agg1 over all nodes: mean of sampled-neighbor raw features
    h1_all = jnp.take(features, adj, axis=0).mean(axis=1)  # [N, d]
    if ORDER == 1:
        feat = jnp.take(h1_all, nodes_flat, axis=0)
    else:
        # agg2: mean of neighbors' agg1 embeddings
        neigh = jnp.take(adj, nodes_flat, axis=0)            # [n, DEG]
        feat = jnp.take(h1_all, neigh, axis=0).mean(axis=1)  # [n, d]
    # einsum('ckd,dn->ckn', W, feat.T).permute(2,0,1) == [n, c, k]
    local_out = jnp.einsum('ckd,nd->nck', local_weight, feat)
    local_embs = jax.nn.relu(local_out).reshape(nodes.shape[0], nodes.shape[1], CLIPS, -1)
    return local_embs

if __name__ == "__main__":
    import jax
    _d = setup_inputs()
    print(jax.jit(kernel)(*tuple(_d.values())))

</pallas_src>

<mosaic_0001>
#map = affine_map<(d0, d1) -> (0, 0)>
#map1 = affine_map<(d0, d1) -> (0)>
#map2 = affine_map<(d0, d1) -> (0, 0, 0)>
module attributes {stable_mosaic.version = 14 : i64} {
  func.func @_neigh_body(%arg0: i32, %arg1: i32, %arg2: memref<32x10000xi32, #tpu.memory_space<hbm>>, %arg3: memref<8192xi32, #tpu.memory_space<hbm>>, %arg4: memref<64x32x128xi32, #tpu.memory_space<hbm>>, %arg5: memref<10000xi32, #tpu.memory_space<vmem>>, %arg6: memref<8192xi32, #tpu.memory_space<vmem>>, %arg7: memref<128xi32, #tpu.memory_space<vmem>>, %arg8: memref<!tpu.dma_semaphore, #tpu.memory_space<semaphore_mem>>) attributes {dimension_semantics = [#tpu.dimension_semantics<core_parallel>, #tpu.dimension_semantics<subcore_parallel>], iteration_bounds = array<i64: 2, 16>, scalar_prefetch = 0 : i64, scratch_operands = 4 : i64, tpu.core_type = #tpu.core_type<sc_vector_subcore>, window_params = [{transform_indices = #map}, {transform_indices = #map1}, {transform_indices = #map2}]} {
    %mul3A = arith.constant 2 : i32
    %mul3A_0 = arith.muli %arg1, %mul3A : i32
    %add3A = arith.addi %mul3A_0, %arg0 : i32
    "tpu.region"() ({
      %run_scoped3A = tpu.sem_alloc : memref<!tpu.dma_semaphore, #tpu.memory_space<semaphore_mem>>
      %dma_start3A = arith.constant 0 : i32
      %dma_start3A_5 = tpu.memref_slice %arg2[%add3A, %dma_start3A] : memref<32x10000xi32, #tpu.memory_space<hbm>> -> memref<1x10000xi32, #tpu.memory_space<hbm>>
      %dma_start3A_6 = tpu.memref_squeeze %dma_start3A_5 : memref<1x10000xi32, #tpu.memory_space<hbm>> -> memref<10000xi32, #tpu.memory_space<hbm>>
      %dma_start3A_7 = arith.constant 0 : i32
      %dma_start3A_8 = tpu.memref_slice %arg2[%add3A, %dma_start3A_7] : memref<32x10000xi32, #tpu.memory_space<hbm>> -> memref<1x10000xi32, #tpu.memory_space<hbm>>
      %dma_start3A_9 = tpu.memref_squeeze %dma_start3A_8 : memref<1x10000xi32, #tpu.memory_space<hbm>> -> memref<10000xi32, #tpu.memory_space<hbm>>
      tpu.enqueue_dma source(%dma_start3A_9 : memref<10000xi32, #tpu.memory_space<hbm>>) target(%arg5 : memref<10000xi32, #tpu.memory_space<vmem>>) target_semaphore(%run_scoped3A : memref<!tpu.dma_semaphore, #tpu.memory_space<semaphore_mem>>)
      %dma_wait3A = arith.constant 0 : i32
      %dma_wait3A_10 = tpu.memref_slice %arg2[%add3A, %dma_wait3A] : memref<32x10000xi32, #tpu.memory_space<hbm>> -> memref<1x10000xi32, #tpu.memory_space<hbm>>
      %dma_wait3A_11 = tpu.memref_squeeze %dma_wait3A_10 : memref<1x10000xi32, #tpu.memory_space<hbm>> -> memref<10000xi32, #tpu.memory_space<hbm>>
      %dma_wait3A_12 = arith.constant 0 : i32
      %dma_wait3A_13 = tpu.memref_slice %arg2[%add3A, %dma_wait3A_12] : memref<32x10000xi32, #tpu.memory_space<hbm>> -> memref<1x10000xi32, #tpu.memory_space<hbm>>
      %dma_wait3A_14 = tpu.memref_squeeze %dma_wait3A_13 : memref<1x10000xi32, #tpu.memory_space<hbm>> -> memref<10000xi32, #tpu.memory_space<hbm>>
      tpu.wait_dma2 semaphore(%run_scoped3A : memref<!tpu.dma_semaphore, #tpu.memory_space<semaphore_mem>>) src(%dma_wait3A_14 : memref<10000xi32, #tpu.memory_space<hbm>>) dst(%arg5 : memref<10000xi32, #tpu.memory_space<vmem>>)
      tpu.yield
    }) : () -> ()
    "tpu.region"() ({
      %run_scoped3A = tpu.sem_alloc : memref<!tpu.dma_semaphore, #tpu.memory_space<semaphore_mem>>
      tpu.enqueue_dma source(%arg3 : memref<8192xi32, #tpu.memory_space<hbm>>) target(%arg6 : memref<8192xi32, #tpu.memory_space<vmem>>) target_semaphore(%run_scoped3A : memref<!tpu.dma_semaphore, #tpu.memory_space<semaphore_mem>>)
      tpu.wait_dma2 semaphore(%run_scoped3A : memref<!tpu.dma_semaphore, #tpu.memory_space<semaphore_mem>>) src(%arg3 : memref<8192xi32, #tpu.memory_space<hbm>>) dst(%arg6 : memref<8192xi32, #tpu.memory_space<vmem>>)
      tpu.yield
    }) : () -> ()
    %scan3A = arith.constant 0 : i32
    %scan3A_1 = arith.constant 64 : i32
    %scan3A_2 = arith.addi %scan3A, %scan3A_1 : i32
    %scan3A_3 = arith.constant 1 : i32
    scf.for %scan3A_5 = %scan3A to %scan3A_2 step %scan3A_3  : i32 {
      %scan3A_6 = arith.constant 0 : i32
      %scan3A_7 = arith.constant 8 : i32
      %scan3A_8 = arith.addi %scan3A_6, %scan3A_7 : i32
      %scan3A_9 = arith.constant 1 : i32
      scf.for %scan3A_11 = %scan3A_6 to %scan3A_8 step %scan3A_9  : i32 {
        %mul3A_12 = arith.constant 128 : i32
        %mul3A_13 = arith.muli %scan3A_5, %mul3A_12 : i32
        %mul3A_14 = arith.constant 16 : i32
        %mul3A_15 = arith.muli %scan3A_11, %mul3A_14 : i32
        %add3A_16 = arith.addi %mul3A_13, %mul3A_15 : i32
        %get3A = arith.index_cast %add3A_16 : i32 to index
        %get3A_17 = tpu.vector_load %arg6[%get3A] {strides = array<i32>} : memref<8192xi32, #tpu.memory_space<vmem>>, vector<16xi32>,
        %gather3A = tpu.vector_load_idx %arg5[%get3A_17] : memref<10000xi32, #tpu.memory_space<vmem>>[vector<16xi32>], vector<16xi32>,
        %mul3A_18 = arith.constant 16 : i32
        %mul3A_19 = arith.muli %scan3A_11, %mul3A_18 : i32
        %swap3A = arith.index_cast %mul3A_19 : i32 to index
        %swap3A_20 = tpu.vector_load %arg7[%swap3A] {strides = array<i32>} : memref<128xi32, #tpu.memory_space<vmem>>, vector<16xi32>,
        tpu.vector_store %arg7[%swap3A], %gather3A {strides = array<i32>} : memref<128xi32, #tpu.memory_space<vmem>>, vector<16xi32>,
      }
      %scan3A_10 = arith.constant 8 : i32
      "tpu.region"() ({
        %run_scoped3A = tpu.sem_alloc : memref<!tpu.dma_semaphore, #tpu.memory_space<semaphore_mem>>
        %dma_start3A = arith.constant 0 : i32
        %dma_start3A_11 = tpu.memref_slice %arg4[%scan3A_5, %add3A, %dma_start3A] : memref<64x32x128xi32, #tpu.memory_space<hbm>> -> memref<1x1x128xi32, #tpu.memory_space<hbm>>
        %dma_start3A_12 = tpu.memref_squeeze %dma_start3A_11 : memref<1x1x128xi32, #tpu.memory_space<hbm>> -> memref<128xi32, #tpu.memory_space<hbm>>
        %dma_start3A_13 = arith.constant 0 : i32
        %dma_start3A_14 = tpu.memref_slice %arg4[%scan3A_5, %add3A, %dma_start3A_13] : memref<64x32x128xi32, #tpu.memory_space<hbm>> -> memref<1x1x128xi32, #tpu.memory_space<hbm>>
        %dma_start3A_15 = tpu.memref_squeeze %dma_start3A_14 : memref<1x1x128xi32, #tpu.memory_space<hbm>> -> memref<128xi32, #tpu.memory_space<hbm>>
        tpu.enqueue_dma source(%arg7 : memref<128xi32, #tpu.memory_space<vmem>>) target(%dma_start3A_15 : memref<128xi32, #tpu.memory_space<hbm>>) target_semaphore(%run_scoped3A : memref<!tpu.dma_semaphore, #tpu.memory_space<semaphore_mem>>)
        %dma_wait3A = arith.constant 0 : i32
        %dma_wait3A_16 = tpu.memref_slice %arg4[%scan3A_5, %add3A, %dma_wait3A] : memref<64x32x128xi32, #tpu.memory_space<hbm>> -> memref<1x1x128xi32, #tpu.memory_space<hbm>>
        %dma_wait3A_17 = tpu.memref_squeeze %dma_wait3A_16 : memref<1x1x128xi32, #tpu.memory_space<hbm>> -> memref<128xi32, #tpu.memory_space<hbm>>
        %dma_wait3A_18 = arith.constant 0 : i32
        %dma_wait3A_19 = tpu.memref_slice %arg4[%scan3A_5, %add3A, %dma_wait3A_18] : memref<64x32x128xi32, #tpu.memory_space<hbm>> -> memref<1x1x128xi32, #tpu.memory_space<hbm>>
        %dma_wait3A_20 = tpu.memref_squeeze %dma_wait3A_19 : memref<1x1x128xi32, #tpu.memory_space<hbm>> -> memref<128xi32, #tpu.memory_space<hbm>>
        tpu.wait_dma2 semaphore(%run_scoped3A : memref<!tpu.dma_semaphore, #tpu.memory_space<semaphore_mem>>) src(%arg7 : memref<128xi32, #tpu.memory_space<vmem>>) dst(%dma_wait3A_20 : memref<128xi32, #tpu.memory_space<hbm>>)
        tpu.yield
      }) : () -> ()
    }
    %scan3A_4 = arith.constant 64 : i32
    return
  }
}

#map = affine_map<(d0, d1) -> (0, 0, 0)>
#map1 = affine_map<(d0, d1) -> (0, 0, 0, 0)>
module attributes {stable_mosaic.version = 14 : i64} {
  func.func @_sc_body(%arg0: i32, %arg1: i32, %arg2: memref<32x4x10000xf32, #tpu.memory_space<hbm>>, %arg3: memref<25x32x400xi32, #tpu.memory_space<hbm>>, %arg4: memref<64x32x128xi32, #tpu.memory_space<hbm>>, %arg5: memref<32x64x4x128xf32, #tpu.memory_space<hbm>>, %arg6: memref<4x10000xf32, #tpu.memory_space<vmem>>, %arg7: memref<4x10000xf32, #tpu.memory_space<vmem>>, %arg8: memref<32x400xi32, #tpu.memory_space<vmem>>, %arg9: memref<32x128xi32, #tpu.memory_space<vmem>>, %arg10: memref<4x128xf32, #tpu.memory_space<vmem>>, %arg11: memref<!tpu.dma_semaphore, #tpu.memory_space<semaphore_mem>>) attributes {dimension_semantics = [#tpu.dimension_semantics<core_parallel>, #tpu.dimension_semantics<subcore_parallel>], iteration_bounds = array<i64: 2, 16>, scalar_prefetch = 0 : i64, scratch_operands = 6 : i64, tpu.core_type = #tpu.core_type<sc_vector_subcore>, window_params = [{transform_indices = #map}, {transform_indices = #map}, {transform_indices = #map}, {transform_indices = #map1}]} {
    %mul3A = arith.constant 2 : i32
    %mul3A_0 = arith.muli %arg1, %mul3A : i32
    %add3A = arith.addi %mul3A_0, %arg0 : i32
    %iota3A = tpu.iota {dimensions = array<i32: 0>} : vector<16xi32>
    %broadcast_in_dim3A = arith.constant 0 : i32
    %broadcast_in_dim3A_1 = vector.broadcast %broadcast_in_dim3A : i32 to vector<16xi32>
    %broadcast_in_dim3A_2 = arith.constant 1 : i32
    %broadcast_in_dim3A_3 = vector.broadcast %broadcast_in_dim3A_2 : i32 to vector<16xi32>
    %broadcast_in_dim3A_4 = arith.constant 2 : i32
    %broadcast_in_dim3A_5 = vector.broadcast %broadcast_in_dim3A_4 : i32 to vector<16xi32>
    %broadcast_in_dim3A_6 = arith.constant 3 : i32
    %broadcast_in_dim3A_7 = vector.broadcast %broadcast_in_dim3A_6 : i32 to vector<16xi32>
    "tpu.region"() ({
      %run_scoped3A = tpu.sem_alloc : memref<!tpu.dma_semaphore, #tpu.memory_space<semaphore_mem>>
      %dma_start3A = arith.constant 0 : i32
      %dma_start3A_17 = arith.constant 0 : i32
      %dma_start3A_18 = tpu.memref_slice %arg2[%add3A, %dma_start3A, %dma_start3A_17] : memref<32x4x10000xf32, #tpu.memory_space<hbm>> -> memref<1x4x10000xf32, #tpu.memory_space<hbm>>
      %dma_start3A_19 = tpu.memref_squeeze %dma_start3A_18 : memref<1x4x10000xf32, #tpu.memory_space<hbm>> -> memref<4x10000xf32, #tpu.memory_space<hbm>>
      %dma_start3A_20 = arith.constant 0 : i32
      %dma_start3A_21 = arith.constant 0 : i32
      %dma_start3A_22 = tpu.memref_slice %arg2[%add3A, %dma_start3A_20, %dma_start3A_21] : memref<32x4x10000xf32, #tpu.memory_space<hbm>> -> memref<1x4x10000xf32, #tpu.memory_space<hbm>>
      %dma_start3A_23 = tpu.memref_squeeze %dma_start3A_22 : memref<1x4x10000xf32, #tpu.memory_space<hbm>> -> memref<4x10000xf32, #tpu.memory_space<hbm>>
      tpu.enqueue_dma source(%dma_start3A_23 : memref<4x10000xf32, #tpu.memory_space<hbm>>) target(%arg6 : memref<4x10000xf32, #tpu.memory_space<vmem>>) target_semaphore(%run_scoped3A : memref<!tpu.dma_semaphore, #tpu.memory_space<semaphore_mem>>)
      %dma_wait3A = arith.constant 0 : i32
      %dma_wait3A_24 = arith.constant 0 : i32
      %dma_wait3A_25 = tpu.memref_slice %arg2[%add3A, %dma_wait3A, %dma_wait3A_24] : memref<32x4x10000xf32, #tpu.memory_space<hbm>> -> memref<1x4x10000xf32, #tpu.memory_space<hbm>>
      %dma_wait3A_26 = tpu.memref_squeeze %dma_wait3A_25 : memref<1x4x10000xf32, #tpu.memory_space<hbm>> -> memref<4x10000xf32, #tpu.memory_space<hbm>>
      %dma_wait3A_27 = arith.constant 0 : i32
      %dma_wait3A_28 = arith.constant 0 : i32
      %dma_wait3A_29 = tpu.memref_slice %arg2[%add3A, %dma_wait3A_27, %dma_wait3A_28] : memref<32x4x10000xf32, #tpu.memory_space<hbm>> -> memref<1x4x10000xf32, #tpu.memory_space<hbm>>
      %dma_wait3A_30 = tpu.memref_squeeze %dma_wait3A_29 : memref<1x4x10000xf32, #tpu.memory_space<hbm>> -> memref<4x10000xf32, #tpu.memory_space<hbm>>
      tpu.wait_dma2 semaphore(%run_scoped3A : memref<!tpu.dma_semaphore, #tpu.memory_space<semaphore_mem>>) src(%dma_wait3A_30 : memref<4x10000xf32, #tpu.memory_space<hbm>>) dst(%arg6 : memref<4x10000xf32, #tpu.memory_space<vmem>>)
      tpu.yield
    }) : () -> ()
    %scan3A = arith.constant 0 : i32
    %scan3A_8 = arith.constant 25 : i32
    %scan3A_9 = arith.addi %scan3A, %scan3A_8 : i32
    %scan3A_10 = arith.constant 1 : i32
    scf.for %scan3A_17 = %scan3A to %scan3A_9 step %scan3A_10  : i32 {
      "tpu.region"() ({
        %run_scoped3A = tpu.sem_alloc : memref<!tpu.dma_semaphore, #tpu.memory_space<semaphore_mem>>
        %dma_start3A = arith.constant 0 : i32
        %dma_start3A_23 = arith.constant 0 : i32
        %dma_start3A_24 = tpu.memref_slice %arg3[%scan3A_17, %dma_start3A, %dma_start3A_23] : memref<25x32x400xi32, #tpu.memory_space<hbm>> -> memref<1x32x400xi32, #tpu.memory_space<hbm>>
        %dma_start3A_25 = tpu.memref_squeeze %dma_start3A_24 : memref<1x32x400xi32, #tpu.memory_space<hbm>> -> memref<32x400xi32, #tpu.memory_space<hbm>>
        %dma_start3A_26 = arith.constant 0 : i32
        %dma_start3A_27 = arith.constant 0 : i32
        %dma_start3A_28 = tpu.memref_slice %arg3[%scan3A_17, %dma_start3A_26, %dma_start3A_27] : memref<25x32x400xi32, #tpu.memory_space<hbm>> -> memref<1x32x400xi32, #tpu.memory_space<hbm>>
        %dma_start3A_29 = tpu.memref_squeeze %dma_start3A_28 : memref<1x32x400xi32, #tpu.memory_space<hbm>> -> memref<32x400xi32, #tpu.memory_space<hbm>>
        tpu.enqueue_dma source(%dma_start3A_29 : memref<32x400xi32, #tpu.memory_space<hbm>>) target(%arg8 : memref<32x400xi32, #tpu.memory_space<vmem>>) target_semaphore(%run_scoped3A : memref<!tpu.dma_semaphore, #tpu.memory_space<semaphore_mem>>)
        %dma_wait3A = arith.constant 0 : i32
        %dma_wait3A_30 = arith.constant 0 : i32
        %dma_wait3A_31 = tpu.memref_slice %arg3[%scan3A_17, %dma_wait3A, %dma_wait3A_30] : memref<25x32x400xi32, #tpu.memory_space<hbm>> -> memref<1x32x400xi32, #tpu.memory_space<hbm>>
        %dma_wait3A_32 = tpu.memref_squeeze %dma_wait3A_31 : memref<1x32x400xi32, #tpu.memory_space<hbm>> -> memref<32x400xi32, #tpu.memory_space<hbm>>
        %dma_wait3A_33 = arith.constant 0 : i32
        %dma_wait3A_34 = arith.constant 0 : i32
        %dma_wait3A_35 = tpu.memref_slice %arg3[%scan3A_17, %dma_wait3A_33, %dma_wait3A_34] : memref<25x32x400xi32, #tpu.memory_space<hbm>> -> memref<1x32x400xi32, #tpu.memory_space<hbm>>
        %dma_wait3A_36 = tpu.memref_squeeze %dma_wait3A_35 : memref<1x32x400xi32, #tpu.memory_space<hbm>> -> memref<32x400xi32, #tpu.memory_space<hbm>>
        tpu.wait_dma2 semaphore(%run_scoped3A : memref<!tpu.dma_semaphore, #tpu.memory_space<semaphore_mem>>) src(%dma_wait3A_36 : memref<32x400xi32, #tpu.memory_space<hbm>>) dst(%arg8 : memref<32x400xi32, #tpu.memory_space<vmem>>)
        tpu.yield
      }) : () -> ()
      %scan3A_18 = arith.constant 0 : i32
      %scan3A_19 = arith.constant 25 : i32
      %scan3A_20 = arith.addi %scan3A_18, %scan3A_19 : i32
      %scan3A_21 = arith.constant 1 : i32
      scf.for %scan3A_23 = %scan3A_18 to %scan3A_20 step %scan3A_21  : i32 {
        %mul3A_24 = arith.constant 16 : i32
        %mul3A_25 = arith.muli %scan3A_23, %mul3A_24 : i32
        %broadcast_in_dim3A_26 = arith.constant 0.000000e+00 : f32
        %broadcast_in_dim3A_27 = vector.broadcast %broadcast_in_dim3A_26 : f32 to vector<16xf32>
        %broadcast_in_dim3A_28 = arith.constant 0.000000e+00 : f32
        %broadcast_in_dim3A_29 = vector.broadcast %broadcast_in_dim3A_28 : f32 to vector<16xf32>
        %broadcast_in_dim3A_30 = arith.constant 0.000000e+00 : f32
        %broadcast_in_dim3A_31 = vector.broadcast %broadcast_in_dim3A_30 : f32 to vector<16xf32>
        %broadcast_in_dim3A_32 = arith.constant 0.000000e+00 : f32
        %broadcast_in_dim3A_33 = vector.broadcast %broadcast_in_dim3A_32 : f32 to vector<16xf32>
        %get3A = arith.constant 0 : i32
        %get3A_34 = arith.index_cast %get3A : i32 to index
        %get3A_35 = arith.index_cast %mul3A_25 : i32 to index
        %get3A_36 = tpu.vector_load %arg8[%get3A_34, %get3A_35] {strides = array<i32>} : memref<32x400xi32, #tpu.memory_space<vmem>>, vector<16xi32>,
        %gather3A = tpu.vector_load_idx %arg6[%broadcast_in_dim3A_1, %get3A_36] : memref<4x10000xf32, #tpu.memory_space<vmem>>[vector<16xi32>, vector<16xi32>], vector<16xf32>,
        %add3A_37 = arith.addf %broadcast_in_dim3A_27, %gather3A : vector<16xf32>
        %gather3A_38 = tpu.vector_load_idx %arg6[%broadcast_in_dim3A_3, %get3A_36] : memref<4x10000xf32, #tpu.memory_space<vmem>>[vector<16xi32>, vector<16xi32>], vector<16xf32>,
        %add3A_39 = arith.addf %broadcast_in_dim3A_29, %gather3A_38 : vector<16xf32>
        %gather3A_40 = tpu.vector_load_idx %arg6[%broadcast_in_dim3A_5, %get3A_36] : memref<4x10000xf32, #tpu.memory_space<vmem>>[vector<16xi32>, vector<16xi32>], vector<16xf32>,
        %add3A_41 = arith.addf %broadcast_in_dim3A_31, %gather3A_40 : vector<16xf32>
        %gather3A_42 = tpu.vector_load_idx %arg6[%broadcast_in_dim3A_7, %get3A_36] : memref<4x10000xf32, #tpu.memory_space<vmem>>[vector<16xi32>, vector<16xi32>], vector<16xf32>,
        %add3A_43 = arith.addf %broadcast_in_dim3A_33, %gather3A_42 : vector<16xf32>
        %get3A_44 = arith.constant 1 : i32
        %get3A_45 = arith.index_cast %get3A_44 : i32 to index
        %get3A_46 = arith.index_cast %mul3A_25 : i32 to index
        %get3A_47 = tpu.vector_load %arg8[%get3A_45, %get3A_46] {strides = array<i32>} : memref<32x400xi32, #tpu.memory_space<vmem>>, vector<16xi32>,
        %gather3A_48 = tpu.vector_load_idx %arg6[%broadcast_in_dim3A_1, %get3A_47] : memref<4x10000xf32, #tpu.memory_space<vmem>>[vector<16xi32>, vector<16xi32>], vector<16xf32>,
        %add3A_49 = arith.addf %add3A_37, %gather3A_48 : vector<16xf32>
        %gather3A_50 = tpu.vector_load_idx %arg6[%broadcast_in_dim3A_3, %get3A_47] : memref<4x10000xf32, #tpu.memory_space<vmem>>[vector<16xi32>, vector<16xi32>], vector<16xf32>,
        %add3A_51 = arith.addf %add3A_39, %gather3A_50 : vector<16xf32>
        %gather3A_52 = tpu.vector_load_idx %arg6[%broadcast_in_dim3A_5, %get3A_47] : memref<4x10000xf32, #tpu.memory_space<vmem>>[vector<16xi32>, vector<16xi32>], vector<16xf32>,
        %add3A_53 = arith.addf %add3A_41, %gather3A_52 : vector<16xf32>
        %gather3A_54 = tpu.vector_load_idx %arg6[%broadcast_in_dim3A_7, %get3A_47] : memref<4x10000xf32, #tpu.memory_space<vmem>>[vector<16xi32>, vector<16xi32>], vector<16xf32>,
        %add3A_55 = arith.addf %add3A_43, %gather3A_54 : vector<16xf32>
        %get3A_56 = arith.constant 2 : i32
        %get3A_57 = arith.index_cast %get3A_56 : i32 to index
        %get3A_58 = arith.index_cast %mul3A_25 : i32 to index
        %get3A_59 = tpu.vector_load %arg8[%get3A_57, %get3A_58] {strides = array<i32>} : memref<32x400xi32, #tpu.memory_space<vmem>>, vector<16xi32>,
        %gather3A_60 = tpu.vector_load_idx %arg6[%broadcast_in_dim3A_1, %get3A_59] : memref<4x10000xf32, #tpu.memory_space<vmem>>[vector<16xi32>, vector<16xi32>], vector<16xf32>,
        %add3A_61 = arith.addf %add3A_49, %gather3A_60 : vector<16xf32>
        %gather3A_62 = tpu.vector_load_idx %arg6[%broadcast_in_dim3A_3, %get3A_59] : memref<4x10000xf32, #tpu.memory_space<vmem>>[vector<16xi32>, vector<16xi32>], vector<16xf32>,
        %add3A_63 = arith.addf %add3A_51, %gather3A_62 : vector<16xf32>
        %gather3A_64 = tpu.vector_load_idx %arg6[%broadcast_in_dim3A_5, %get3A_59] : memref<4x10000xf32, #tpu.memory_space<vmem>>[vector<16xi32>, vector<16xi32>], vector<16xf32>,
        %add3A_65 = arith.addf %add3A_53, %gather3A_64 : vector<16xf32>
        %gather3A_66 = tpu.vector_load_idx %arg6[%broadcast_in_dim3A_7, %get3A_59] : memref<4x10000xf32, #tpu.memory_space<vmem>>[vector<16xi32>, vector<16xi32>], vector<16xf32>,
        %add3A_67 = arith.addf %add3A_55, %gather3A_66 : vector<16xf32>
        %get3A_68 = arith.constant 3 : i32
        %get3A_69 = arith.index_cast %get3A_68 : i32 to index
        %get3A_70 = arith.index_cast %mul3A_25 : i32 to index
        %get3A_71 = tpu.vector_load %arg8[%get3A_69, %get3A_70] {strides = array<i32>} : memref<32x400xi32, #tpu.memory_space<vmem>>, vector<16xi32>,
        %gather3A_72 = tpu.vector_load_idx %arg6[%broadcast_in_dim3A_1, %get3A_71] : memref<4x10000xf32, #tpu.memory_space<vmem>>[vector<16xi32>, vector<16xi32>], vector<16xf32>,
        %add3A_73 = arith.addf %add3A_61, %gather3A_72 : vector<16xf32>
        %gather3A_74 = tpu.vector_load_idx %arg6[%broadcast_in_dim3A_3, %get3A_71] : memref<4x10000xf32, #tpu.memory_space<vmem>>[vector<16xi32>, vector<16xi32>], vector<16xf32>,
        %add3A_75 = arith.addf %add3A_63, %gather3A_74 : vector<16xf32>
        %gather3A_76 = tpu.vector_load_idx %arg6[%broadcast_in_dim3A_5, %get3A_71] : memref<4x10000xf32, #tpu.memory_space<vmem>>[vector<16xi32>, vector<16xi32>], vector<16xf32>,
        %add3A_77 = arith.addf %add3A_65, %gather3A_76 : vector<16xf32>
        %gather3A_78 = tpu.vector_load_idx %arg6[%broadcast_in_dim3A_7, %get3A_71] : memref<4x10000xf32, #tpu.memory_space<vmem>>[vector<16xi32>, vector<16xi32>], vector<16xf32>,
        %add3A_79 = arith.addf %add3A_67, %gather3A_78 : vector<16xf32>
        %get3A_80 = arith.constant 4 : i32
        %get3A_81 = arith.index_cast %get3A_80 : i32 to index
        %get3A_82 = arith.index_cast %mul3A_25 : i32 to index
        %get3A_83 = tpu.vector_load %arg8[%get3A_81, %get3A_82] {strides = array<i32>} : memref<32x400xi32, #tpu.memory_space<vmem>>, vector<16xi32>,
        %gather3A_84 = tpu.vector_load_idx %arg6[%broadcast_in_dim3A_1, %get3A_83] : memref<4x10000xf32, #tpu.memory_space<vmem>>[vector<16xi32>, vector<16xi32>], vector<16xf32>,
        %add3A_85 = arith.addf %add3A_73, %gather3A_84 : vector<16xf32>
        %gather3A_86 = tpu.vector_load_idx %arg6[%broadcast_in_dim3A_3, %get3A_83] : memref<4x10000xf32, #tpu.memory_space<vmem>>[vector<16xi32>, vector<16xi32>], vector<16xf32>,
        %add3A_87 = arith.addf %add3A_75, %gather3A_86 : vector<16xf32>
        %gather3A_88 = tpu.vector_load_idx %arg6[%broadcast_in_dim3A_5, %get3A_83] : memref<4x10000xf32, #tpu.memory_space<vmem>>[vector<16xi32>, vector<16xi32>], vector<16xf32>,
        %add3A_89 = arith.addf %add3A_77, %gather3A_88 : vector<16xf32>
        %gather3A_90 = tpu.vector_load_idx %arg6[%broadcast_in_dim3A_7, %get3A_83] : memref<4x10000xf32, #tpu.memory_space<vmem>>[vector<16xi32>, vector<16xi32>], vector<16xf32>,
        %add3A_91 = arith.addf %add3A_79, %gather3A_90 : vector<16xf32>
        %get3A_92 = arith.constant 5 : i32
        %get3A_93 = arith.index_cast %get3A_92 : i32 to index
        %get3A_94 = arith.index_cast %mul3A_25 : i32 to index
        %get3A_95 = tpu.vector_load %arg8[%get3A_93, %get3A_94] {strides = array<i32>} : memref<32x400xi32, #tpu.memory_space<vmem>>, vector<16xi32>,
        %gather3A_96 = tpu.vector_load_idx %arg6[%broadcast_in_dim3A_1, %get3A_95] : memref<4x10000xf32, #tpu.memory_space<vmem>>[vector<16xi32>, vector<16xi32>], vector<16xf32>,
        %add3A_97 = arith.addf %add3A_85, %gather3A_96 : vector<16xf32>
        %gather3A_98 = tpu.vector_load_idx %arg6[%broadcast_in_dim3A_3, %get3A_95] : memref<4x10000xf32, #tpu.memory_space<vmem>>[vector<16xi32>, vector<16xi32>], vector<16xf32>,
        %add3A_99 = arith.addf %add3A_87, %gather3A_98 : vector<16xf32>
        %gather3A_100 = tpu.vector_load_idx %arg6[%broadcast_in_dim3A_5, %get3A_95] : memref<4x10000xf32, #tpu.memory_space<vmem>>[vector<16xi32>, vector<16xi32>], vector<16xf32>,
        %add3A_101 = arith.addf %add3A_89, %gather3A_100 : vector<16xf32>
        %gather3A_102 = tpu.vector_load_idx %arg6[%broadcast_in_dim3A_7, %get3A_95] : memref<4x10000xf32, #tpu.memory_space<vmem>>[vector<16xi32>, vector<16xi32>], vector<16xf32>,
        %add3A_103 = arith.addf %add3A_91, %gather3A_102 : vector<16xf32>
        %get3A_104 = arith.constant 6 : i32
        %get3A_105 = arith.index_cast %get3A_104 : i32 to index
        %get3A_106 = arith.index_cast %mul3A_25 : i32 to index
        %get3A_107 = tpu.vector_load %arg8[%get3A_105, %get3A_106] {strides = array<i32>} : memref<32x400xi32, #tpu.memory_space<vmem>>, vector<16xi32>,
        %gather3A_108 = tpu.vector_load_idx %arg6[%broadcast_in_dim3A_1, %get3A_107] : memref<4x10000xf32, #tpu.memory_space<vmem>>[vector<16xi32>, vector<16xi32>], vector<16xf32>,
        %add3A_109 = arith.addf %add3A_97, %gather3A_108 : vector<16xf32>
        %gather3A_110 = tpu.vector_load_idx %arg6[%broadcast_in_dim3A_3, %get3A_107] : memref<4x10000xf32, #tpu.memory_space<vmem>>[vector<16xi32>, vector<16xi32>], vector<16xf32>,
        %add3A_111 = arith.addf %add3A_99, %gather3A_110 : vector<16xf32>
        %gather3A_112 = tpu.vector_load_idx %arg6[%broadcast_in_dim3A_5, %get3A_107] : memref<4x10000xf32, #tpu.memory_space<vmem>>[vector<16xi32>, vector<16xi32>], vector<16xf32>,
        %add3A_113 = arith.addf %add3A_101, %gather3A_112 : vector<16xf32>
        %gather3A_114 = tpu.vector_load_idx %arg6[%broadcast_in_dim3A_7, %get3A_107] : memref<4x10000xf32, #tpu.memory_space<vmem>>[vector<16xi32>, vector<16xi32>], vector<16xf32>,
        %add3A_115 = arith.addf %add3A_103, %gather3A_114 : vector<16xf32>
        %get3A_116 = arith.constant 7 : i32
        %get3A_117 = arith.index_cast %get3A_116 : i32 to index
        %get3A_118 = arith.index_cast %mul3A_25 : i32 to index
        %get3A_119 = tpu.vector_load %arg8[%get3A_117, %get3A_118] {strides = array<i32>} : memref<32x400xi32, #tpu.memory_space<vmem>>, vector<16xi32>,
        %gather3A_120 = tpu.vector_load_idx %arg6[%broadcast_in_dim3A_1, %get3A_119] : memref<4x10000xf32, #tpu.memory_space<vmem>>[vector<16xi32>, vector<16xi32>], vector<16xf32>,
        %add3A_121 = arith.addf %add3A_109, %gather3A_120 : vector<16xf32>
        %gather3A_122 = tpu.vector_load_idx %arg6[%broadcast_in_dim3A_3, %get3A_119] : memref<4x10000xf32, #tpu.memory_space<vmem>>[vector<16xi32>, vector<16xi32>], vector<16xf32>,
        %add3A_123 = arith.addf %add3A_111, %gather3A_122 : vector<16xf32>
        %gather3A_124 = tpu.vector_load_idx %arg6[%broadcast_in_dim3A_5, %get3A_119] : memref<4x10000xf32, #tpu.memory_space<vmem>>[vector<16xi32>, vector<16xi32>], vector<16xf32>,
        %add3A_125 = arith.addf %add3A_113, %gather3A_124 : vector<16xf32>
        %gather3A_126 = tpu.vector_load_idx %arg6[%broadcast_in_dim3A_7, %get3A_119] : memref<4x10000xf32, #tpu.memory_space<vmem>>[vector<16xi32>, vector<16xi32>], vector<16xf32>,
        %add3A_127 = arith.addf %add3A_115, %gather3A_126 : vector<16xf32>
        %get3A_128 = arith.constant 8 : i32
        %get3A_129 = arith.index_cast %get3A_128 : i32 to index
        %get3A_130 = arith.index_cast %mul3A_25 : i32 to index
        %get3A_131 = tpu.vector_load %arg8[%get3A_129, %get3A_130] {strides = array<i32>} : memref<32x400xi32, #tpu.memory_space<vmem>>, vector<16xi32>,
        %gather3A_132 = tpu.vector_load_idx %arg6[%broadcast_in_dim3A_1, %get3A_131] : memref<4x10000xf32, #tpu.memory_space<vmem>>[vector<16xi32>, vector<16xi32>], vector<16xf32>,
        %add3A_133 = arith.addf %add3A_121, %gather3A_132 : vector<16xf32>
        %gather3A_134 = tpu.vector_load_idx %arg6[%broadcast_in_dim3A_3, %get3A_131] : memref<4x10000xf32, #tpu.memory_space<vmem>>[vector<16xi32>, vector<16xi32>], vector<16xf32>,
        %add3A_135 = arith.addf %add3A_123, %gather3A_134 : vector<16xf32>
        %gather3A_136 = tpu.vector_load_idx %arg6[%broadcast_in_dim3A_5, %get3A_131] : memref<4x10000xf32, #tpu.memory_space<vmem>>[vector<16xi32>, vector<16xi32>], vector<16xf32>,
        %add3A_137 = arith.addf %add3A_125, %gather3A_136 : vector<16xf32>
        %gather3A_138 = tpu.vector_load_idx %arg6[%broadcast_in_dim3A_7, %get3A_131] : memref<4x10000xf32, #tpu.memory_space<vmem>>[vector<16xi32>, vector<16xi32>], vector<16xf32>,
        %add3A_139 = arith.addf %add3A_127, %gather3A_138 : vector<16xf32>
        %get3A_140 = arith.constant 9 : i32
        %get3A_141 = arith.index_cast %get3A_140 : i32 to index
        %get3A_142 = arith.index_cast %mul3A_25 : i32 to index
        %get3A_143 = tpu.vector_load %arg8[%get3A_141, %get3A_142] {strides = array<i32>} : memref<32x400xi32, #tpu.memory_space<vmem>>, vector<16xi32>,
        %gather3A_144 = tpu.vector_load_idx %arg6[%broadcast_in_dim3A_1, %get3A_143] : memref<4x10000xf32, #tpu.memory_space<vmem>>[vector<16xi32>, vector<16xi32>], vector<16xf32>,
        %add3A_145 = arith.addf %add3A_133, %gather3A_144 : vector<16xf32>
        %gather3A_146 = tpu.vector_load_idx %arg6[%broadcast_in_dim3A_3, %get3A_143] : memref<4x10000xf32, #tpu.memory_space<vmem>>[vector<16xi32>, vector<16xi32>], vector<16xf32>,
        %add3A_147 = arith.addf %add3A_135, %gather3A_146 : vector<16xf32>
        %gather3A_148 = tpu.vector_load_idx %arg6[%broadcast_in_dim3A_5, %get3A_143] : memref<4x10000xf32, #tpu.memory_space<vmem>>[vector<16xi32>, vector<16xi32>], vector<16xf32>,
        %add3A_149 = arith.addf %add3A_137, %gather3A_148 : vector<16xf32>
        %gather3A_150 = tpu.vector_load_idx %arg6[%broadcast_in_dim3A_7, %get3A_143] : memref<4x10000xf32, #tpu.memory_space<vmem>>[vector<16xi32>, vector<16xi32>], vector<16xf32>,
        %add3A_151 = arith.addf %add3A_139, %gather3A_150 : vector<16xf32>
        %get3A_152 = arith.constant 10 : i32
        %get3A_153 = arith.index_cast %get3A_152 : i32 to index
        %get3A_154 = arith.index_cast %mul3A_25 : i32 to index
        %get3A_155 = tpu.vector_load %arg8[%get3A_153, %get3A_154] {strides = array<i32>} : memref<32x400xi32, #tpu.memory_space<vmem>>, vector<16xi32>,
        %gather3A_156 = tpu.vector_load_idx %arg6[%broadcast_in_dim3A_1, %get3A_155] : memref<4x10000xf32, #tpu.memory_space<vmem>>[vector<16xi32>, vector<16xi32>], vector<16xf32>,
        %add3A_157 = arith.addf %add3A_145, %gather3A_156 : vector<16xf32>
        %gather3A_158 = tpu.vector_load_idx %arg6[%broadcast_in_dim3A_3, %get3A_155] : memref<4x10000xf32, #tpu.memory_space<vmem>>[vector<16xi32>, vector<16xi32>], vector<16xf32>,
        %add3A_159 = arith.addf %add3A_147, %gather3A_158 : vector<16xf32>
        %gather3A_160 = tpu.vector_load_idx %arg6[%broadcast_in_dim3A_5, %get3A_155] : memref<4x10000xf32, #tpu.memory_space<vmem>>[vector<16xi32>, vector<16xi32>], vector<16xf32>,
        %add3A_161 = arith.addf %add3A_149, %gather3A_160 : vector<16xf32>
        %gather3A_162 = tpu.vector_load_idx %arg6[%broadcast_in_dim3A_7, %get3A_155] : memref<4x10000xf32, #tpu.memory_space<vmem>>[vector<16xi32>, vector<16xi32>], vector<16xf32>,
        %add3A_163 = arith.addf %add3A_151, %gather3A_162 : vector<16xf32>
        %get3A_164 = arith.constant 11 : i32
        %get3A_165 = arith.index_cast %get3A_164 : i32 to index
        %get3A_166 = arith.index_cast %mul3A_25 : i32 to index
        %get3A_167 = tpu.vector_load %arg8[%get3A_165, %get3A_166] {strides = array<i32>} : memref<32x400xi32, #tpu.memory_space<vmem>>, vector<16xi32>,
        %gather3A_168 = tpu.vector_load_idx %arg6[%broadcast_in_dim3A_1, %get3A_167] : memref<4x10000xf32, #tpu.memory_space<vmem>>[vector<16xi32>, vector<16xi32>], vector<16xf32>,
        %add3A_169 = arith.addf %add3A_157, %gather3A_168 : vector<16xf32>
        %gather3A_170 = tpu.vector_load_idx %arg6[%broadcast_in_dim3A_3, %get3A_167] : memref<4x10000xf32, #tpu.memory_space<vmem>>[vector<16xi32>, vector<16xi32>], vector<16xf32>,
        %add3A_171 = arith.addf %add3A_159, %gather3A_170 : vector<16xf32>
        %gather3A_172 = tpu.vector_load_idx %arg6[%broadcast_in_dim3A_5, %get3A_167] : memref<4x10000xf32, #tpu.memory_space<vmem>>[vector<16xi32>, vector<16xi32>], vector<16xf32>,
        %add3A_173 = arith.addf %add3A_161, %gather3A_172 : vector<16xf32>
        %gather3A_174 = tpu.vector_load_idx %arg6[%broadcast_in_dim3A_7, %get3A_167] : memref<4x10000xf32, #tpu.memory_space<vmem>>[vector<16xi32>, vector<16xi32>], vector<16xf32>,
        %add3A_175 = arith.addf %add3A_163, %gather3A_174 : vector<16xf32>
        %get3A_176 = arith.constant 12 : i32
        %get3A_177 = arith.index_cast %get3A_176 : i32 to index
        %get3A_178 = arith.index_cast %mul3A_25 : i32 to index
        %get3A_179 = tpu.vector_load %arg8[%get3A_177, %get3A_178] {strides = array<i32>} : memref<32x400xi32, #tpu.memory_space<vmem>>, vector<16xi32>,
        %gather3A_180 = tpu.vector_load_idx %arg6[%broadcast_in_dim3A_1, %get3A_179] : memref<4x10000xf32, #tpu.memory_space<vmem>>[vector<16xi32>, vector<16xi32>], vector<16xf32>,
        %add3A_181 = arith.addf %add3A_169, %gather3A_180 : vector<16xf32>
        %gather3A_182 = tpu.vector_load_idx %arg6[%broadcast_in_dim3A_3, %get3A_179] : memref<4x10000xf32, #tpu.memory_space<vmem>>[vector<16xi32>, vector<16xi32>], vector<16xf32>,
        %add3A_183 = arith.addf %add3A_171, %gather3A_182 : vector<16xf32>
        %gather3A_184 = tpu.vector_load_idx %arg6[%broadcast_in_dim3A_5, %get3A_179] : memref<4x10000xf32, #tpu.memory_space<vmem>>[vector<16xi32>, vector<16xi32>], vector<16xf32>,
        %add3A_185 = arith.addf %add3A_173, %gather3A_184 : vector<16xf32>
        %gather3A_186 = tpu.vector_load_idx %arg6[%broadcast_in_dim3A_7, %get3A_179] : memref<4x10000xf32, #tpu.memory_space<vmem>>[vector<16xi32>, vector<16xi32>], vector<16xf32>,
        %add3A_187 = arith.addf %add3A_175, %gather3A_186 : vector<16xf32>
        %get3A_188 = arith.constant 13 : i32
        %get3A_189 = arith.index_cast %get3A_188 : i32 to index
        %get3A_190 = arith.index_cast %mul3A_25 : i32 to index
        %get3A_191 = tpu.vector_load %arg8[%get3A_189, %get3A_190] {strides = array<i32>} : memref<32x400xi32, #tpu.memory_space<vmem>>, vector<16xi32>,
        %gather3A_192 = tpu.vector_load_idx %arg6[%broadcast_in_dim3A_1, %get3A_191] : memref<4x10000xf32, #tpu.memory_space<vmem>>[vector<16xi32>, vector<16xi32>], vector<16xf32>,
        %add3A_193 = arith.addf %add3A_181, %gather3A_192 : vector<16xf32>
        %gather3A_194 = tpu.vector_load_idx %arg6[%broadcast_in_dim3A_3, %get3A_191] : memref<4x10000xf32, #tpu.memory_space<vmem>>[vector<16xi32>, vector<16xi32>], vector<16xf32>,
        %add3A_195 = arith.addf %add3A_183, %gather3A_194 : vector<16xf32>
        %gather3A_196 = tpu.vector_load_idx %arg6[%broadcast_in_dim3A_5, %get3A_191] : memref<4x10000xf32, #tpu.memory_space<vmem>>[vector<16xi32>, vector<16xi32>], vector<16xf32>,
        %add3A_197 = arith.addf %add3A_185, %gather3A_196 : vector<16xf32>
        %gather3A_198 = tpu.vector_load_idx %arg6[%broadcast_in_dim3A_7, %get3A_191] : memref<4x10000xf32, #tpu.memory_space<vmem>>[vector<16xi32>, vector<16xi32>], vector<16xf32>,
        %add3A_199 = arith.addf %add3A_187, %gather3A_198 : vector<16xf32>
        %get3A_200 = arith.constant 14 : i32
        %get3A_201 = arith.index_cast %get3A_200 : i32 to index
        %get3A_202 = arith.index_cast %mul3A_25 : i32 to index
        %get3A_203 = tpu.vector_load %arg8[%get3A_201, %get3A_202] {strides = array<i32>} : memref<32x400xi32, #tpu.memory_space<vmem>>, vector<16xi32>,
        %gather3A_204 = tpu.vector_load_idx %arg6[%broadcast_in_dim3A_1, %get3A_203] : memref<4x10000xf32, #tpu.memory_space<vmem>>[vector<16xi32>, vector<16xi32>], vector<16xf32>,
        %add3A_205 = arith.addf %add3A_193, %gather3A_204 : vector<16xf32>
        %gather3A_206 = tpu.vector_load_idx %arg6[%broadcast_in_dim3A_3, %get3A_203] : memref<4x10000xf32, #tpu.memory_space<vmem>>[vector<16xi32>, vector<16xi32>], vector<16xf32>,
        %add3A_207 = arith.addf %add3A_195, %gather3A_206 : vector<16xf32>
        %gather3A_208 = tpu.vector_load_idx %arg6[%broadcast_in_dim3A_5, %get3A_203] : memref<4x10000xf32, #tpu.memory_space<vmem>>[vector<16xi32>, vector<16xi32>], vector<16xf32>,
        %add3A_209 = arith.addf %add3A_197, %gather3A_208 : vector<16xf32>
        %gather3A_210 = tpu.vector_load_idx %arg6[%broadcast_in_dim3A_7, %get3A_203] : memref<4x10000xf32, #tpu.memory_space<vmem>>[vector<16xi32>, vector<16xi32>], vector<16xf32>,
        %add3A_211 = arith.addf %add3A_199, %gather3A_210 : vector<16xf32>
        %get3A_212 = arith.constant 15 : i32
        %get3A_213 = arith.index_cast %get3A_212 : i32 to index
        %get3A_214 = arith.index_cast %mul3A_25 : i32 to index
        %get3A_215 = tpu.vector_load %arg8[%get3A_213, %get3A_214] {strides = array<i32>} : memref<32x400xi32, #tpu.memory_space<vmem>>, vector<16xi32>,
        %gather3A_216 = tpu.vector_load_idx %arg6[%broadcast_in_dim3A_1, %get3A_215] : memref<4x10000xf32, #tpu.memory_space<vmem>>[vector<16xi32>, vector<16xi32>], vector<16xf32>,
        %add3A_217 = arith.addf %add3A_205, %gather3A_216 : vector<16xf32>
        %gather3A_218 = tpu.vector_load_idx %arg6[%broadcast_in_dim3A_3, %get3A_215] : memref<4x10000xf32, #tpu.memory_space<vmem>>[vector<16xi32>, vector<16xi32>], vector<16xf32>,
        %add3A_219 = arith.addf %add3A_207, %gather3A_218 : vector<16xf32>
        %gather3A_220 = tpu.vector_load_idx %arg6[%broadcast_in_dim3A_5, %get3A_215] : memref<4x10000xf32, #tpu.memory_space<vmem>>[vector<16xi32>, vector<16xi32>], vector<16xf32>,
        %add3A_221 = arith.addf %add3A_209, %gather3A_220 : vector<16xf32>
        %gather3A_222 = tpu.vector_load_idx %arg6[%broadcast_in_dim3A_7, %get3A_215] : memref<4x10000xf32, #tpu.memory_space<vmem>>[vector<16xi32>, vector<16xi32>], vector<16xf32>,
        %add3A_223 = arith.addf %add3A_211, %gather3A_222 : vector<16xf32>
        %get3A_224 = arith.constant 16 : i32
        %get3A_225 = arith.index_cast %get3A_224 : i32 to index
        %get3A_226 = arith.index_cast %mul3A_25 : i32 to index
        %get3A_227 = tpu.vector_load %arg8[%get3A_225, %get3A_226] {strides = array<i32>} : memref<32x400xi32, #tpu.memory_space<vmem>>, vector<16xi32>,
        %gather3A_228 = tpu.vector_load_idx %arg6[%broadcast_in_dim3A_1, %get3A_227] : memref<4x10000xf32, #tpu.memory_space<vmem>>[vector<16xi32>, vector<16xi32>], vector<16xf32>,
        %add3A_229 = arith.addf %add3A_217, %gather3A_228 : vector<16xf32>
        %gather3A_230 = tpu.vector_load_idx %arg6[%broadcast_in_dim3A_3, %get3A_227] : memref<4x10000xf32, #tpu.memory_space<vmem>>[vector<16xi32>, vector<16xi32>], vector<16xf32>,
        %add3A_231 = arith.addf %add3A_219, %gather3A_230 : vector<16xf32>
        %gather3A_232 = tpu.vector_load_idx %arg6[%broadcast_in_dim3A_5, %get3A_227] : memref<4x10000xf32, #tpu.memory_space<vmem>>[vector<16xi32>, vector<16xi32>], vector<16xf32>,
        %add3A_233 = arith.addf %add3A_221, %gather3A_232 : vector<16xf32>
        %gather3A_234 = tpu.vector_load_idx %arg6[%broadcast_in_dim3A_7, %get3A_227] : memref<4x10000xf32, #tpu.memory_space<vmem>>[vector<16xi32>, vector<16xi32>], vector<16xf32>,
        %add3A_235 = arith.addf %add3A_223, %gather3A_234 : vector<16xf32>
        %get3A_236 = arith.constant 17 : i32
        %get3A_237 = arith.index_cast %get3A_236 : i32 to index
        %get3A_238 = arith.index_cast %mul3A_25 : i32 to index
        %get3A_239 = tpu.vector_load %arg8[%get3A_237, %get3A_238] {strides = array<i32>} : memref<32x400xi32, #tpu.memory_space<vmem>>, vector<16xi32>,
        %gather3A_240 = tpu.vector_load_idx %arg6[%broadcast_in_dim3A_1, %get3A_239] : memref<4x10000xf32, #tpu.memory_space<vmem>>[vector<16xi32>, vector<16xi32>], vector<16xf32>,
        %add3A_241 = arith.addf %add3A_229, %gather3A_240 : vector<16xf32>
        %gather3A_242 = tpu.vector_load_idx %arg6[%broadcast_in_dim3A_3, %get3A_239] : memref<4x10000xf32, #tpu.memory_space<vmem>>[vector<16xi32>, vector<16xi32>], vector<16xf32>,
        %add3A_243 = arith.addf %add3A_231, %gather3A_242 : vector<16xf32>
        %gather3A_244 = tpu.vector_load_idx %arg6[%broadcast_in_dim3A_5, %get3A_239] : memref<4x10000xf32, #tpu.memory_space<vmem>>[vector<16xi32>, vector<16xi32>], vector<16xf32>,
        %add3A_245 = arith.addf %add3A_233, %gather3A_244 : vector<16xf32>
        %gather3A_246 = tpu.vector_load_idx %arg6[%broadcast_in_dim3A_7, %get3A_239] : memref<4x10000xf32, #tpu.memory_space<vmem>>[vector<16xi32>, vector<16xi32>], vector<16xf32>,
        %add3A_247 = arith.addf %add3A_235, %gather3A_246 : vector<16xf32>
        %get3A_248 = arith.constant 18 : i32
        %get3A_249 = arith.index_cast %get3A_248 : i32 to index
        %get3A_250 = arith.index_cast %mul3A_25 : i32 to index
        %get3A_251 = tpu.vector_load %arg8[%get3A_249, %get3A_250] {strides = array<i32>} : memref<32x400xi32, #tpu.memory_space<vmem>>, vector<16xi32>,
        %gather3A_252 = tpu.vector_load_idx %arg6[%broadcast_in_dim3A_1, %get3A_251] : memref<4x10000xf32, #tpu.memory_space<vmem>>[vector<16xi32>, vector<16xi32>], vector<16xf32>,
        %add3A_253 = arith.addf %add3A_241, %gather3A_252 : vector<16xf32>
        %gather3A_254 = tpu.vector_load_idx %arg6[%broadcast_in_dim3A_3, %get3A_251] : memref<4x10000xf32, #tpu.memory_space<vmem>>[vector<16xi32>, vector<16xi32>], vector<16xf32>,
        %add3A_255 = arith.addf %add3A_243, %gather3A_254 : vector<16xf32>
        %gather3A_256 = tpu.vector_load_idx %arg6[%broadcast_in_dim3A_5, %get3A_251] : memref<4x10000xf32, #tpu.memory_space<vmem>>[vector<16xi32>, vector<16xi32>], vector<16xf32>,
        %add3A_257 = arith.addf %add3A_245, %gather3A_256 : vector<16xf32>
        %gather3A_258 = tpu.vector_load_idx %arg6[%broadcast_in_dim3A_7, %get3A_251] : memref<4x10000xf32, #tpu.memory_space<vmem>>[vector<16xi32>, vector<16xi32>], vector<16xf32>,
        %add3A_259 = arith.addf %add3A_247, %gather3A_258 : vector<16xf32>
        %get3A_260 = arith.constant 19 : i32
        %get3A_261 = arith.index_cast %get3A_260 : i32 to index
        %get3A_262 = arith.index_cast %mul3A_25 : i32 to index
        %get3A_263 = tpu.vector_load %arg8[%get3A_261, %get3A_262] {strides = array<i32>} : memref<32x400xi32, #tpu.memory_space<vmem>>, vector<16xi32>,
        %gather3A_264 = tpu.vector_load_idx %arg6[%broadcast_in_dim3A_1, %get3A_263] : memref<4x10000xf32, #tpu.memory_space<vmem>>[vector<16xi32>, vector<16xi32>], vector<16xf32>,
        %add3A_265 = arith.addf %add3A_253, %gather3A_264 : vector<16xf32>
        %gather3A_266 = tpu.vector_load_idx %arg6[%broadcast_in_dim3A_3, %get3A_263] : memref<4x10000xf32, #tpu.memory_space<vmem>>[vector<16xi32>, vector<16xi32>], vector<16xf32>,
        %add3A_267 = arith.addf %add3A_255, %gather3A_266 : vector<16xf32>
        %gather3A_268 = tpu.vector_load_idx %arg6[%broadcast_in_dim3A_5, %get3A_263] : memref<4x10000xf32, #tpu.memory_space<vmem>>[vector<16xi32>, vector<16xi32>], vector<16xf32>,
        %add3A_269 = arith.addf %add3A_257, %gather3A_268 : vector<16xf32>
        %gather3A_270 = tpu.vector_load_idx %arg6[%broadcast_in_dim3A_7, %get3A_263] : memref<4x10000xf32, #tpu.memory_space<vmem>>[vector<16xi32>, vector<16xi32>], vector<16xf32>,
        %add3A_271 = arith.addf %add3A_259, %gather3A_270 : vector<16xf32>
        %get3A_272 = arith.constant 20 : i32
        %get3A_273 = arith.index_cast %get3A_272 : i32 to index
        %get3A_274 = arith.index_cast %mul3A_25 : i32 to index
        %get3A_275 = tpu.vector_load %arg8[%get3A_273, %get3A_274] {strides = array<i32>} : memref<32x400xi32, #tpu.memory_space<vmem>>, vector<16xi32>,
        %gather3A_276 = tpu.vector_load_idx %arg6[%broadcast_in_dim3A_1, %get3A_275] : memref<4x10000xf32, #tpu.memory_space<vmem>>[vector<16xi32>, vector<16xi32>], vector<16xf32>,
        %add3A_277 = arith.addf %add3A_265, %gather3A_276 : vector<16xf32>
        %gather3A_278 = tpu.vector_load_idx %arg6[%broadcast_in_dim3A_3, %get3A_275] : memref<4x10000xf32, #tpu.memory_space<vmem>>[vector<16xi32>, vector<16xi32>], vector<16xf32>,
        %add3A_279 = arith.addf %add3A_267, %gather3A_278 : vector<16xf32>
        %gather3A_280 = tpu.vector_load_idx %arg6[%broadcast_in_dim3A_5, %get3A_275] : memref<4x10000xf32, #tpu.memory_space<vmem>>[vector<16xi32>, vector<16xi32>], vector<16xf32>,
        %add3A_281 = arith.addf %add3A_269, %gather3A_280 : vector<16xf32>
        %gather3A_282 = tpu.vector_load_idx %arg6[%broadcast_in_dim3A_7, %get3A_275] : memref<4x10000xf32, #tpu.memory_space<vmem>>[vector<16xi32>, vector<16xi32>], vector<16xf32>,
        %add3A_283 = arith.addf %add3A_271, %gather3A_282 : vector<16xf32>
        %get3A_284 = arith.constant 21 : i32
        %get3A_285 = arith.index_cast %get3A_284 : i32 to index
        %get3A_286 = arith.index_cast %mul3A_25 : i32 to index
        %get3A_287 = tpu.vector_load %arg8[%get3A_285, %get3A_286] {strides = array<i32>} : memref<32x400xi32, #tpu.memory_space<vmem>>, vector<16xi32>,
        %gather3A_288 = tpu.vector_load_idx %arg6[%broadcast_in_dim3A_1, %get3A_287] : memref<4x10000xf32, #tpu.memory_space<vmem>>[vector<16xi32>, vector<16xi32>], vector<16xf32>,
        %add3A_289 = arith.addf %add3A_277, %gather3A_288 : vector<16xf32>
        %gather3A_290 = tpu.vector_load_idx %arg6[%broadcast_in_dim3A_3, %get3A_287] : memref<4x10000xf32, #tpu.memory_space<vmem>>[vector<16xi32>, vector<16xi32>], vector<16xf32>,
        %add3A_291 = arith.addf %add3A_279, %gather3A_290 : vector<16xf32>
        %gather3A_292 = tpu.vector_load_idx %arg6[%broadcast_in_dim3A_5, %get3A_287] : memref<4x10000xf32, #tpu.memory_space<vmem>>[vector<16xi32>, vector<16xi32>], vector<16xf32>,
        %add3A_293 = arith.addf %add3A_281, %gather3A_292 : vector<16xf32>
        %gather3A_294 = tpu.vector_load_idx %arg6[%broadcast_in_dim3A_7, %get3A_287] : memref<4x10000xf32, #tpu.memory_space<vmem>>[vector<16xi32>, vector<16xi32>], vector<16xf32>,
        %add3A_295 = arith.addf %add3A_283, %gather3A_294 : vector<16xf32>
        %get3A_296 = arith.constant 22 : i32
        %get3A_297 = arith.index_cast %get3A_296 : i32 to index
        %get3A_298 = arith.index_cast %mul3A_25 : i32 to index
        %get3A_299 = tpu.vector_load %arg8[%get3A_297, %get3A_298] {strides = array<i32>} : memref<32x400xi32, #tpu.memory_space<vmem>>, vector<16xi32>,
        %gather3A_300 = tpu.vector_load_idx %arg6[%broadcast_in_dim3A_1, %get3A_299] : memref<4x10000xf32, #tpu.memory_space<vmem>>[vector<16xi32>, vector<16xi32>], vector<16xf32>,
        %add3A_301 = arith.addf %add3A_289, %gather3A_300 : vector<16xf32>
        %gather3A_302 = tpu.vector_load_idx %arg6[%broadcast_in_dim3A_3, %get3A_299] : memref<4x10000xf32, #tpu.memory_space<vmem>>[vector<16xi32>, vector<16xi32>], vector<16xf32>,
        %add3A_303 = arith.addf %add3A_291, %gather3A_302 : vector<16xf32>
        %gather3A_304 = tpu.vector_load_idx %arg6[%broadcast_in_dim3A_5, %get3A_299] : memref<4x10000xf32, #tpu.memory_space<vmem>>[vector<16xi32>, vector<16xi32>], vector<16xf32>,
        %add3A_305 = arith.addf %add3A_293, %gather3A_304 : vector<16xf32>
        %gather3A_306 = tpu.vector_load_idx %arg6[%broadcast_in_dim3A_7, %get3A_299] : memref<4x10000xf32, #tpu.memory_space<vmem>>[vector<16xi32>, vector<16xi32>], vector<16xf32>,
        %add3A_307 = arith.addf %add3A_295, %gather3A_306 : vector<16xf32>
        %get3A_308 = arith.constant 23 : i32
        %get3A_309 = arith.index_cast %get3A_308 : i32 to index
        %get3A_310 = arith.index_cast %mul3A_25 : i32 to index
        %get3A_311 = tpu.vector_load %arg8[%get3A_309, %get3A_310] {strides = array<i32>} : memref<32x400xi32, #tpu.memory_space<vmem>>, vector<16xi32>,
        %gather3A_312 = tpu.vector_load_idx %arg6[%broadcast_in_dim3A_1, %get3A_311] : memref<4x10000xf32, #tpu.memory_space<vmem>>[vector<16xi32>, vector<16xi32>], vector<16xf32>,
        %add3A_313 = arith.addf %add3A_301, %gather3A_312 : vector<16xf32>
        %gather3A_314 = tpu.vector_load_idx %arg6[%broadcast_in_dim3A_3, %get3A_311] : memref<4x10000xf32, #tpu.memory_space<vmem>>[vector<16xi32>, vector<16xi32>], vector<16xf32>,
        %add3A_315 = arith.addf %add3A_303, %gather3A_314 : vector<16xf32>
        %gather3A_316 = tpu.vector_load_idx %arg6[%broadcast_in_dim3A_5, %get3A_311] : memref<4x10000xf32, #tpu.memory_space<vmem>>[vector<16xi32>, vector<16xi32>], vector<16xf32>,
        %add3A_317 = arith.addf %add3A_305, %gather3A_316 : vector<16xf32>
        %gather3A_318 = tpu.vector_load_idx %arg6[%broadcast_in_dim3A_7, %get3A_311] : memref<4x10000xf32, #tpu.memory_space<vmem>>[vector<16xi32>, vector<16xi32>], vector<16xf32>,
        %add3A_319 = arith.addf %add3A_307, %gather3A_318 : vector<16xf32>
        %get3A_320 = arith.constant 24 : i32
        %get3A_321 = arith.index_cast %get3A_320 : i32 to index
        %get3A_322 = arith.index_cast %mul3A_25 : i32 to index
        %get3A_323 = tpu.vector_load %arg8[%get3A_321, %get3A_322] {strides = array<i32>} : memref<32x400xi32, #tpu.memory_space<vmem>>, vector<16xi32>,
        %gather3A_324 = tpu.vector_load_idx %arg6[%broadcast_in_dim3A_1, %get3A_323] : memref<4x10000xf32, #tpu.memory_space<vmem>>[vector<16xi32>, vector<16xi32>], vector<16xf32>,
        %add3A_325 = arith.addf %add3A_313, %gather3A_324 : vector<16xf32>
        %gather3A_326 = tpu.vector_load_idx %arg6[%broadcast_in_dim3A_3, %get3A_323] : memref<4x10000xf32, #tpu.memory_space<vmem>>[vector<16xi32>, vector<16xi32>], vector<16xf32>,
        %add3A_327 = arith.addf %add3A_315, %gather3A_326 : vector<16xf32>
        %gather3A_328 = tpu.vector_load_idx %arg6[%broadcast_in_dim3A_5, %get3A_323] : memref<4x10000xf32, #tpu.memory_space<vmem>>[vector<16xi32>, vector<16xi32>], vector<16xf32>,
        %add3A_329 = arith.addf %add3A_317, %gather3A_328 : vector<16xf32>
        %gather3A_330 = tpu.vector_load_idx %arg6[%broadcast_in_dim3A_7, %get3A_323] : memref<4x10000xf32, #tpu.memory_space<vmem>>[vector<16xi32>, vector<16xi32>], vector<16xf32>,
        %add3A_331 = arith.addf %add3A_319, %gather3A_330 : vector<16xf32>
        %get3A_332 = arith.constant 25 : i32
        %get3A_333 = arith.index_cast %get3A_332 : i32 to index
        %get3A_334 = arith.index_cast %mul3A_25 : i32 to index
        %get3A_335 = tpu.vector_load %arg8[%get3A_333, %get3A_334] {strides = array<i32>} : memref<32x400xi32, #tpu.memory_space<vmem>>, vector<16xi32>,
        %gather3A_336 = tpu.vector_load_idx %arg6[%broadcast_in_dim3A_1, %get3A_335] : memref<4x10000xf32, #tpu.memory_space<vmem>>[vector<16xi32>, vector<16xi32>], vector<16xf32>,
        %add3A_337 = arith.addf %add3A_325, %gather3A_336 : vector<16xf32>
        %gather3A_338 = tpu.vector_load_idx %arg6[%broadcast_in_dim3A_3, %get3A_335] : memref<4x10000xf32, #tpu.memory_space<vmem>>[vector<16xi32>, vector<16xi32>], vector<16xf32>,
        %add3A_339 = arith.addf %add3A_327, %gather3A_338 : vector<16xf32>
        %gather3A_340 = tpu.vector_load_idx %arg6[%broadcast_in_dim3A_5, %get3A_335] : memref<4x10000xf32, #tpu.memory_space<vmem>>[vector<16xi32>, vector<16xi32>], vector<16xf32>,
        %add3A_341 = arith.addf %add3A_329, %gather3A_340 : vector<16xf32>
        %gather3A_342 = tpu.vector_load_idx %arg6[%broadcast_in_dim3A_7, %get3A_335] : memref<4x10000xf32, #tpu.memory_space<vmem>>[vector<16xi32>, vector<16xi32>], vector<16xf32>,
        %add3A_343 = arith.addf %add3A_331, %gather3A_342 : vector<16xf32>
        %get3A_344 = arith.constant 26 : i32
        %get3A_345 = arith.index_cast %get3A_344 : i32 to index
        %get3A_346 = arith.index_cast %mul3A_25 : i32 to index
        %get3A_347 = tpu.vector_load %arg8[%get3A_345, %get3A_346] {strides = array<i32>} : memref<32x400xi32, #tpu.memory_space<vmem>>, vector<16xi32>,
        %gather3A_348 = tpu.vector_load_idx %arg6[%broadcast_in_dim3A_1, %get3A_347] : memref<4x10000xf32, #tpu.memory_space<vmem>>[vector<16xi32>, vector<16xi32>], vector<16xf32>,
        %add3A_349 = arith.addf %add3A_337, %gather3A_348 : vector<16xf32>
        %gather3A_350 = tpu.vector_load_idx %arg6[%broadcast_in_dim3A_3, %get3A_347] : memref<4x10000xf32, #tpu.memory_space<vmem>>[vector<16xi32>, vector<16xi32>], vector<16xf32>,
        %add3A_351 = arith.addf %add3A_339, %gather3A_350 : vector<16xf32>
        %gather3A_352 = tpu.vector_load_idx %arg6[%broadcast_in_dim3A_5, %get3A_347] : memref<4x10000xf32, #tpu.memory_space<vmem>>[vector<16xi32>, vector<16xi32>], vector<16xf32>,
        %add3A_353 = arith.addf %add3A_341, %gather3A_352 : vector<16xf32>
        %gather3A_354 = tpu.vector_load_idx %arg6[%broadcast_in_dim3A_7, %get3A_347] : memref<4x10000xf32, #tpu.memory_space<vmem>>[vector<16xi32>, vector<16xi32>], vector<16xf32>,
        %add3A_355 = arith.addf %add3A_343, %gather3A_354 : vector<16xf32>
        %get3A_356 = arith.constant 27 : i32
        %get3A_357 = arith.index_cast %get3A_356 : i32 to index
        %get3A_358 = arith.index_cast %mul3A_25 : i32 to index
        %get3A_359 = tpu.vector_load %arg8[%get3A_357, %get3A_358] {strides = array<i32>} : memref<32x400xi32, #tpu.memory_space<vmem>>, vector<16xi32>,
        %gather3A_360 = tpu.vector_load_idx %arg6[%broadcast_in_dim3A_1, %get3A_359] : memref<4x10000xf32, #tpu.memory_space<vmem>>[vector<16xi32>, vector<16xi32>], vector<16xf32>,
        %add3A_361 = arith.addf %add3A_349, %gather3A_360 : vector<16xf32>
        %gather3A_362 = tpu.vector_load_idx %arg6[%broadcast_in_dim3A_3, %get3A_359] : memref<4x10000xf32, #tpu.memory_space<vmem>>[vector<16xi32>, vector<16xi32>], vector<16xf32>,
        %add3A_363 = arith.addf %add3A_351, %gather3A_362 : vector<16xf32>
        %gather3A_364 = tpu.vector_load_idx %arg6[%broadcast_in_dim3A_5, %get3A_359] : memref<4x10000xf32, #tpu.memory_space<vmem>>[vector<16xi32>, vector<16xi32>], vector<16xf32>,
        %add3A_365 = arith.addf %add3A_353, %gather3A_364 : vector<16xf32>
        %gather3A_366 = tpu.vector_load_idx %arg6[%broadcast_in_dim3A_7, %get3A_359] : memref<4x10000xf32, #tpu.memory_space<vmem>>[vector<16xi32>, vector<16xi32>], vector<16xf32>,
        %add3A_367 = arith.addf %add3A_355, %gather3A_366 : vector<16xf32>
        %get3A_368 = arith.constant 28 : i32
        %get3A_369 = arith.index_cast %get3A_368 : i32 to index
        %get3A_370 = arith.index_cast %mul3A_25 : i32 to index
        %get3A_371 = tpu.vector_load %arg8[%get3A_369, %get3A_370] {strides = array<i32>} : memref<32x400xi32, #tpu.memory_space<vmem>>, vector<16xi32>,
        %gather3A_372 = tpu.vector_load_idx %arg6[%broadcast_in_dim3A_1, %get3A_371] : memref<4x10000xf32, #tpu.memory_space<vmem>>[vector<16xi32>, vector<16xi32>], vector<16xf32>,
        %add3A_373 = arith.addf %add3A_361, %gather3A_372 : vector<16xf32>
        %gather3A_374 = tpu.vector_load_idx %arg6[%broadcast_in_dim3A_3, %get3A_371] : memref<4x10000xf32, #tpu.memory_space<vmem>>[vector<16xi32>, vector<16xi32>], vector<16xf32>,
        %add3A_375 = arith.addf %add3A_363, %gather3A_374 : vector<16xf32>
        %gather3A_376 = tpu.vector_load_idx %arg6[%broadcast_in_dim3A_5, %get3A_371] : memref<4x10000xf32, #tpu.memory_space<vmem>>[vector<16xi32>, vector<16xi32>], vector<16xf32>,
        %add3A_377 = arith.addf %add3A_365, %gather3A_376 : vector<16xf32>
        %gather3A_378 = tpu.vector_load_idx %arg6[%broadcast_in_dim3A_7, %get3A_371] : memref<4x10000xf32, #tpu.memory_space<vmem>>[vector<16xi32>, vector<16xi32>], vector<16xf32>,
        %add3A_379 = arith.addf %add3A_367, %gather3A_378 : vector<16xf32>
        %get3A_380 = arith.constant 29 : i32
        %get3A_381 = arith.index_cast %get3A_380 : i32 to index
        %get3A_382 = arith.index_cast %mul3A_25 : i32 to index
        %get3A_383 = tpu.vector_load %arg8[%get3A_381, %get3A_382] {strides = array<i32>} : memref<32x400xi32, #tpu.memory_space<vmem>>, vector<16xi32>,
        %gather3A_384 = tpu.vector_load_idx %arg6[%broadcast_in_dim3A_1, %get3A_383] : memref<4x10000xf32, #tpu.memory_space<vmem>>[vector<16xi32>, vector<16xi32>], vector<16xf32>,
        %add3A_385 = arith.addf %add3A_373, %gather3A_384 : vector<16xf32>
        %gather3A_386 = tpu.vector_load_idx %arg6[%broadcast_in_dim3A_3, %get3A_383] : memref<4x10000xf32, #tpu.memory_space<vmem>>[vector<16xi32>, vector<16xi32>], vector<16xf32>,
        %add3A_387 = arith.addf %add3A_375, %gather3A_386 : vector<16xf32>
        %gather3A_388 = tpu.vector_load_idx %arg6[%broadcast_in_dim3A_5, %get3A_383] : memref<4x10000xf32, #tpu.memory_space<vmem>>[vector<16xi32>, vector<16xi32>], vector<16xf32>,
        %add3A_389 = arith.addf %add3A_377, %gather3A_388 : vector<16xf32>
        %gather3A_390 = tpu.vector_load_idx %arg6[%broadcast_in_dim3A_7, %get3A_383] : memref<4x10000xf32, #tpu.memory_space<vmem>>[vector<16xi32>, vector<16xi32>], vector<16xf32>,
        %add3A_391 = arith.addf %add3A_379, %gather3A_390 : vector<16xf32>
        %get3A_392 = arith.constant 30 : i32
        %get3A_393 = arith.index_cast %get3A_392 : i32 to index
        %get3A_394 = arith.index_cast %mul3A_25 : i32 to index
        %get3A_395 = tpu.vector_load %arg8[%get3A_393, %get3A_394] {strides = array<i32>} : memref<32x400xi32, #tpu.memory_space<vmem>>, vector<16xi32>,
        %gather3A_396 = tpu.vector_load_idx %arg6[%broadcast_in_dim3A_1, %get3A_395] : memref<4x10000xf32, #tpu.memory_space<vmem>>[vector<16xi32>, vector<16xi32>], vector<16xf32>,
        %add3A_397 = arith.addf %add3A_385, %gather3A_396 : vector<16xf32>
        %gather3A_398 = tpu.vector_load_idx %arg6[%broadcast_in_dim3A_3, %get3A_395] : memref<4x10000xf32, #tpu.memory_space<vmem>>[vector<16xi32>, vector<16xi32>], vector<16xf32>,
        %add3A_399 = arith.addf %add3A_387, %gather3A_398 : vector<16xf32>
        %gather3A_400 = tpu.vector_load_idx %arg6[%broadcast_in_dim3A_5, %get3A_395] : memref<4x10000xf32, #tpu.memory_space<vmem>>[vector<16xi32>, vector<16xi32>], vector<16xf32>,
        %add3A_401 = arith.addf %add3A_389, %gather3A_400 : vector<16xf32>
        %gather3A_402 = tpu.vector_load_idx %arg6[%broadcast_in_dim3A_7, %get3A_395] : memref<4x10000xf32, #tpu.memory_space<vmem>>[vector<16xi32>, vector<16xi32>], vector<16xf32>,
        %add3A_403 = arith.addf %add3A_391, %gather3A_402 : vector<16xf32>
        %get3A_404 = arith.constant 31 : i32
        %get3A_405 = arith.index_cast %get3A_404 : i32 to index
        %get3A_406 = arith.index_cast %mul3A_25 : i32 to index
        %get3A_407 = tpu.vector_load %arg8[%get3A_405, %get3A_406] {strides = array<i32>} : memref<32x400xi32, #tpu.memory_space<vmem>>, vector<16xi32>,
        %gather3A_408 = tpu.vector_load_idx %arg6[%broadcast_in_dim3A_1, %get3A_407] : memref<4x10000xf32, #tpu.memory_space<vmem>>[vector<16xi32>, vector<16xi32>], vector<16xf32>,
        %add3A_409 = arith.addf %add3A_397, %gather3A_408 : vector<16xf32>
        %gather3A_410 = tpu.vector_load_idx %arg6[%broadcast_in_dim3A_3, %get3A_407] : memref<4x10000xf32, #tpu.memory_space<vmem>>[vector<16xi32>, vector<16xi32>], vector<16xf32>,
        %add3A_411 = arith.addf %add3A_399, %gather3A_410 : vector<16xf32>
        %gather3A_412 = tpu.vector_load_idx %arg6[%broadcast_in_dim3A_5, %get3A_407] : memref<4x10000xf32, #tpu.memory_space<vmem>>[vector<16xi32>, vector<16xi32>], vector<16xf32>,
        %add3A_413 = arith.addf %add3A_401, %gather3A_412 : vector<16xf32>
        %gather3A_414 = tpu.vector_load_idx %arg6[%broadcast_in_dim3A_7, %get3A_407] : memref<4x10000xf32, #tpu.memory_space<vmem>>[vector<16xi32>, vector<16xi32>], vector<16xf32>,
        %add3A_415 = arith.addf %add3A_403, %gather3A_414 : vector<16xf32>
        %mul3A_416 = arith.constant 400 : i32
        %mul3A_417 = arith.muli %scan3A_17, %mul3A_416 : i32
        %add3A_418 = arith.addi %mul3A_417, %mul3A_25 : i32
        %mul3A_419 = arith.constant 3.125000e-02 : f32
        %mul3A_420 = vector.broadcast %mul3A_419 : f32 to vector<16xf32>
        %mul3A_421 = arith.mulf %add3A_409, %mul3A_420 : vector<16xf32>
        %swap3A = arith.constant 0 : i32
        %swap3A_422 = arith.index_cast %swap3A : i32 to index
        %swap3A_423 = arith.index_cast %add3A_418 : i32 to index
        %swap3A_424 = tpu.vector_load %arg7[%swap3A_422, %swap3A_423] {strides = array<i32>} : memref<4x10000xf32, #tpu.memory_space<vmem>>, vector<16xf32>,
        tpu.vector_store %arg7[%swap3A_422, %swap3A_423], %mul3A_421 {strides = array<i32>} : memref<4x10000xf32, #tpu.memory_space<vmem>>, vector<16xf32>,
        %mul3A_425 = arith.constant 3.125000e-02 : f32
        %mul3A_426 = vector.broadcast %mul3A_425 : f32 to vector<16xf32>
        %mul3A_427 = arith.mulf %add3A_411, %mul3A_426 : vector<16xf32>
        %swap3A_428 = arith.constant 1 : i32
        %swap3A_429 = arith.index_cast %swap3A_428 : i32 to index
        %swap3A_430 = arith.index_cast %add3A_418 : i32 to index
        %swap3A_431 = tpu.vector_load %arg7[%swap3A_429, %swap3A_430] {strides = array<i32>} : memref<4x10000xf32, #tpu.memory_space<vmem>>, vector<16xf32>,
        tpu.vector_store %arg7[%swap3A_429, %swap3A_430], %mul3A_427 {strides = array<i32>} : memref<4x10000xf32, #tpu.memory_space<vmem>>, vector<16xf32>,
        %mul3A_432 = arith.constant 3.125000e-02 : f32
        %mul3A_433 = vector.broadcast %mul3A_432 : f32 to vector<16xf32>
        %mul3A_434 = arith.mulf %add3A_413, %mul3A_433 : vector<16xf32>
        %swap3A_435 = arith.constant 2 : i32
        %swap3A_436 = arith.index_cast %swap3A_435 : i32 to index
        %swap3A_437 = arith.index_cast %add3A_418 : i32 to index
        %swap3A_438 = tpu.vector_load %arg7[%swap3A_436, %swap3A_437] {strides = array<i32>} : memref<4x10000xf32, #tpu.memory_space<vmem>>, vector<16xf32>,
        tpu.vector_store %arg7[%swap3A_436, %swap3A_437], %mul3A_434 {strides = array<i32>} : memref<4x10000xf32, #tpu.memory_space<vmem>>, vector<16xf32>,
        %mul3A_439 = arith.constant 3.125000e-02 : f32
        %mul3A_440 = vector.broadcast %mul3A_439 : f32 to vector<16xf32>
        %mul3A_441 = arith.mulf %add3A_415, %mul3A_440 : vector<16xf32>
        %swap3A_442 = arith.constant 3 : i32
        %swap3A_443 = arith.index_cast %swap3A_442 : i32 to index
        %swap3A_444 = arith.index_cast %add3A_418 : i32 to index
        %swap3A_445 = tpu.vector_load %arg7[%swap3A_443, %swap3A_444] {strides = array<i32>} : memref<4x10000xf32, #tpu.memory_space<vmem>>, vector<16xf32>,
        tpu.vector_store %arg7[%swap3A_443, %swap3A_444], %mul3A_441 {strides = array<i32>} : memref<4x10000xf32, #tpu.memory_space<vmem>>, vector<16xf32>,
      }
      %scan3A_22 = arith.constant 25 : i32
    }
    %scan3A_11 = arith.constant 25 : i32
    %scan3A_12 = arith.constant 0 : i32
    %scan3A_13 = arith.constant 64 : i32
    %scan3A_14 = arith.addi %scan3A_12, %scan3A_13 : i32
    %scan3A_15 = arith.constant 1 : i32
    scf.for %scan3A_17 = %scan3A_12 to %scan3A_14 step %scan3A_15  : i32 {
      "tpu.region"() ({
        %run_scoped3A = tpu.sem_alloc : memref<!tpu.dma_semaphore, #tpu.memory_space<semaphore_mem>>
        %dma_start3A = arith.constant 0 : i32
        %dma_start3A_23 = arith.constant 0 : i32
        %dma_start3A_24 = tpu.memref_slice %arg4[%scan3A_17, %dma_start3A, %dma_start3A_23] : memref<64x32x128xi32, #tpu.memory_space<hbm>> -> memref<1x32x128xi32, #tpu.memory_space<hbm>>
        %dma_start3A_25 = tpu.memref_squeeze %dma_start3A_24 : memref<1x32x128xi32, #tpu.memory_space<hbm>> -> memref<32x128xi32, #tpu.memory_space<hbm>>
        %dma_start3A_26 = arith.constant 0 : i32
        %dma_start3A_27 = arith.constant 0 : i32
        %dma_start3A_28 = tpu.memref_slice %arg4[%scan3A_17, %dma_start3A_26, %dma_start3A_27] : memref<64x32x128xi32, #tpu.memory_space<hbm>> -> memref<1x32x128xi32, #tpu.memory_space<hbm>>
        %dma_start3A_29 = tpu.memref_squeeze %dma_start3A_28 : memref<1x32x128xi32, #tpu.memory_space<hbm>> -> memref<32x128xi32, #tpu.memory_space<hbm>>
        tpu.enqueue_dma source(%dma_start3A_29 : memref<32x128xi32, #tpu.memory_space<hbm>>) target(%arg9 : memref<32x128xi32, #tpu.memory_space<vmem>>) target_semaphore(%run_scoped3A : memref<!tpu.dma_semaphore, #tpu.memory_space<semaphore_mem>>)
        %dma_wait3A = arith.constant 0 : i32
        %dma_wait3A_30 = arith.constant 0 : i32
        %dma_wait3A_31 = tpu.memref_slice %arg4[%scan3A_17, %dma_wait3A, %dma_wait3A_30] : memref<64x32x128xi32, #tpu.memory_space<hbm>> -> memref<1x32x128xi32, #tpu.memory_space<hbm>>
        %dma_wait3A_32 = tpu.memref_squeeze %dma_wait3A_31 : memref<1x32x128xi32, #tpu.memory_space<hbm>> -> memref<32x128xi32, #tpu.memory_space<hbm>>
        %dma_wait3A_33 = arith.constant 0 : i32
        %dma_wait3A_34 = arith.constant 0 : i32
        %dma_wait3A_35 = tpu.memref_slice %arg4[%scan3A_17, %dma_wait3A_33, %dma_wait3A_34] : memref<64x32x128xi32, #tpu.memory_space<hbm>> -> memref<1x32x128xi32, #tpu.memory_space<hbm>>
        %dma_wait3A_36 = tpu.memref_squeeze %dma_wait3A_35 : memref<1x32x128xi32, #tpu.memory_space<hbm>> -> memref<32x128xi32, #tpu.memory_space<hbm>>
        tpu.wait_dma2 semaphore(%run_scoped3A : memref<!tpu.dma_semaphore, #tpu.memory_space<semaphore_mem>>) src(%dma_wait3A_36 : memref<32x128xi32, #tpu.memory_space<hbm>>) dst(%arg9 : memref<32x128xi32, #tpu.memory_space<vmem>>)
        tpu.yield
      }) : () -> ()
      %scan3A_18 = arith.constant 0 : i32
      %scan3A_19 = arith.constant 8 : i32
      %scan3A_20 = arith.addi %scan3A_18, %scan3A_19 : i32
      %scan3A_21 = arith.constant 1 : i32
      scf.for %scan3A_23 = %scan3A_18 to %scan3A_20 step %scan3A_21  : i32 {
        %broadcast_in_dim3A_24 = arith.constant 0.000000e+00 : f32
        %broadcast_in_dim3A_25 = vector.broadcast %broadcast_in_dim3A_24 : f32 to vector<16xf32>
        %broadcast_in_dim3A_26 = arith.constant 0.000000e+00 : f32
        %broadcast_in_dim3A_27 = vector.broadcast %broadcast_in_dim3A_26 : f32 to vector<16xf32>
        %broadcast_in_dim3A_28 = arith.constant 0.000000e+00 : f32
        %broadcast_in_dim3A_29 = vector.broadcast %broadcast_in_dim3A_28 : f32 to vector<16xf32>
        %broadcast_in_dim3A_30 = arith.constant 0.000000e+00 : f32
        %broadcast_in_dim3A_31 = vector.broadcast %broadcast_in_dim3A_30 : f32 to vector<16xf32>
        %mul3A_32 = arith.constant 16 : i32
        %mul3A_33 = arith.muli %scan3A_23, %mul3A_32 : i32
        %get3A = arith.constant 0 : i32
        %get3A_34 = arith.index_cast %get3A : i32 to index
        %get3A_35 = arith.index_cast %mul3A_33 : i32 to index
        %get3A_36 = tpu.vector_load %arg9[%get3A_34, %get3A_35] {strides = array<i32>} : memref<32x128xi32, #tpu.memory_space<vmem>>, vector<16xi32>,
        %gather3A = tpu.vector_load_idx %arg7[%broadcast_in_dim3A_1, %get3A_36] : memref<4x10000xf32, #tpu.memory_space<vmem>>[vector<16xi32>, vector<16xi32>], vector<16xf32>,
        %add3A_37 = arith.addf %broadcast_in_dim3A_25, %gather3A : vector<16xf32>
        %gather3A_38 = tpu.vector_load_idx %arg7[%broadcast_in_dim3A_3, %get3A_36] : memref<4x10000xf32, #tpu.memory_space<vmem>>[vector<16xi32>, vector<16xi32>], vector<16xf32>,
        %add3A_39 = arith.addf %broadcast_in_dim3A_27, %gather3A_38 : vector<16xf32>
        %gather3A_40 = tpu.vector_load_idx %arg7[%broadcast_in_dim3A_5, %get3A_36] : memref<4x10000xf32, #tpu.memory_space<vmem>>[vector<16xi32>, vector<16xi32>], vector<16xf32>,
        %add3A_41 = arith.addf %broadcast_in_dim3A_29, %gather3A_40 : vector<16xf32>
        %gather3A_42 = tpu.vector_load_idx %arg7[%broadcast_in_dim3A_7, %get3A_36] : memref<4x10000xf32, #tpu.memory_space<vmem>>[vector<16xi32>, vector<16xi32>], vector<16xf32>,
        %add3A_43 = arith.addf %broadcast_in_dim3A_31, %gather3A_42 : vector<16xf32>
        %mul3A_44 = arith.constant 16 : i32
        %mul3A_45 = arith.muli %scan3A_23, %mul3A_44 : i32
        %get3A_46 = arith.constant 1 : i32
        %get3A_47 = arith.index_cast %get3A_46 : i32 to index
        %get3A_48 = arith.index_cast %mul3A_45 : i32 to index
        %get3A_49 = tpu.vector_load %arg9[%get3A_47, %get3A_48] {strides = array<i32>} : memref<32x128xi32, #tpu.memory_space<vmem>>, vector<16xi32>,
        %gather3A_50 = tpu.vector_load_idx %arg7[%broadcast_in_dim3A_1, %get3A_49] : memref<4x10000xf32, #tpu.memory_space<vmem>>[vector<16xi32>, vector<16xi32>], vector<16xf32>,
        %add3A_51 = arith.addf %add3A_37, %gather3A_50 : vector<16xf32>
        %gather3A_52 = tpu.vector_load_idx %arg7[%broadcast_in_dim3A_3, %get3A_49] : memref<4x10000xf32, #tpu.memory_space<vmem>>[vector<16xi32>, vector<16xi32>], vector<16xf32>,
        %add3A_53 = arith.addf %add3A_39, %gather3A_52 : vector<16xf32>
        %gather3A_54 = tpu.vector_load_idx %arg7[%broadcast_in_dim3A_5, %get3A_49] : memref<4x10000xf32, #tpu.memory_space<vmem>>[vector<16xi32>, vector<16xi32>], vector<16xf32>,
        %add3A_55 = arith.addf %add3A_41, %gather3A_54 : vector<16xf32>
        %gather3A_56 = tpu.vector_load_idx %arg7[%broadcast_in_dim3A_7, %get3A_49] : memref<4x10000xf32, #tpu.memory_space<vmem>>[vector<16xi32>, vector<16xi32>], vector<16xf32>,
        %add3A_57 = arith.addf %add3A_43, %gather3A_56 : vector<16xf32>
        %mul3A_58 = arith.constant 16 : i32
        %mul3A_59 = arith.muli %scan3A_23, %mul3A_58 : i32
        %get3A_60 = arith.constant 2 : i32
        %get3A_61 = arith.index_cast %get3A_60 : i32 to index
        %get3A_62 = arith.index_cast %mul3A_59 : i32 to index
        %get3A_63 = tpu.vector_load %arg9[%get3A_61, %get3A_62] {strides = array<i32>} : memref<32x128xi32, #tpu.memory_space<vmem>>, vector<16xi32>,
        %gather3A_64 = tpu.vector_load_idx %arg7[%broadcast_in_dim3A_1, %get3A_63] : memref<4x10000xf32, #tpu.memory_space<vmem>>[vector<16xi32>, vector<16xi32>], vector<16xf32>,
        %add3A_65 = arith.addf %add3A_51, %gather3A_64 : vector<16xf32>
        %gather3A_66 = tpu.vector_load_idx %arg7[%broadcast_in_dim3A_3, %get3A_63] : memref<4x10000xf32, #tpu.memory_space<vmem>>[vector<16xi32>, vector<16xi32>], vector<16xf32>,
        %add3A_67 = arith.addf %add3A_53, %gather3A_66 : vector<16xf32>
        %gather3A_68 = tpu.vector_load_idx %arg7[%broadcast_in_dim3A_5, %get3A_63] : memref<4x10000xf32, #tpu.memory_space<vmem>>[vector<16xi32>, vector<16xi32>], vector<16xf32>,
        %add3A_69 = arith.addf %add3A_55, %gather3A_68 : vector<16xf32>
        %gather3A_70 = tpu.vector_load_idx %arg7[%broadcast_in_dim3A_7, %get3A_63] : memref<4x10000xf32, #tpu.memory_space<vmem>>[vector<16xi32>, vector<16xi32>], vector<16xf32>,
        %add3A_71 = arith.addf %add3A_57, %gather3A_70 : vector<16xf32>
        %mul3A_72 = arith.constant 16 : i32
        %mul3A_73 = arith.muli %scan3A_23, %mul3A_72 : i32
        %get3A_74 = arith.constant 3 : i32
        %get3A_75 = arith.index_cast %get3A_74 : i32 to index
        %get3A_76 = arith.index_cast %mul3A_73 : i32 to index
        %get3A_77 = tpu.vector_load %arg9[%get3A_75, %get3A_76] {strides = array<i32>} : memref<32x128xi32, #tpu.memory_space<vmem>>, vector<16xi32>,
        %gather3A_78 = tpu.vector_load_idx %arg7[%broadcast_in_dim3A_1, %get3A_77] : memref<4x10000xf32, #tpu.memory_space<vmem>>[vector<16xi32>, vector<16xi32>], vector<16xf32>,
        %add3A_79 = arith.addf %add3A_65, %gather3A_78 : vector<16xf32>
        %gather3A_80 = tpu.vector_load_idx %arg7[%broadcast_in_dim3A_3, %get3A_77] : memref<4x10000xf32, #tpu.memory_space<vmem>>[vector<16xi32>, vector<16xi32>], vector<16xf32>,
        %add3A_81 = arith.addf %add3A_67, %gather3A_80 : vector<16xf32>
        %gather3A_82 = tpu.vector_load_idx %arg7[%broadcast_in_dim3A_5, %get3A_77] : memref<4x10000xf32, #tpu.memory_space<vmem>>[vector<16xi32>, vector<16xi32>], vector<16xf32>,
        %add3A_83 = arith.addf %add3A_69, %gather3A_82 : vector<16xf32>
        %gather3A_84 = tpu.vector_load_idx %arg7[%broadcast_in_dim3A_7, %get3A_77] : memref<4x10000xf32, #tpu.memory_space<vmem>>[vector<16xi32>, vector<16xi32>], vector<16xf32>,
        %add3A_85 = arith.addf %add3A_71, %gather3A_84 : vector<16xf32>
        %mul3A_86 = arith.constant 16 : i32
        %mul3A_87 = arith.muli %scan3A_23, %mul3A_86 : i32
        %get3A_88 = arith.constant 4 : i32
        %get3A_89 = arith.index_cast %get3A_88 : i32 to index
        %get3A_90 = arith.index_cast %mul3A_87 : i32 to index
        %get3A_91 = tpu.vector_load %arg9[%get3A_89, %get3A_90] {strides = array<i32>} : memref<32x128xi32, #tpu.memory_space<vmem>>, vector<16xi32>,
        %gather3A_92 = tpu.vector_load_idx %arg7[%broadcast_in_dim3A_1, %get3A_91] : memref<4x10000xf32, #tpu.memory_space<vmem>>[vector<16xi32>, vector<16xi32>], vector<16xf32>,
        %add3A_93 = arith.addf %add3A_79, %gather3A_92 : vector<16xf32>
        %gather3A_94 = tpu.vector_load_idx %arg7[%broadcast_in_dim3A_3, %get3A_91] : memref<4x10000xf32, #tpu.memory_space<vmem>>[vector<16xi32>, vector<16xi32>], vector<16xf32>,
        %add3A_95 = arith.addf %add3A_81, %gather3A_94 : vector<16xf32>
        %gather3A_96 = tpu.vector_load_idx %arg7[%broadcast_in_dim3A_5, %get3A_91] : memref<4x10000xf32, #tpu.memory_space<vmem>>[vector<16xi32>, vector<16xi32>], vector<16xf32>,
        %add3A_97 = arith.addf %add3A_83, %gather3A_96 : vector<16xf32>
        %gather3A_98 = tpu.vector_load_idx %arg7[%broadcast_in_dim3A_7, %get3A_91] : memref<4x10000xf32, #tpu.memory_space<vmem>>[vector<16xi32>, vector<16xi32>], vector<16xf32>,
        %add3A_99 = arith.addf %add3A_85, %gather3A_98 : vector<16xf32>
        %mul3A_100 = arith.constant 16 : i32
        %mul3A_101 = arith.muli %scan3A_23, %mul3A_100 : i32
        %get3A_102 = arith.constant 5 : i32
        %get3A_103 = arith.index_cast %get3A_102 : i32 to index
        %get3A_104 = arith.index_cast %mul3A_101 : i32 to index
        %get3A_105 = tpu.vector_load %arg9[%get3A_103, %get3A_104] {strides = array<i32>} : memref<32x128xi32, #tpu.memory_space<vmem>>, vector<16xi32>,
        %gather3A_106 = tpu.vector_load_idx %arg7[%broadcast_in_dim3A_1, %get3A_105] : memref<4x10000xf32, #tpu.memory_space<vmem>>[vector<16xi32>, vector<16xi32>], vector<16xf32>,
        %add3A_107 = arith.addf %add3A_93, %gather3A_106 : vector<16xf32>
        %gather3A_108 = tpu.vector_load_idx %arg7[%broadcast_in_dim3A_3, %get3A_105] : memref<4x10000xf32, #tpu.memory_space<vmem>>[vector<16xi32>, vector<16xi32>], vector<16xf32>,
        %add3A_109 = arith.addf %add3A_95, %gather3A_108 : vector<16xf32>
        %gather3A_110 = tpu.vector_load_idx %arg7[%broadcast_in_dim3A_5, %get3A_105] : memref<4x10000xf32, #tpu.memory_space<vmem>>[vector<16xi32>, vector<16xi32>], vector<16xf32>,
        %add3A_111 = arith.addf %add3A_97, %gather3A_110 : vector<16xf32>
        %gather3A_112 = tpu.vector_load_idx %arg7[%broadcast_in_dim3A_7, %get3A_105] : memref<4x10000xf32, #tpu.memory_space<vmem>>[vector<16xi32>, vector<16xi32>], vector<16xf32>,
        %add3A_113 = arith.addf %add3A_99, %gather3A_112 : vector<16xf32>
        %mul3A_114 = arith.constant 16 : i32
        %mul3A_115 = arith.muli %scan3A_23, %mul3A_114 : i32
        %get3A_116 = arith.constant 6 : i32
        %get3A_117 = arith.index_cast %get3A_116 : i32 to index
        %get3A_118 = arith.index_cast %mul3A_115 : i32 to index
        %get3A_119 = tpu.vector_load %arg9[%get3A_117, %get3A_118] {strides = array<i32>} : memref<32x128xi32, #tpu.memory_space<vmem>>, vector<16xi32>,
        %gather3A_120 = tpu.vector_load_idx %arg7[%broadcast_in_dim3A_1, %get3A_119] : memref<4x10000xf32, #tpu.memory_space<vmem>>[vector<16xi32>, vector<16xi32>], vector<16xf32>,
        %add3A_121 = arith.addf %add3A_107, %gather3A_120 : vector<16xf32>
        %gather3A_122 = tpu.vector_load_idx %arg7[%broadcast_in_dim3A_3, %get3A_119] : memref<4x10000xf32, #tpu.memory_space<vmem>>[vector<16xi32>, vector<16xi32>], vector<16xf32>,
        %add3A_123 = arith.addf %add3A_109, %gather3A_122 : vector<16xf32>
        %gather3A_124 = tpu.vector_load_idx %arg7[%broadcast_in_dim3A_5, %get3A_119] : memref<4x10000xf32, #tpu.memory_space<vmem>>[vector<16xi32>, vector<16xi32>], vector<16xf32>,
        %add3A_125 = arith.addf %add3A_111, %gather3A_124 : vector<16xf32>
        %gather3A_126 = tpu.vector_load_idx %arg7[%broadcast_in_dim3A_7, %get3A_119] : memref<4x10000xf32, #tpu.memory_space<vmem>>[vector<16xi32>, vector<16xi32>], vector<16xf32>,
        %add3A_127 = arith.addf %add3A_113, %gather3A_126 : vector<16xf32>
        %mul3A_128 = arith.constant 16 : i32
        %mul3A_129 = arith.muli %scan3A_23, %mul3A_128 : i32
        %get3A_130 = arith.constant 7 : i32
        %get3A_131 = arith.index_cast %get3A_130 : i32 to index
        %get3A_132 = arith.index_cast %mul3A_129 : i32 to index
        %get3A_133 = tpu.vector_load %arg9[%get3A_131, %get3A_132] {strides = array<i32>} : memref<32x128xi32, #tpu.memory_space<vmem>>, vector<16xi32>,
        %gather3A_134 = tpu.vector_load_idx %arg7[%broadcast_in_dim3A_1, %get3A_133] : memref<4x10000xf32, #tpu.memory_space<vmem>>[vector<16xi32>, vector<16xi32>], vector<16xf32>,
        %add3A_135 = arith.addf %add3A_121, %gather3A_134 : vector<16xf32>
        %gather3A_136 = tpu.vector_load_idx %arg7[%broadcast_in_dim3A_3, %get3A_133] : memref<4x10000xf32, #tpu.memory_space<vmem>>[vector<16xi32>, vector<16xi32>], vector<16xf32>,
        %add3A_137 = arith.addf %add3A_123, %gather3A_136 : vector<16xf32>
        %gather3A_138 = tpu.vector_load_idx %arg7[%broadcast_in_dim3A_5, %get3A_133] : memref<4x10000xf32, #tpu.memory_space<vmem>>[vector<16xi32>, vector<16xi32>], vector<16xf32>,
        %add3A_139 = arith.addf %add3A_125, %gather3A_138 : vector<16xf32>
        %gather3A_140 = tpu.vector_load_idx %arg7[%broadcast_in_dim3A_7, %get3A_133] : memref<4x10000xf32, #tpu.memory_space<vmem>>[vector<16xi32>, vector<16xi32>], vector<16xf32>,
        %add3A_141 = arith.addf %add3A_127, %gather3A_140 : vector<16xf32>
        %mul3A_142 = arith.constant 16 : i32
        %mul3A_143 = arith.muli %scan3A_23, %mul3A_142 : i32
        %get3A_144 = arith.constant 8 : i32
        %get3A_145 = arith.index_cast %get3A_144 : i32 to index
        %get3A_146 = arith.index_cast %mul3A_143 : i32 to index
        %get3A_147 = tpu.vector_load %arg9[%get3A_145, %get3A_146] {strides = array<i32>} : memref<32x128xi32, #tpu.memory_space<vmem>>, vector<16xi32>,
        %gather3A_148 = tpu.vector_load_idx %arg7[%broadcast_in_dim3A_1, %get3A_147] : memref<4x10000xf32, #tpu.memory_space<vmem>>[vector<16xi32>, vector<16xi32>], vector<16xf32>,
        %add3A_149 = arith.addf %add3A_135, %gather3A_148 : vector<16xf32>
        %gather3A_150 = tpu.vector_load_idx %arg7[%broadcast_in_dim3A_3, %get3A_147] : memref<4x10000xf32, #tpu.memory_space<vmem>>[vector<16xi32>, vector<16xi32>], vector<16xf32>,
        %add3A_151 = arith.addf %add3A_137, %gather3A_150 : vector<16xf32>
        %gather3A_152 = tpu.vector_load_idx %arg7[%broadcast_in_dim3A_5, %get3A_147] : memref<4x10000xf32, #tpu.memory_space<vmem>>[vector<16xi32>, vector<16xi32>], vector<16xf32>,
        %add3A_153 = arith.addf %add3A_139, %gather3A_152 : vector<16xf32>
        %gather3A_154 = tpu.vector_load_idx %arg7[%broadcast_in_dim3A_7, %get3A_147] : memref<4x10000xf32, #tpu.memory_space<vmem>>[vector<16xi32>, vector<16xi32>], vector<16xf32>,
        %add3A_155 = arith.addf %add3A_141, %gather3A_154 : vector<16xf32>
        %mul3A_156 = arith.constant 16 : i32
        %mul3A_157 = arith.muli %scan3A_23, %mul3A_156 : i32
        %get3A_158 = arith.constant 9 : i32
        %get3A_159 = arith.index_cast %get3A_158 : i32 to index
        %get3A_160 = arith.index_cast %mul3A_157 : i32 to index
        %get3A_161 = tpu.vector_load %arg9[%get3A_159, %get3A_160] {strides = array<i32>} : memref<32x128xi32, #tpu.memory_space<vmem>>, vector<16xi32>,
        %gather3A_162 = tpu.vector_load_idx %arg7[%broadcast_in_dim3A_1, %get3A_161] : memref<4x10000xf32, #tpu.memory_space<vmem>>[vector<16xi32>, vector<16xi32>], vector<16xf32>,
        %add3A_163 = arith.addf %add3A_149, %gather3A_162 : vector<16xf32>
        %gather3A_164 = tpu.vector_load_idx %arg7[%broadcast_in_dim3A_3, %get3A_161] : memref<4x10000xf32, #tpu.memory_space<vmem>>[vector<16xi32>, vector<16xi32>], vector<16xf32>,
        %add3A_165 = arith.addf %add3A_151, %gather3A_164 : vector<16xf32>
        %gather3A_166 = tpu.vector_load_idx %arg7[%broadcast_in_dim3A_5, %get3A_161] : memref<4x10000xf32, #tpu.memory_space<vmem>>[vector<16xi32>, vector<16xi32>], vector<16xf32>,
        %add3A_167 = arith.addf %add3A_153, %gather3A_166 : vector<16xf32>
        %gather3A_168 = tpu.vector_load_idx %arg7[%broadcast_in_dim3A_7, %get3A_161] : memref<4x10000xf32, #tpu.memory_space<vmem>>[vector<16xi32>, vector<16xi32>], vector<16xf32>,
        %add3A_169 = arith.addf %add3A_155, %gather3A_168 : vector<16xf32>
        %mul3A_170 = arith.constant 16 : i32
        %mul3A_171 = arith.muli %scan3A_23, %mul3A_170 : i32
        %get3A_172 = arith.constant 10 : i32
        %get3A_173 = arith.index_cast %get3A_172 : i32 to index
        %get3A_174 = arith.index_cast %mul3A_171 : i32 to index
        %get3A_175 = tpu.vector_load %arg9[%get3A_173, %get3A_174] {strides = array<i32>} : memref<32x128xi32, #tpu.memory_space<vmem>>, vector<16xi32>,
        %gather3A_176 = tpu.vector_load_idx %arg7[%broadcast_in_dim3A_1, %get3A_175] : memref<4x10000xf32, #tpu.memory_space<vmem>>[vector<16xi32>, vector<16xi32>], vector<16xf32>,
        %add3A_177 = arith.addf %add3A_163, %gather3A_176 : vector<16xf32>
        %gather3A_178 = tpu.vector_load_idx %arg7[%broadcast_in_dim3A_3, %get3A_175] : memref<4x10000xf32, #tpu.memory_space<vmem>>[vector<16xi32>, vector<16xi32>], vector<16xf32>,
        %add3A_179 = arith.addf %add3A_165, %gather3A_178 : vector<16xf32>
        %gather3A_180 = tpu.vector_load_idx %arg7[%broadcast_in_dim3A_5, %get3A_175] : memref<4x10000xf32, #tpu.memory_space<vmem>>[vector<16xi32>, vector<16xi32>], vector<16xf32>,
        %add3A_181 = arith.addf %add3A_167, %gather3A_180 : vector<16xf32>
        %gather3A_182 = tpu.vector_load_idx %arg7[%broadcast_in_dim3A_7, %get3A_175] : memref<4x10000xf32, #tpu.memory_space<vmem>>[vector<16xi32>, vector<16xi32>], vector<16xf32>,
        %add3A_183 = arith.addf %add3A_169, %gather3A_182 : vector<16xf32>
        %mul3A_184 = arith.constant 16 : i32
        %mul3A_185 = arith.muli %scan3A_23, %mul3A_184 : i32
        %get3A_186 = arith.constant 11 : i32
        %get3A_187 = arith.index_cast %get3A_186 : i32 to index
        %get3A_188 = arith.index_cast %mul3A_185 : i32 to index
        %get3A_189 = tpu.vector_load %arg9[%get3A_187, %get3A_188] {strides = array<i32>} : memref<32x128xi32, #tpu.memory_space<vmem>>, vector<16xi32>,
        %gather3A_190 = tpu.vector_load_idx %arg7[%broadcast_in_dim3A_1, %get3A_189] : memref<4x10000xf32, #tpu.memory_space<vmem>>[vector<16xi32>, vector<16xi32>], vector<16xf32>,
        %add3A_191 = arith.addf %add3A_177, %gather3A_190 : vector<16xf32>
        %gather3A_192 = tpu.vector_load_idx %arg7[%broadcast_in_dim3A_3, %get3A_189] : memref<4x10000xf32, #tpu.memory_space<vmem>>[vector<16xi32>, vector<16xi32>], vector<16xf32>,
        %add3A_193 = arith.addf %add3A_179, %gather3A_192 : vector<16xf32>
        %gather3A_194 = tpu.vector_load_idx %arg7[%broadcast_in_dim3A_5, %get3A_189] : memref<4x10000xf32, #tpu.memory_space<vmem>>[vector<16xi32>, vector<16xi32>], vector<16xf32>,
        %add3A_195 = arith.addf %add3A_181, %gather3A_194 : vector<16xf32>
        %gather3A_196 = tpu.vector_load_idx %arg7[%broadcast_in_dim3A_7, %get3A_189] : memref<4x10000xf32, #tpu.memory_space<vmem>>[vector<16xi32>, vector<16xi32>], vector<16xf32>,
        %add3A_197 = arith.addf %add3A_183, %gather3A_196 : vector<16xf32>
        %mul3A_198 = arith.constant 16 : i32
        %mul3A_199 = arith.muli %scan3A_23, %mul3A_198 : i32
        %get3A_200 = arith.constant 12 : i32
        %get3A_201 = arith.index_cast %get3A_200 : i32 to index
        %get3A_202 = arith.index_cast %mul3A_199 : i32 to index
        %get3A_203 = tpu.vector_load %arg9[%get3A_201, %get3A_202] {strides = array<i32>} : memref<32x128xi32, #tpu.memory_space<vmem>>, vector<16xi32>,
        %gather3A_204 = tpu.vector_load_idx %arg7[%broadcast_in_dim3A_1, %get3A_203] : memref<4x10000xf32, #tpu.memory_space<vmem>>[vector<16xi32>, vector<16xi32>], vector<16xf32>,
        %add3A_205 = arith.addf %add3A_191, %gather3A_204 : vector<16xf32>
        %gather3A_206 = tpu.vector_load_idx %arg7[%broadcast_in_dim3A_3, %get3A_203] : memref<4x10000xf32, #tpu.memory_space<vmem>>[vector<16xi32>, vector<16xi32>], vector<16xf32>,
        %add3A_207 = arith.addf %add3A_193, %gather3A_206 : vector<16xf32>
        %gather3A_208 = tpu.vector_load_idx %arg7[%broadcast_in_dim3A_5, %get3A_203] : memref<4x10000xf32, #tpu.memory_space<vmem>>[vector<16xi32>, vector<16xi32>], vector<16xf32>,
        %add3A_209 = arith.addf %add3A_195, %gather3A_208 : vector<16xf32>
        %gather3A_210 = tpu.vector_load_idx %arg7[%broadcast_in_dim3A_7, %get3A_203] : memref<4x10000xf32, #tpu.memory_space<vmem>>[vector<16xi32>, vector<16xi32>], vector<16xf32>,
        %add3A_211 = arith.addf %add3A_197, %gather3A_210 : vector<16xf32>
        %mul3A_212 = arith.constant 16 : i32
        %mul3A_213 = arith.muli %scan3A_23, %mul3A_212 : i32
        %get3A_214 = arith.constant 13 : i32
        %get3A_215 = arith.index_cast %get3A_214 : i32 to index
        %get3A_216 = arith.index_cast %mul3A_213 : i32 to index
        %get3A_217 = tpu.vector_load %arg9[%get3A_215, %get3A_216] {strides = array<i32>} : memref<32x128xi32, #tpu.memory_space<vmem>>, vector<16xi32>,
        %gather3A_218 = tpu.vector_load_idx %arg7[%broadcast_in_dim3A_1, %get3A_217] : memref<4x10000xf32, #tpu.memory_space<vmem>>[vector<16xi32>, vector<16xi32>], vector<16xf32>,
        %add3A_219 = arith.addf %add3A_205, %gather3A_218 : vector<16xf32>
        %gather3A_220 = tpu.vector_load_idx %arg7[%broadcast_in_dim3A_3, %get3A_217] : memref<4x10000xf32, #tpu.memory_space<vmem>>[vector<16xi32>, vector<16xi32>], vector<16xf32>,
        %add3A_221 = arith.addf %add3A_207, %gather3A_220 : vector<16xf32>
        %gather3A_222 = tpu.vector_load_idx %arg7[%broadcast_in_dim3A_5, %get3A_217] : memref<4x10000xf32, #tpu.memory_space<vmem>>[vector<16xi32>, vector<16xi32>], vector<16xf32>,
        %add3A_223 = arith.addf %add3A_209, %gather3A_222 : vector<16xf32>
        %gather3A_224 = tpu.vector_load_idx %arg7[%broadcast_in_dim3A_7, %get3A_217] : memref<4x10000xf32, #tpu.memory_space<vmem>>[vector<16xi32>, vector<16xi32>], vector<16xf32>,
        %add3A_225 = arith.addf %add3A_211, %gather3A_224 : vector<16xf32>
        %mul3A_226 = arith.constant 16 : i32
        %mul3A_227 = arith.muli %scan3A_23, %mul3A_226 : i32
        %get3A_228 = arith.constant 14 : i32
        %get3A_229 = arith.index_cast %get3A_228 : i32 to index
        %get3A_230 = arith.index_cast %mul3A_227 : i32 to index
        %get3A_231 = tpu.vector_load %arg9[%get3A_229, %get3A_230] {strides = array<i32>} : memref<32x128xi32, #tpu.memory_space<vmem>>, vector<16xi32>,
        %gather3A_232 = tpu.vector_load_idx %arg7[%broadcast_in_dim3A_1, %get3A_231] : memref<4x10000xf32, #tpu.memory_space<vmem>>[vector<16xi32>, vector<16xi32>], vector<16xf32>,
        %add3A_233 = arith.addf %add3A_219, %gather3A_232 : vector<16xf32>
        %gather3A_234 = tpu.vector_load_idx %arg7[%broadcast_in_dim3A_3, %get3A_231] : memref<4x10000xf32, #tpu.memory_space<vmem>>[vector<16xi32>, vector<16xi32>], vector<16xf32>,
        %add3A_235 = arith.addf %add3A_221, %gather3A_234 : vector<16xf32>
        %gather3A_236 = tpu.vector_load_idx %arg7[%broadcast_in_dim3A_5, %get3A_231] : memref<4x10000xf32, #tpu.memory_space<vmem>>[vector<16xi32>, vector<16xi32>], vector<16xf32>,
        %add3A_237 = arith.addf %add3A_223, %gather3A_236 : vector<16xf32>
        %gather3A_238 = tpu.vector_load_idx %arg7[%broadcast_in_dim3A_7, %get3A_231] : memref<4x10000xf32, #tpu.memory_space<vmem>>[vector<16xi32>, vector<16xi32>], vector<16xf32>,
        %add3A_239 = arith.addf %add3A_225, %gather3A_238 : vector<16xf32>
        %mul3A_240 = arith.constant 16 : i32
        %mul3A_241 = arith.muli %scan3A_23, %mul3A_240 : i32
        %get3A_242 = arith.constant 15 : i32
        %get3A_243 = arith.index_cast %get3A_242 : i32 to index
        %get3A_244 = arith.index_cast %mul3A_241 : i32 to index
        %get3A_245 = tpu.vector_load %arg9[%get3A_243, %get3A_244] {strides = array<i32>} : memref<32x128xi32, #tpu.memory_space<vmem>>, vector<16xi32>,
        %gather3A_246 = tpu.vector_load_idx %arg7[%broadcast_in_dim3A_1, %get3A_245] : memref<4x10000xf32, #tpu.memory_space<vmem>>[vector<16xi32>, vector<16xi32>], vector<16xf32>,
        %add3A_247 = arith.addf %add3A_233, %gather3A_246 : vector<16xf32>
        %gather3A_248 = tpu.vector_load_idx %arg7[%broadcast_in_dim3A_3, %get3A_245] : memref<4x10000xf32, #tpu.memory_space<vmem>>[vector<16xi32>, vector<16xi32>], vector<16xf32>,
        %add3A_249 = arith.addf %add3A_235, %gather3A_248 : vector<16xf32>
        %gather3A_250 = tpu.vector_load_idx %arg7[%broadcast_in_dim3A_5, %get3A_245] : memref<4x10000xf32, #tpu.memory_space<vmem>>[vector<16xi32>, vector<16xi32>], vector<16xf32>,
        %add3A_251 = arith.addf %add3A_237, %gather3A_250 : vector<16xf32>
        %gather3A_252 = tpu.vector_load_idx %arg7[%broadcast_in_dim3A_7, %get3A_245] : memref<4x10000xf32, #tpu.memory_space<vmem>>[vector<16xi32>, vector<16xi32>], vector<16xf32>,
        %add3A_253 = arith.addf %add3A_239, %gather3A_252 : vector<16xf32>
        %mul3A_254 = arith.constant 16 : i32
        %mul3A_255 = arith.muli %scan3A_23, %mul3A_254 : i32
        %get3A_256 = arith.constant 16 : i32
        %get3A_257 = arith.index_cast %get3A_256 : i32 to index
        %get3A_258 = arith.index_cast %mul3A_255 : i32 to index
        %get3A_259 = tpu.vector_load %arg9[%get3A_257, %get3A_258] {strides = array<i32>} : memref<32x128xi32, #tpu.memory_space<vmem>>, vector<16xi32>,
        %gather3A_260 = tpu.vector_load_idx %arg7[%broadcast_in_dim3A_1, %get3A_259] : memref<4x10000xf32, #tpu.memory_space<vmem>>[vector<16xi32>, vector<16xi32>], vector<16xf32>,
        %add3A_261 = arith.addf %add3A_247, %gather3A_260 : vector<16xf32>
        %gather3A_262 = tpu.vector_load_idx %arg7[%broadcast_in_dim3A_3, %get3A_259] : memref<4x10000xf32, #tpu.memory_space<vmem>>[vector<16xi32>, vector<16xi32>], vector<16xf32>,
        %add3A_263 = arith.addf %add3A_249, %gather3A_262 : vector<16xf32>
        %gather3A_264 = tpu.vector_load_idx %arg7[%broadcast_in_dim3A_5, %get3A_259] : memref<4x10000xf32, #tpu.memory_space<vmem>>[vector<16xi32>, vector<16xi32>], vector<16xf32>,
        %add3A_265 = arith.addf %add3A_251, %gather3A_264 : vector<16xf32>
        %gather3A_266 = tpu.vector_load_idx %arg7[%broadcast_in_dim3A_7, %get3A_259] : memref<4x10000xf32, #tpu.memory_space<vmem>>[vector<16xi32>, vector<16xi32>], vector<16xf32>,
        %add3A_267 = arith.addf %add3A_253, %gather3A_266 : vector<16xf32>
        %mul3A_268 = arith.constant 16 : i32
        %mul3A_269 = arith.muli %scan3A_23, %mul3A_268 : i32
        %get3A_270 = arith.constant 17 : i32
        %get3A_271 = arith.index_cast %get3A_270 : i32 to index
        %get3A_272 = arith.index_cast %mul3A_269 : i32 to index
        %get3A_273 = tpu.vector_load %arg9[%get3A_271, %get3A_272] {strides = array<i32>} : memref<32x128xi32, #tpu.memory_space<vmem>>, vector<16xi32>,
        %gather3A_274 = tpu.vector_load_idx %arg7[%broadcast_in_dim3A_1, %get3A_273] : memref<4x10000xf32, #tpu.memory_space<vmem>>[vector<16xi32>, vector<16xi32>], vector<16xf32>,
        %add3A_275 = arith.addf %add3A_261, %gather3A_274 : vector<16xf32>
        %gather3A_276 = tpu.vector_load_idx %arg7[%broadcast_in_dim3A_3, %get3A_273] : memref<4x10000xf32, #tpu.memory_space<vmem>>[vector<16xi32>, vector<16xi32>], vector<16xf32>,
        %add3A_277 = arith.addf %add3A_263, %gather3A_276 : vector<16xf32>
        %gather3A_278 = tpu.vector_load_idx %arg7[%broadcast_in_dim3A_5, %get3A_273] : memref<4x10000xf32, #tpu.memory_space<vmem>>[vector<16xi32>, vector<16xi32>], vector<16xf32>,
        %add3A_279 = arith.addf %add3A_265, %gather3A_278 : vector<16xf32>
        %gather3A_280 = tpu.vector_load_idx %arg7[%broadcast_in_dim3A_7, %get3A_273] : memref<4x10000xf32, #tpu.memory_space<vmem>>[vector<16xi32>, vector<16xi32>], vector<16xf32>,
        %add3A_281 = arith.addf %add3A_267, %gather3A_280 : vector<16xf32>
        %mul3A_282 = arith.constant 16 : i32
        %mul3A_283 = arith.muli %scan3A_23, %mul3A_282 : i32
        %get3A_284 = arith.constant 18 : i32
        %get3A_285 = arith.index_cast %get3A_284 : i32 to index
        %get3A_286 = arith.index_cast %mul3A_283 : i32 to index
        %get3A_287 = tpu.vector_load %arg9[%get3A_285, %get3A_286] {strides = array<i32>} : memref<32x128xi32, #tpu.memory_space<vmem>>, vector<16xi32>,
        %gather3A_288 = tpu.vector_load_idx %arg7[%broadcast_in_dim3A_1, %get3A_287] : memref<4x10000xf32, #tpu.memory_space<vmem>>[vector<16xi32>, vector<16xi32>], vector<16xf32>,
        %add3A_289 = arith.addf %add3A_275, %gather3A_288 : vector<16xf32>
        %gather3A_290 = tpu.vector_load_idx %arg7[%broadcast_in_dim3A_3, %get3A_287] : memref<4x10000xf32, #tpu.memory_space<vmem>>[vector<16xi32>, vector<16xi32>], vector<16xf32>,
        %add3A_291 = arith.addf %add3A_277, %gather3A_290 : vector<16xf32>
        %gather3A_292 = tpu.vector_load_idx %arg7[%broadcast_in_dim3A_5, %get3A_287] : memref<4x10000xf32, #tpu.memory_space<vmem>>[vector<16xi32>, vector<16xi32>], vector<16xf32>,
        %add3A_293 = arith.addf %add3A_279, %gather3A_292 : vector<16xf32>
        %gather3A_294 = tpu.vector_load_idx %arg7[%broadcast_in_dim3A_7, %get3A_287] : memref<4x10000xf32, #tpu.memory_space<vmem>>[vector<16xi32>, vector<16xi32>], vector<16xf32>,
        %add3A_295 = arith.addf %add3A_281, %gather3A_294 : vector<16xf32>
        %mul3A_296 = arith.constant 16 : i32
        %mul3A_297 = arith.muli %scan3A_23, %mul3A_296 : i32
        %get3A_298 = arith.constant 19 : i32
        %get3A_299 = arith.index_cast %get3A_298 : i32 to index
        %get3A_300 = arith.index_cast %mul3A_297 : i32 to index
        %get3A_301 = tpu.vector_load %arg9[%get3A_299, %get3A_300] {strides = array<i32>} : memref<32x128xi32, #tpu.memory_space<vmem>>, vector<16xi32>,
        %gather3A_302 = tpu.vector_load_idx %arg7[%broadcast_in_dim3A_1, %get3A_301] : memref<4x10000xf32, #tpu.memory_space<vmem>>[vector<16xi32>, vector<16xi32>], vector<16xf32>,
        %add3A_303 = arith.addf %add3A_289, %gather3A_302 : vector<16xf32>
        %gather3A_304 = tpu.vector_load_idx %arg7[%broadcast_in_dim3A_3, %get3A_301] : memref<4x10000xf32, #tpu.memory_space<vmem>>[vector<16xi32>, vector<16xi32>], vector<16xf32>,
        %add3A_305 = arith.addf %add3A_291, %gather3A_304 : vector<16xf32>
        %gather3A_306 = tpu.vector_load_idx %arg7[%broadcast_in_dim3A_5, %get3A_301] : memref<4x10000xf32, #tpu.memory_space<vmem>>[vector<16xi32>, vector<16xi32>], vector<16xf32>,
        %add3A_307 = arith.addf %add3A_293, %gather3A_306 : vector<16xf32>
        %gather3A_308 = tpu.vector_load_idx %arg7[%broadcast_in_dim3A_7, %get3A_301] : memref<4x10000xf32, #tpu.memory_space<vmem>>[vector<16xi32>, vector<16xi32>], vector<16xf32>,
        %add3A_309 = arith.addf %add3A_295, %gather3A_308 : vector<16xf32>
        %mul3A_310 = arith.constant 16 : i32
        %mul3A_311 = arith.muli %scan3A_23, %mul3A_310 : i32
        %get3A_312 = arith.constant 20 : i32
        %get3A_313 = arith.index_cast %get3A_312 : i32 to index
        %get3A_314 = arith.index_cast %mul3A_311 : i32 to index
        %get3A_315 = tpu.vector_load %arg9[%get3A_313, %get3A_314] {strides = array<i32>} : memref<32x128xi32, #tpu.memory_space<vmem>>, vector<16xi32>,
        %gather3A_316 = tpu.vector_load_idx %arg7[%broadcast_in_dim3A_1, %get3A_315] : memref<4x10000xf32, #tpu.memory_space<vmem>>[vector<16xi32>, vector<16xi32>], vector<16xf32>,
        %add3A_317 = arith.addf %add3A_303, %gather3A_316 : vector<16xf32>
        %gather3A_318 = tpu.vector_load_idx %arg7[%broadcast_in_dim3A_3, %get3A_315] : memref<4x10000xf32, #tpu.memory_space<vmem>>[vector<16xi32>, vector<16xi32>], vector<16xf32>,
        %add3A_319 = arith.addf %add3A_305, %gather3A_318 : vector<16xf32>
        %gather3A_320 = tpu.vector_load_idx %arg7[%broadcast_in_dim3A_5, %get3A_315] : memref<4x10000xf32, #tpu.memory_space<vmem>>[vector<16xi32>, vector<16xi32>], vector<16xf32>,
        %add3A_321 = arith.addf %add3A_307, %gather3A_320 : vector<16xf32>
        %gather3A_322 = tpu.vector_load_idx %arg7[%broadcast_in_dim3A_7, %get3A_315] : memref<4x10000xf32, #tpu.memory_space<vmem>>[vector<16xi32>, vector<16xi32>], vector<16xf32>,
        %add3A_323 = arith.addf %add3A_309, %gather3A_322 : vector<16xf32>
        %mul3A_324 = arith.constant 16 : i32
        %mul3A_325 = arith.muli %scan3A_23, %mul3A_324 : i32
        %get3A_326 = arith.constant 21 : i32
        %get3A_327 = arith.index_cast %get3A_326 : i32 to index
        %get3A_328 = arith.index_cast %mul3A_325 : i32 to index
        %get3A_329 = tpu.vector_load %arg9[%get3A_327, %get3A_328] {strides = array<i32>} : memref<32x128xi32, #tpu.memory_space<vmem>>, vector<16xi32>,
        %gather3A_330 = tpu.vector_load_idx %arg7[%broadcast_in_dim3A_1, %get3A_329] : memref<4x10000xf32, #tpu.memory_space<vmem>>[vector<16xi32>, vector<16xi32>], vector<16xf32>,
        %add3A_331 = arith.addf %add3A_317, %gather3A_330 : vector<16xf32>
        %gather3A_332 = tpu.vector_load_idx %arg7[%broadcast_in_dim3A_3, %get3A_329] : memref<4x10000xf32, #tpu.memory_space<vmem>>[vector<16xi32>, vector<16xi32>], vector<16xf32>,
        %add3A_333 = arith.addf %add3A_319, %gather3A_332 : vector<16xf32>
        %gather3A_334 = tpu.vector_load_idx %arg7[%broadcast_in_dim3A_5, %get3A_329] : memref<4x10000xf32, #tpu.memory_space<vmem>>[vector<16xi32>, vector<16xi32>], vector<16xf32>,
        %add3A_335 = arith.addf %add3A_321, %gather3A_334 : vector<16xf32>
        %gather3A_336 = tpu.vector_load_idx %arg7[%broadcast_in_dim3A_7, %get3A_329] : memref<4x10000xf32, #tpu.memory_space<vmem>>[vector<16xi32>, vector<16xi32>], vector<16xf32>,
        %add3A_337 = arith.addf %add3A_323, %gather3A_336 : vector<16xf32>
        %mul3A_338 = arith.constant 16 : i32
        %mul3A_339 = arith.muli %scan3A_23, %mul3A_338 : i32
        %get3A_340 = arith.constant 22 : i32
        %get3A_341 = arith.index_cast %get3A_340 : i32 to index
        %get3A_342 = arith.index_cast %mul3A_339 : i32 to index
        %get3A_343 = tpu.vector_load %arg9[%get3A_341, %get3A_342] {strides = array<i32>} : memref<32x128xi32, #tpu.memory_space<vmem>>, vector<16xi32>,
        %gather3A_344 = tpu.vector_load_idx %arg7[%broadcast_in_dim3A_1, %get3A_343] : memref<4x10000xf32, #tpu.memory_space<vmem>>[vector<16xi32>, vector<16xi32>], vector<16xf32>,
        %add3A_345 = arith.addf %add3A_331, %gather3A_344 : vector<16xf32>
        %gather3A_346 = tpu.vector_load_idx %arg7[%broadcast_in_dim3A_3, %get3A_343] : memref<4x10000xf32, #tpu.memory_space<vmem>>[vector<16xi32>, vector<16xi32>], vector<16xf32>,
        %add3A_347 = arith.addf %add3A_333, %gather3A_346 : vector<16xf32>
        %gather3A_348 = tpu.vector_load_idx %arg7[%broadcast_in_dim3A_5, %get3A_343] : memref<4x10000xf32, #tpu.memory_space<vmem>>[vector<16xi32>, vector<16xi32>], vector<16xf32>,
        %add3A_349 = arith.addf %add3A_335, %gather3A_348 : vector<16xf32>
        %gather3A_350 = tpu.vector_load_idx %arg7[%broadcast_in_dim3A_7, %get3A_343] : memref<4x10000xf32, #tpu.memory_space<vmem>>[vector<16xi32>, vector<16xi32>], vector<16xf32>,
        %add3A_351 = arith.addf %add3A_337, %gather3A_350 : vector<16xf32>
        %mul3A_352 = arith.constant 16 : i32
        %mul3A_353 = arith.muli %scan3A_23, %mul3A_352 : i32
        %get3A_354 = arith.constant 23 : i32
        %get3A_355 = arith.index_cast %get3A_354 : i32 to index
        %get3A_356 = arith.index_cast %mul3A_353 : i32 to index
        %get3A_357 = tpu.vector_load %arg9[%get3A_355, %get3A_356] {strides = array<i32>} : memref<32x128xi32, #tpu.memory_space<vmem>>, vector<16xi32>,
        %gather3A_358 = tpu.vector_load_idx %arg7[%broadcast_in_dim3A_1, %get3A_357] : memref<4x10000xf32, #tpu.memory_space<vmem>>[vector<16xi32>, vector<16xi32>], vector<16xf32>,
        %add3A_359 = arith.addf %add3A_345, %gather3A_358 : vector<16xf32>
        %gather3A_360 = tpu.vector_load_idx %arg7[%broadcast_in_dim3A_3, %get3A_357] : memref<4x10000xf32, #tpu.memory_space<vmem>>[vector<16xi32>, vector<16xi32>], vector<16xf32>,
        %add3A_361 = arith.addf %add3A_347, %gather3A_360 : vector<16xf32>
        %gather3A_362 = tpu.vector_load_idx %arg7[%broadcast_in_dim3A_5, %get3A_357] : memref<4x10000xf32, #tpu.memory_space<vmem>>[vector<16xi32>, vector<16xi32>], vector<16xf32>,
        %add3A_363 = arith.addf %add3A_349, %gather3A_362 : vector<16xf32>
        %gather3A_364 = tpu.vector_load_idx %arg7[%broadcast_in_dim3A_7, %get3A_357] : memref<4x10000xf32, #tpu.memory_space<vmem>>[vector<16xi32>, vector<16xi32>], vector<16xf32>,
        %add3A_365 = arith.addf %add3A_351, %gather3A_364 : vector<16xf32>
        %mul3A_366 = arith.constant 16 : i32
        %mul3A_367 = arith.muli %scan3A_23, %mul3A_366 : i32
        %get3A_368 = arith.constant 24 : i32
        %get3A_369 = arith.index_cast %get3A_368 : i32 to index
        %get3A_370 = arith.index_cast %mul3A_367 : i32 to index
        %get3A_371 = tpu.vector_load %arg9[%get3A_369, %get3A_370] {strides = array<i32>} : memref<32x128xi32, #tpu.memory_space<vmem>>, vector<16xi32>,
        %gather3A_372 = tpu.vector_load_idx %arg7[%broadcast_in_dim3A_1, %get3A_371] : memref<4x10000xf32, #tpu.memory_space<vmem>>[vector<16xi32>, vector<16xi32>], vector<16xf32>,
        %add3A_373 = arith.addf %add3A_359, %gather3A_372 : vector<16xf32>
        %gather3A_374 = tpu.vector_load_idx %arg7[%broadcast_in_dim3A_3, %get3A_371] : memref<4x10000xf32, #tpu.memory_space<vmem>>[vector<16xi32>, vector<16xi32>], vector<16xf32>,
        %add3A_375 = arith.addf %add3A_361, %gather3A_374 : vector<16xf32>
        %gather3A_376 = tpu.vector_load_idx %arg7[%broadcast_in_dim3A_5, %get3A_371] : memref<4x10000xf32, #tpu.memory_space<vmem>>[vector<16xi32>, vector<16xi32>], vector<16xf32>,
        %add3A_377 = arith.addf %add3A_363, %gather3A_376 : vector<16xf32>
        %gather3A_378 = tpu.vector_load_idx %arg7[%broadcast_in_dim3A_7, %get3A_371] : memref<4x10000xf32, #tpu.memory_space<vmem>>[vector<16xi32>, vector<16xi32>], vector<16xf32>,
        %add3A_379 = arith.addf %add3A_365, %gather3A_378 : vector<16xf32>
        %mul3A_380 = arith.constant 16 : i32
        %mul3A_381 = arith.muli %scan3A_23, %mul3A_380 : i32
        %get3A_382 = arith.constant 25 : i32
        %get3A_383 = arith.index_cast %get3A_382 : i32 to index
        %get3A_384 = arith.index_cast %mul3A_381 : i32 to index
        %get3A_385 = tpu.vector_load %arg9[%get3A_383, %get3A_384] {strides = array<i32>} : memref<32x128xi32, #tpu.memory_space<vmem>>, vector<16xi32>,
        %gather3A_386 = tpu.vector_load_idx %arg7[%broadcast_in_dim3A_1, %get3A_385] : memref<4x10000xf32, #tpu.memory_space<vmem>>[vector<16xi32>, vector<16xi32>], vector<16xf32>,
        %add3A_387 = arith.addf %add3A_373, %gather3A_386 : vector<16xf32>
        %gather3A_388 = tpu.vector_load_idx %arg7[%broadcast_in_dim3A_3, %get3A_385] : memref<4x10000xf32, #tpu.memory_space<vmem>>[vector<16xi32>, vector<16xi32>], vector<16xf32>,
        %add3A_389 = arith.addf %add3A_375, %gather3A_388 : vector<16xf32>
        %gather3A_390 = tpu.vector_load_idx %arg7[%broadcast_in_dim3A_5, %get3A_385] : memref<4x10000xf32, #tpu.memory_space<vmem>>[vector<16xi32>, vector<16xi32>], vector<16xf32>,
        %add3A_391 = arith.addf %add3A_377, %gather3A_390 : vector<16xf32>
        %gather3A_392 = tpu.vector_load_idx %arg7[%broadcast_in_dim3A_7, %get3A_385] : memref<4x10000xf32, #tpu.memory_space<vmem>>[vector<16xi32>, vector<16xi32>], vector<16xf32>,
        %add3A_393 = arith.addf %add3A_379, %gather3A_392 : vector<16xf32>
        %mul3A_394 = arith.constant 16 : i32
        %mul3A_395 = arith.muli %scan3A_23, %mul3A_394 : i32
        %get3A_396 = arith.constant 26 : i32
        %get3A_397 = arith.index_cast %get3A_396 : i32 to index
        %get3A_398 = arith.index_cast %mul3A_395 : i32 to index
        %get3A_399 = tpu.vector_load %arg9[%get3A_397, %get3A_398] {strides = array<i32>} : memref<32x128xi32, #tpu.memory_space<vmem>>, vector<16xi32>,
        %gather3A_400 = tpu.vector_load_idx %arg7[%broadcast_in_dim3A_1, %get3A_399] : memref<4x10000xf32, #tpu.memory_space<vmem>>[vector<16xi32>, vector<16xi32>], vector<16xf32>,
        %add3A_401 = arith.addf %add3A_387, %gather3A_400 : vector<16xf32>
        %gather3A_402 = tpu.vector_load_idx %arg7[%broadcast_in_dim3A_3, %get3A_399] : memref<4x10000xf32, #tpu.memory_space<vmem>>[vector<16xi32>, vector<16xi32>], vector<16xf32>,
        %add3A_403 = arith.addf %add3A_389, %gather3A_402 : vector<16xf32>
        %gather3A_404 = tpu.vector_load_idx %arg7[%broadcast_in_dim3A_5, %get3A_399] : memref<4x10000xf32, #tpu.memory_space<vmem>>[vector<16xi32>, vector<16xi32>], vector<16xf32>,
        %add3A_405 = arith.addf %add3A_391, %gather3A_404 : vector<16xf32>
        %gather3A_406 = tpu.vector_load_idx %arg7[%broadcast_in_dim3A_7, %get3A_399] : memref<4x10000xf32, #tpu.memory_space<vmem>>[vector<16xi32>, vector<16xi32>], vector<16xf32>,
        %add3A_407 = arith.addf %add3A_393, %gather3A_406 : vector<16xf32>
        %mul3A_408 = arith.constant 16 : i32
        %mul3A_409 = arith.muli %scan3A_23, %mul3A_408 : i32
        %get3A_410 = arith.constant 27 : i32
        %get3A_411 = arith.index_cast %get3A_410 : i32 to index
        %get3A_412 = arith.index_cast %mul3A_409 : i32 to index
        %get3A_413 = tpu.vector_load %arg9[%get3A_411, %get3A_412] {strides = array<i32>} : memref<32x128xi32, #tpu.memory_space<vmem>>, vector<16xi32>,
        %gather3A_414 = tpu.vector_load_idx %arg7[%broadcast_in_dim3A_1, %get3A_413] : memref<4x10000xf32, #tpu.memory_space<vmem>>[vector<16xi32>, vector<16xi32>], vector<16xf32>,
        %add3A_415 = arith.addf %add3A_401, %gather3A_414 : vector<16xf32>
        %gather3A_416 = tpu.vector_load_idx %arg7[%broadcast_in_dim3A_3, %get3A_413] : memref<4x10000xf32, #tpu.memory_space<vmem>>[vector<16xi32>, vector<16xi32>], vector<16xf32>,
        %add3A_417 = arith.addf %add3A_403, %gather3A_416 : vector<16xf32>
        %gather3A_418 = tpu.vector_load_idx %arg7[%broadcast_in_dim3A_5, %get3A_413] : memref<4x10000xf32, #tpu.memory_space<vmem>>[vector<16xi32>, vector<16xi32>], vector<16xf32>,
        %add3A_419 = arith.addf %add3A_405, %gather3A_418 : vector<16xf32>
        %gather3A_420 = tpu.vector_load_idx %arg7[%broadcast_in_dim3A_7, %get3A_413] : memref<4x10000xf32, #tpu.memory_space<vmem>>[vector<16xi32>, vector<16xi32>], vector<16xf32>,
        %add3A_421 = arith.addf %add3A_407, %gather3A_420 : vector<16xf32>
        %mul3A_422 = arith.constant 16 : i32
        %mul3A_423 = arith.muli %scan3A_23, %mul3A_422 : i32
        %get3A_424 = arith.constant 28 : i32
        %get3A_425 = arith.index_cast %get3A_424 : i32 to index
        %get3A_426 = arith.index_cast %mul3A_423 : i32 to index
        %get3A_427 = tpu.vector_load %arg9[%get3A_425, %get3A_426] {strides = array<i32>} : memref<32x128xi32, #tpu.memory_space<vmem>>, vector<16xi32>,
        %gather3A_428 = tpu.vector_load_idx %arg7[%broadcast_in_dim3A_1, %get3A_427] : memref<4x10000xf32, #tpu.memory_space<vmem>>[vector<16xi32>, vector<16xi32>], vector<16xf32>,
        %add3A_429 = arith.addf %add3A_415, %gather3A_428 : vector<16xf32>
        %gather3A_430 = tpu.vector_load_idx %arg7[%broadcast_in_dim3A_3, %get3A_427] : memref<4x10000xf32, #tpu.memory_space<vmem>>[vector<16xi32>, vector<16xi32>], vector<16xf32>,
        %add3A_431 = arith.addf %add3A_417, %gather3A_430 : vector<16xf32>
        %gather3A_432 = tpu.vector_load_idx %arg7[%broadcast_in_dim3A_5, %get3A_427] : memref<4x10000xf32, #tpu.memory_space<vmem>>[vector<16xi32>, vector<16xi32>], vector<16xf32>,
        %add3A_433 = arith.addf %add3A_419, %gather3A_432 : vector<16xf32>
        %gather3A_434 = tpu.vector_load_idx %arg7[%broadcast_in_dim3A_7, %get3A_427] : memref<4x10000xf32, #tpu.memory_space<vmem>>[vector<16xi32>, vector<16xi32>], vector<16xf32>,
        %add3A_435 = arith.addf %add3A_421, %gather3A_434 : vector<16xf32>
        %mul3A_436 = arith.constant 16 : i32
        %mul3A_437 = arith.muli %scan3A_23, %mul3A_436 : i32
        %get3A_438 = arith.constant 29 : i32
        %get3A_439 = arith.index_cast %get3A_438 : i32 to index
        %get3A_440 = arith.index_cast %mul3A_437 : i32 to index
        %get3A_441 = tpu.vector_load %arg9[%get3A_439, %get3A_440] {strides = array<i32>} : memref<32x128xi32, #tpu.memory_space<vmem>>, vector<16xi32>,
        %gather3A_442 = tpu.vector_load_idx %arg7[%broadcast_in_dim3A_1, %get3A_441] : memref<4x10000xf32, #tpu.memory_space<vmem>>[vector<16xi32>, vector<16xi32>], vector<16xf32>,
        %add3A_443 = arith.addf %add3A_429, %gather3A_442 : vector<16xf32>
        %gather3A_444 = tpu.vector_load_idx %arg7[%broadcast_in_dim3A_3, %get3A_441] : memref<4x10000xf32, #tpu.memory_space<vmem>>[vector<16xi32>, vector<16xi32>], vector<16xf32>,
        %add3A_445 = arith.addf %add3A_431, %gather3A_444 : vector<16xf32>
        %gather3A_446 = tpu.vector_load_idx %arg7[%broadcast_in_dim3A_5, %get3A_441] : memref<4x10000xf32, #tpu.memory_space<vmem>>[vector<16xi32>, vector<16xi32>], vector<16xf32>,
        %add3A_447 = arith.addf %add3A_433, %gather3A_446 : vector<16xf32>
        %gather3A_448 = tpu.vector_load_idx %arg7[%broadcast_in_dim3A_7, %get3A_441] : memref<4x10000xf32, #tpu.memory_space<vmem>>[vector<16xi32>, vector<16xi32>], vector<16xf32>,
        %add3A_449 = arith.addf %add3A_435, %gather3A_448 : vector<16xf32>
        %mul3A_450 = arith.constant 16 : i32
        %mul3A_451 = arith.muli %scan3A_23, %mul3A_450 : i32
        %get3A_452 = arith.constant 30 : i32
        %get3A_453 = arith.index_cast %get3A_452 : i32 to index
        %get3A_454 = arith.index_cast %mul3A_451 : i32 to index
        %get3A_455 = tpu.vector_load %arg9[%get3A_453, %get3A_454] {strides = array<i32>} : memref<32x128xi32, #tpu.memory_space<vmem>>, vector<16xi32>,
        %gather3A_456 = tpu.vector_load_idx %arg7[%broadcast_in_dim3A_1, %get3A_455] : memref<4x10000xf32, #tpu.memory_space<vmem>>[vector<16xi32>, vector<16xi32>], vector<16xf32>,
        %add3A_457 = arith.addf %add3A_443, %gather3A_456 : vector<16xf32>
        %gather3A_458 = tpu.vector_load_idx %arg7[%broadcast_in_dim3A_3, %get3A_455] : memref<4x10000xf32, #tpu.memory_space<vmem>>[vector<16xi32>, vector<16xi32>], vector<16xf32>,
        %add3A_459 = arith.addf %add3A_445, %gather3A_458 : vector<16xf32>
        %gather3A_460 = tpu.vector_load_idx %arg7[%broadcast_in_dim3A_5, %get3A_455] : memref<4x10000xf32, #tpu.memory_space<vmem>>[vector<16xi32>, vector<16xi32>], vector<16xf32>,
        %add3A_461 = arith.addf %add3A_447, %gather3A_460 : vector<16xf32>
        %gather3A_462 = tpu.vector_load_idx %arg7[%broadcast_in_dim3A_7, %get3A_455] : memref<4x10000xf32, #tpu.memory_space<vmem>>[vector<16xi32>, vector<16xi32>], vector<16xf32>,
        %add3A_463 = arith.addf %add3A_449, %gather3A_462 : vector<16xf32>
        %mul3A_464 = arith.constant 16 : i32
        %mul3A_465 = arith.muli %scan3A_23, %mul3A_464 : i32
        %get3A_466 = arith.constant 31 : i32
        %get3A_467 = arith.index_cast %get3A_466 : i32 to index
        %get3A_468 = arith.index_cast %mul3A_465 : i32 to index
        %get3A_469 = tpu.vector_load %arg9[%get3A_467, %get3A_468] {strides = array<i32>} : memref<32x128xi32, #tpu.memory_space<vmem>>, vector<16xi32>,
        %gather3A_470 = tpu.vector_load_idx %arg7[%broadcast_in_dim3A_1, %get3A_469] : memref<4x10000xf32, #tpu.memory_space<vmem>>[vector<16xi32>, vector<16xi32>], vector<16xf32>,
        %add3A_471 = arith.addf %add3A_457, %gather3A_470 : vector<16xf32>
        %gather3A_472 = tpu.vector_load_idx %arg7[%broadcast_in_dim3A_3, %get3A_469] : memref<4x10000xf32, #tpu.memory_space<vmem>>[vector<16xi32>, vector<16xi32>], vector<16xf32>,
        %add3A_473 = arith.addf %add3A_459, %gather3A_472 : vector<16xf32>
        %gather3A_474 = tpu.vector_load_idx %arg7[%broadcast_in_dim3A_5, %get3A_469] : memref<4x10000xf32, #tpu.memory_space<vmem>>[vector<16xi32>, vector<16xi32>], vector<16xf32>,
        %add3A_475 = arith.addf %add3A_461, %gather3A_474 : vector<16xf32>
        %gather3A_476 = tpu.vector_load_idx %arg7[%broadcast_in_dim3A_7, %get3A_469] : memref<4x10000xf32, #tpu.memory_space<vmem>>[vector<16xi32>, vector<16xi32>], vector<16xf32>,
        %add3A_477 = arith.addf %add3A_463, %gather3A_476 : vector<16xf32>
        %mul3A_478 = arith.constant 3.125000e-02 : f32
        %mul3A_479 = vector.broadcast %mul3A_478 : f32 to vector<16xf32>
        %mul3A_480 = arith.mulf %add3A_471, %mul3A_479 : vector<16xf32>
        %mul3A_481 = arith.constant 16 : i32
        %mul3A_482 = arith.muli %scan3A_23, %mul3A_481 : i32
        %swap3A = arith.constant 0 : i32
        %swap3A_483 = arith.index_cast %swap3A : i32 to index
        %swap3A_484 = arith.index_cast %mul3A_482 : i32 to index
        %swap3A_485 = tpu.vector_load %arg10[%swap3A_483, %swap3A_484] {strides = array<i32>} : memref<4x128xf32, #tpu.memory_space<vmem>>, vector<16xf32>,
        tpu.vector_store %arg10[%swap3A_483, %swap3A_484], %mul3A_480 {strides = array<i32>} : memref<4x128xf32, #tpu.memory_space<vmem>>, vector<16xf32>,
        %mul3A_486 = arith.constant 3.125000e-02 : f32
        %mul3A_487 = vector.broadcast %mul3A_486 : f32 to vector<16xf32>
        %mul3A_488 = arith.mulf %add3A_473, %mul3A_487 : vector<16xf32>
        %mul3A_489 = arith.constant 16 : i32
        %mul3A_490 = arith.muli %scan3A_23, %mul3A_489 : i32
        %swap3A_491 = arith.constant 1 : i32
        %swap3A_492 = arith.index_cast %swap3A_491 : i32 to index
        %swap3A_493 = arith.index_cast %mul3A_490 : i32 to index
        %swap3A_494 = tpu.vector_load %arg10[%swap3A_492, %swap3A_493] {strides = array<i32>} : memref<4x128xf32, #tpu.memory_space<vmem>>, vector<16xf32>,
        tpu.vector_store %arg10[%swap3A_492, %swap3A_493], %mul3A_488 {strides = array<i32>} : memref<4x128xf32, #tpu.memory_space<vmem>>, vector<16xf32>,
        %mul3A_495 = arith.constant 3.125000e-02 : f32
        %mul3A_496 = vector.broadcast %mul3A_495 : f32 to vector<16xf32>
        %mul3A_497 = arith.mulf %add3A_475, %mul3A_496 : vector<16xf32>
        %mul3A_498 = arith.constant 16 : i32
        %mul3A_499 = arith.muli %scan3A_23, %mul3A_498 : i32
        %swap3A_500 = arith.constant 2 : i32
        %swap3A_501 = arith.index_cast %swap3A_500 : i32 to index
        %swap3A_502 = arith.index_cast %mul3A_499 : i32 to index
        %swap3A_503 = tpu.vector_load %arg10[%swap3A_501, %swap3A_502] {strides = array<i32>} : memref<4x128xf32, #tpu.memory_space<vmem>>, vector<16xf32>,
        tpu.vector_store %arg10[%swap3A_501, %swap3A_502], %mul3A_497 {strides = array<i32>} : memref<4x128xf32, #tpu.memory_space<vmem>>, vector<16xf32>,
        %mul3A_504 = arith.constant 3.125000e-02 : f32
        %mul3A_505 = vector.broadcast %mul3A_504 : f32 to vector<16xf32>
        %mul3A_506 = arith.mulf %add3A_477, %mul3A_505 : vector<16xf32>
        %mul3A_507 = arith.constant 16 : i32
        %mul3A_508 = arith.muli %scan3A_23, %mul3A_507 : i32
        %swap3A_509 = arith.constant 3 : i32
        %swap3A_510 = arith.index_cast %swap3A_509 : i32 to index
        %swap3A_511 = arith.index_cast %mul3A_508 : i32 to index
        %swap3A_512 = tpu.vector_load %arg10[%swap3A_510, %swap3A_511] {strides = array<i32>} : memref<4x128xf32, #tpu.memory_space<vmem>>, vector<16xf32>,
        tpu.vector_store %arg10[%swap3A_510, %swap3A_511], %mul3A_506 {strides = array<i32>} : memref<4x128xf32, #tpu.memory_space<vmem>>, vector<16xf32>,
      }
      %scan3A_22 = arith.constant 8 : i32
      "tpu.region"() ({
        %run_scoped3A = tpu.sem_alloc : memref<!tpu.dma_semaphore, #tpu.memory_space<semaphore_mem>>
        %dma_start3A = arith.constant 0 : i32
        %dma_start3A_23 = arith.constant 0 : i32
        %dma_start3A_24 = tpu.memref_slice %arg5[%add3A, %scan3A_17, %dma_start3A, %dma_start3A_23] : memref<32x64x4x128xf32, #tpu.memory_space<hbm>> -> memref<1x1x4x128xf32, #tpu.memory_space<hbm>>
        %dma_start3A_25 = tpu.memref_squeeze %dma_start3A_24 : memref<1x1x4x128xf32, #tpu.memory_space<hbm>> -> memref<4x128xf32, #tpu.memory_space<hbm>>
        %dma_start3A_26 = arith.constant 0 : i32
        %dma_start3A_27 = arith.constant 0 : i32
        %dma_start3A_28 = tpu.memref_slice %arg5[%add3A, %scan3A_17, %dma_start3A_26, %dma_start3A_27] : memref<32x64x4x128xf32, #tpu.memory_space<hbm>> -> memref<1x1x4x128xf32, #tpu.memory_space<hbm>>
        %dma_start3A_29 = tpu.memref_squeeze %dma_start3A_28 : memref<1x1x4x128xf32, #tpu.memory_space<hbm>> -> memref<4x128xf32, #tpu.memory_space<hbm>>
        tpu.enqueue_dma source(%arg10 : memref<4x128xf32, #tpu.memory_space<vmem>>) target(%dma_start3A_29 : memref<4x128xf32, #tpu.memory_space<hbm>>) target_semaphore(%run_scoped3A : memref<!tpu.dma_semaphore, #tpu.memory_space<semaphore_mem>>)
        %dma_wait3A = arith.constant 0 : i32
        %dma_wait3A_30 = arith.constant 0 : i32
        %dma_wait3A_31 = tpu.memref_slice %arg5[%add3A, %scan3A_17, %dma_wait3A, %dma_wait3A_30] : memref<32x64x4x128xf32, #tpu.memory_space<hbm>> -> memref<1x1x4x128xf32, #tpu.memory_space<hbm>>
        %dma_wait3A_32 = tpu.memref_squeeze %dma_wait3A_31 : memref<1x1x4x128xf32, #tpu.memory_space<hbm>> -> memref<4x128xf32, #tpu.memory_space<hbm>>
        %dma_wait3A_33 = arith.constant 0 : i32
        %dma_wait3A_34 = arith.constant 0 : i32
        %dma_wait3A_35 = tpu.memref_slice %arg5[%add3A, %scan3A_17, %dma_wait3A_33, %dma_wait3A_34] : memref<32x64x4x128xf32, #tpu.memory_space<hbm>> -> memref<1x1x4x128xf32, #tpu.memory_space<hbm>>
        %dma_wait3A_36 = tpu.memref_squeeze %dma_wait3A_35 : memref<1x1x4x128xf32, #tpu.memory_space<hbm>> -> memref<4x128xf32, #tpu.memory_space<hbm>>
        tpu.wait_dma2 semaphore(%run_scoped3A : memref<!tpu.dma_semaphore, #tpu.memory_space<semaphore_mem>>) src(%arg10 : memref<4x128xf32, #tpu.memory_space<vmem>>) dst(%dma_wait3A_36 : memref<4x128xf32, #tpu.memory_space<hbm>>)
        tpu.yield
      }) : () -> ()
    }
    %scan3A_16 = arith.constant 64 : i32
    return
  }
}

module attributes {stable_mosaic.version = 14 : i64} {
  func.func @_mm_body(%arg0: i32, %arg1: memref<1024x128xf32, #tpu.memory_space<vmem>>, %arg2: memref<128x256xf32, #tpu.memory_space<vmem>>, %arg3: memref<1024x256xf32, #tpu.memory_space<vmem>>) attributes {dimension_semantics = [#tpu.dimension_semantics<arbitrary>], iteration_bounds = array<i64: 8>, scalar_prefetch = 0 : i64, scratch_operands = 0 : i64, tpu.core_type = #tpu.core_type<tc>, window_params = [{transform_indices = @transform_0, window_bounds = array<i64: 1024, 128>}, {pipeline_mode = #tpu.pipeline_mode<synchronous>, transform_indices = @transform_1, window_bounds = array<i64: 128, 256>}, {transform_indices = @transform_2, window_bounds = array<i64: 1024, 256>}]} {
    %get3A = arith.constant 0 : index
    %get3A_0 = arith.constant 0 : index
    %get3A_1 = vector.load %arg1[%get3A, %get3A_0] : memref<1024x128xf32, #tpu.memory_space<vmem>>, vector<1024x128xf32>
    %get3A_2 = arith.constant 0 : index
    %get3A_3 = arith.constant 0 : index
    %get3A_4 = vector.load %arg2[%get3A_2, %get3A_3] : memref<128x256xf32, #tpu.memory_space<vmem>>, vector<128x256xf32>
    %dot_general3A = arith.constant dense<0.000000e+00> : vector<1024x256xf32>
    %dot_general3A_5 = tpu.matmul %get3A_1, %get3A_4, %dot_general3A {dimension_numbers = #tpu.dot_dimension_numbers<[1], [0], [0], [1], [0, 0, 1, 1], [], []>, transpose_lhs_hint = false} : vector<1024x128xf32>, vector<128x256xf32>, vector<1024x256xf32> -> vector<1024x256xf32>
    %max3A = arith.constant 0.000000e+00 : f32
    %max3A_6 = vector.broadcast %max3A : f32 to vector<1024x256xf32>
    %max3A_7 = arith.maximumf %dot_general3A_5, %max3A_6 : vector<1024x256xf32>
    %swap3A = arith.constant 0 : index
    %swap3A_8 = arith.constant 0 : index
    %swap3A_9 = vector.load %arg3[%swap3A, %swap3A_8] : memref<1024x256xf32, #tpu.memory_space<vmem>>, vector<1024x256xf32>
    tpu.vector_store %arg3[%swap3A, %swap3A_8], %max3A_7 {strides = array<i32>} : memref<1024x256xf32, #tpu.memory_space<vmem>>, vector<1024x256xf32>,
    return
  }
  func.func @transform_0(%arg0: i32) -> (i32, i32) {
    %c0_i32 = arith.constant 0 : i32
    %c0_i32_0 = arith.constant 0 : i32
    return %arg0, %c0_i32 : i32, i32
  }
  func.func @transform_1(%arg0: i32) -> (i32, i32) {
    %c0_i32 = arith.constant 0 : i32
    %c0_i32_0 = arith.constant 0 : i32
    %c0_i32_1 = arith.constant 0 : i32
    return %c0_i32, %c0_i32_0 : i32, i32
  }
  func.func @transform_2(%arg0: i32) -> (i32, i32) {
    %c0_i32 = arith.constant 0 : i32
    %c0_i32_0 = arith.constant 0 : i32
    return %arg0, %c0_i32 : i32, i32
  }
}

</mosaic_0001>

<sc_bundles>
// kernel: kernel.5.cloned.1.call-start
scs
__scs_entry_jumppad:
0x0: {  	(pc) =	sbr.rel $0x88, $3  }
0x1: {  	(tag) =	ssettag $0x0;
	lr =	simm.s32 $0x1  }
0x2: {  	[smem:$0x3F9D] =	sst lr;
	_ =	strace $0xD0000000  }
0x3: {  	_ = 	snop  }
0x4: {  	_ = 	snop  }
0x5: {  	_ = 	snop  }
0x6: {  	_ = 	snop  }
0x7: {  	_ = 	snop  }
__scs_overlays_trampoline_lowered:
0x8: {  	[smem:$0x3FAC] =	sst s0  }
0x9: {  	[smem:$0x3FAD] =	sst s1  }
0xa: {  	[smem:$0x3FAE] =	sst s2  }
0xb: {  	[smem:$0x3FAF] =	sst s3  }
0xc: {  	[smem:$0x3FB0] =	sst s4  }
0xd: {  	[smem:$0x3FB1] =	sst s5  }
0xe: {  	[smem:$0x3FB2] =	sst s6  }
0xf: {  	[smem:$0x3FB3] =	sst s7  }
0x10: {  	[smem:$0x3FB4] =	sst s8  }
0x11: {  	[smem:$0x3FB5] =	sst s9;
	s0 =	simm.s32 @!p0 $0x0  }
0x12: {  	s1 =	sld [smem:$0x3F9B];
	s0 =	simm.s32 @p0 $0x1  }
0x13: {  	[smem:$0x3FB6] =	sst s0;
	s0 =	simm.s32 @!p1 $0x0  }
0x14: {  	s2 =	sld [smem:$0x3F9A];
	s0 =	simm.s32 @p1 $0x1  }
0x15: {  	[smem:$0x3FB7] =	sst s0;
	s0 =	simm.s32 @!p2 $0x0  }
0x16: {  	s3 =	sld [smem:$0x3FDB];
	s0 =	simm.s32 @p2 $0x1  }
0x17: {  	s4 =	simm.s32 $0x1BF5;
	[smem:$0x3FB9] =	sst s0  }
0x18: {  	s0 =	sld [smem:$0x3F9C];
	_ =	swait.ge [sflag:s4], $0x0  }
0x19: {  	s7 =	sld [smem:$0x3F9D]  }
0x1a: {  	s8 =	sadd.s32 $0xFFFFE003, lr  }
0x1b: {  	s9 =	sadd.s32 $0xFFFFFEF7, lr;
	s5 =	simm.s32 $0xFFFFFFFF;
	p2 =	slt.u32 s8, $0xFFFFF086  }
0x1c: {  	p1 =	slt.u32 s9, $0xF7A;
	s5 =	simm.s32 @!p2 $0x0  }
0x1d: {  	s5 =	simm.s32 @p1 $0x1;
	p0 =	seq.s32 s7, s2  }
0x1e: {  	s7 =	smul.u32 @!p0 $0xF7A, s2;
	p2 =	seq.s32 @!p0 s5, $0x0  }
0x1f: {  	s9 =	smul.u32 $0xF7A, s1;
	s8 =	simm.s32 @!p0 $0x1BF5;
	p2 =	por !p2, p0  }
0x20: {  	[sflag:s8] =	ssyncset.s32 @!p0 $0xFFFFF086;
	s6 =	sadd.s32 @!p0 s3, s7;
	s7 =	simm.s32 @!p0 $0x108  }
0x21: {  	s3 =	sadd.s32 s3, s9;
	s6 =	sadd.s32 @!p0 $0x88, s6;
	s7 =	simm.s32 @p2 $0x1082  }
0x22: {  	[simem:s7], [sflag:s8] =	dma.local @!p0 [hbm:s6], $0xF7A  }
0x23: {  	s9 =	sor.u32 $0xD0000000, s2;
	s6 =	simm.s32 $0x108;
	_ =	swait.ge @!p0 [sflag:s8], $0x0  }
0x24: {  	s3 =	sadd.s32 $0x88, s3;
	s6 =	simm.s32 @!p1 $0x1082;
	[sflag:s4] =	ssyncset.s32 $0xFFFFF086  }
0x25: {  	[simem:s6], [sflag:s4] =	dma.local [hbm:s3], $0xF7A  }
0x26: {  	[smem:$0x3F9D] =	sst s1;
	(tag) =	ssettag s2;
	_ =	strace s9  }
0x27: {  	s1 =	sld [smem:$0x3FAD]  }
0x28: {  	s2 =	sld [smem:$0x3FAE]  }
0x29: {  	s4 =	sld [smem:$0x3FB0]  }
0x2a: {  	p0 =	seq.s32 s5, $0x0;
	s5 =	sld [smem:$0x3FB1]  }
0x2b: {  	s6 =	sld [smem:$0x3FB2]  }
0x2c: {  	s7 =	sld [smem:$0x3FB3]  }
0x2d: {  	s3 =	simm.s32 $0x108;
	s8 =	sld [smem:$0x3FB4]  }
0x2e: {  	s3 =	simm.s32 @!p0 $0x1082;
	s9 =	sld [smem:$0x3FB5]  }
0x2f: {  	lr =	sadd.s32 s0, s3;
	s0 =	sld [smem:$0x3FAC]  }
0x30: {  	s3 =	sld [smem:$0x3FAF]  }
0x31: {  	[smem:$0x3FB8] =	sst s10  }
0x32: {  	s10 =	sld [smem:$0x3FB6];
	_ =	sdelay $0x3  }
0x33: {  	p0 =	seq.s32 s10, $0x1;
	s10 =	sld [smem:$0x3FB8];
	_ =	sdelay $0x3  }
0x34: {  	[smem:$0x3FB8] =	sst s10  }
0x35: {  	s10 =	sld [smem:$0x3FB7];
	_ =	sdelay $0x3  }
0x36: {  	p1 =	seq.s32 s10, $0x1;
	s10 =	sld [smem:$0x3FB8];
	_ =	sdelay $0x3  }
0x37: {  	[smem:$0x3FB8] =	sst s10  }
0x38: {  	s10 =	sld [smem:$0x3FB9]  }
0x39: {  	_ = 	snop;
	(pc) =	sbr.ind lr, $3  }
0x3a: {  	_ = 	snop  }
0x3b: {  	_ = 	snop  }
0x3c: {  	p2 =	seq.s32 s10, $0x1;
	s10 =	sld [smem:$0x3FB8]  }
0x3d: {  	_ =	shalt  }
0x3e: {  	_ =	shalt  }
0x3f: {  	_ =	shalt  }
0x40: {  	_ =	shalt  }
0x41: {  	_ =	shalt  }
0x42: {  	_ =	shalt  }
0x43: {  	_ =	shalt  }
0x44: {  	_ =	shalt  }
0x45: {  	_ =	shalt  }
0x46: {  	_ =	shalt  }
0x47: {  	_ =	shalt  }
0x48: {  	_ =	shalt  }
0x49: {  	_ =	shalt  }
0x4a: {  	_ =	shalt  }
0x4b: {  	_ =	shalt  }
0x4c: {  	_ =	shalt  }
0x4d: {  	_ =	shalt  }
0x4e: {  	_ =	shalt  }
0x4f: {  	_ =	shalt  }
0x50: {  	_ =	shalt  }
0x51: {  	_ =	shalt  }
0x52: {  	_ =	shalt  }
0x53: {  	_ =	shalt  }
0x54: {  	_ =	shalt  }
0x55: {  	_ =	shalt  }
0x56: {  	_ =	shalt  }
0x57: {  	_ =	shalt  }
0x58: {  	_ =	shalt  }
0x59: {  	_ =	shalt  }
0x5a: {  	_ =	shalt  }
0x5b: {  	_ =	shalt  }
0x5c: {  	_ =	shalt  }
0x5d: {  	_ =	shalt  }
0x5e: {  	_ =	shalt  }
0x5f: {  	_ =	shalt  }
0x60: {  	_ =	shalt  }
0x61: {  	_ =	shalt  }
0x62: {  	_ =	shalt  }
0x63: {  	_ =	shalt  }
0x64: {  	_ =	shalt  }
0x65: {  	_ =	shalt  }
0x66: {  	_ =	shalt  }
0x67: {  	_ =	shalt  }
0x68: {  	_ =	shalt  }
0x69: {  	_ =	shalt  }
0x6a: {  	_ =	shalt  }
0x6b: {  	_ =	shalt  }
0x6c: {  	_ =	shalt  }
0x6d: {  	_ =	shalt  }
0x6e: {  	_ =	shalt  }
0x6f: {  	_ =	shalt  }
0x70: {  	_ =	shalt  }
0x71: {  	_ =	shalt  }
0x72: {  	_ =	shalt  }
0x73: {  	_ =	shalt  }
0x74: {  	_ =	shalt  }
0x75: {  	_ =	shalt  }
0x76: {  	_ =	shalt  }
0x77: {  	_ =	shalt  }
0x78: {  	_ =	shalt  }
0x79: {  	_ =	shalt  }
0x7a: {  	_ =	shalt  }
0x7b: {  	_ =	shalt  }
0x7c: {  	_ =	shalt  }
0x7d: {  	_ =	shalt  }
0x7e: {  	_ =	shalt  }
0x7f: {  	_ =	shalt  }
0x80: {  	_ =	shalt  }
0x81: {  	_ =	shalt  }
0x82: {  	_ =	shalt  }
0x83: {  	_ =	shalt  }
0x84: {  	_ =	shalt  }
0x85: {  	_ =	shalt  }
0x86: {  	_ =	shalt  }
0x87: {  	_ =	shalt  }
.Lfunc_end0:
.L_simem_size_0:
called_computation_lowered:
.L_overlay_start_0:
0x88: {  	s2 =	sld [smem:$0x3FD9]  }
0x89: {  	s3 =	sld [smem:$0x3FFE];
	_ =	sdelay $0x1  }
0x8a: {  	s1 =	srdreg.scid  }
0x8b: {  	s0 =	sand.u32 $0x1, s1  }
0x8c: {  	s17 =	sshll.u32 s0, $0xA;
	s2 =	sadd.s32 s3, s2  }
0x8d: {  	s2 =	sadd.s32 s2, s17  }
0x8e: {  	[smem:$0x3FC4] =	sst s2  }
0x8f: {  	_ = 	snop  }
0x90: {  	s2 =	sld [smem:$0x3FC7];
	(tm) =	ssettm $0x1  }
0x91: {  	s18 =	sld [smem:$0x3FFB];
	_ =	sdelay $0x3  }
0x92: {  	_ =	strace s18  }
0x93: {  	s3 =	sld [smem:$0x3FFC];
	_ =	sdelay $0x3  }
0x94: {  	_ =	strace s3  }
0x95: {  	s3 =	sld [smem:$0x3FFD];
	_ =	sdelay $0x3  }
0x96: {  	_ =	strace s3  }
0x97: {  	_ =	strace $0x8FFFFFFF  }
0x98: {  	s19 =	sld [smem:$0x3FDB];
	_ =	sdelay $0x1  }
0x99: {  	s4 =	simm.s32 $_scs_section_size  }
0x9a: {  	s5 =	simm.s32 $_size__tile_overlayer_lowered;
	s6 =	simm.s32 $_tile_overlayer_lowered  }
0x9b: {  	s22 =	simm.s32 $0x1BFF;
	s21 =	sshll.u32 s6, $0x1;
	s3 =	sadd.s32 s4, s19  }
0x9c: {  	s7 =	simm.s32 $0x0;
	s20 =	sshll.u32 s5, $0x1;
	s5 =	sadd.s32 s21, s3  }
0x9d: {  	[timem:s7], [sflag:s22] =	dma.local [hbm:s5], s20  }
0x9e: {  	_ =	swait.ge [sflag:s22], s20  }
0x9f: {  	s4 =	ssub.s32 $0x0, s20;
	[sflag:s22] =	ssyncset.done $0x0  }
0xa0: {  	[sflag:s22] =	ssyncadd.s32 s4;
	_ =	sdelay $0x1  }
0xa1: {  	s23 =	simm.s32 $0x1B8B  }
0xa2: {  	_ =	swait.ge [sflag:s23], $0x1  }
0xa3: {  	[sflag:s23] =	ssyncset.done $0x0  }
0xa4: {  	s25 =	simm.s32 $0x1B8E;
	s24 =	sld [smem:$0x3FFE];
	[sflag:s23] =	ssyncadd.s32 $0xFFFFFFFF  }
0xa5: {  	s26 =	simm.s32 $execute0_lowered;
	[smem:$0x3FD2] =	sst s25  }
0xa6: {  	s5 =	sshll.u32 s26, $0x1;
	_ =	strace $0x80000046;
	[dreg:$0x1] =	wrdreg $0xFFFFFFFF  }
0xa7: {  	s28 =	simm.s32 $_size_execute0_lowered;
	s3 =	sadd.s32 s3, s5;
	[dreg:$0x0] =	wrdreg $0x0  }
0xa8: {  	s5 =	sshll.u32 s28, $0x1;
	[dreg:$0x2] =	wrdreg s3  }
0xa9: {  	[dreg:$0x3] =	wrdreg s5  }
0xaa: {  	[dreg:$0x4] =	wrdreg $0xC0  }
0xab: {  	_ =	task [dreg:s7], $0x5FFFF  }
0xac: {  	[dreg:$0x1] =	wrdreg $0xFFFFFFFF  }
0xad: {  	[dreg:$0x0] =	wrdreg $0x60  }
0xae: {  	[dreg:$0x2] =	wrdreg s2  }
0xaf: {  	[dreg:$0x3] =	wrdreg s24  }
0xb0: {  	[dreg:$0x4] =	wrdreg $0x9  }
0xb1: {  	_ =	task.clear_ibuf [dreg:s7], $0x5FFFF;
	_ =	strace $0x90000046  }
0xb2: {  	s29 =	simm.s32 $0x9;
	_ =	strace $0x80000048  }
0xb3: {  	_ =	swait.ge [sflag:s29], $0x1  }
0xb4: {  	[sflag:s29] =	ssyncadd.s32 $0xFFFFFFFF  }
0xb5: {  	_ =	strace $0x90000048  }
0xb6: {  	_ =	sfence  }
0xb7: {  	s30 =	sld [smem:$0x0];
	_ =	sdelay $0x2  }
0xb8: {  	s31 =	sshll.u32 s1, $0xD;
	s1 =	sshrl.u32 s1, $0x2  }
0xb9: {  	s3 =	sand.u32 $0x4000, s31;
	s1 =	sadd.s32 s1, s30  }
0xba: {  	s0 =	sor.u32 s3, s0;
	s1 =	sshll.u32 s1, $0x11  }
0xbb: {  	s0 =	sor.u32 s1, s0  }
0xbc: {  	s0 =	sadd.s32 $0x8F2B, s0  }
0xbd: {  	[sflag:s0] =	ssyncadd.remote.s32 $0x1  }
0xbe: {  	_ =	sfence.sel $0xFFFF  }
0xbf: {  	[dreg:$0x0] =	wrdreg $0xFFFFFFFF;
	(pc) =	sbr.abs _section_cstart, $3  }
0xc0: {  	[dreg:$0x1] =	wrdreg $0xFFFFFFFF  }
0xc1: {  	_ =	task.clear_ibuf [dreg:s7], $0x2FFFF;
	_ =	strace $0x9FFFFFFF  }
0xc2: {  	(tm) =	ssettm $0x7FFFFFFF  }
0xc3: {  	_ =	shalt  }
tec
execute0_lowered:
.L_overlay_start_1:
0x0: {  	(tag) =	ssettag $0x1  }
0x1: {  	s4 =	rddreg [dreg:$0x0]  }
0x2: {  	s5 =	rddreg [dreg:$0x1]  }
0x3: {  	s0 =	rddreg [dreg:$0x2];
	s2 =	simm.s32 $0x0  }
0x4: {  	s3 =	srdreg.scid;
	s1 =	stileid.u32;
	s11 =	simm.s32 $0x4780  }
0x5: {  	s12 =	simm.s32 $0x0;
	[smem:$0x7FF] =	sst s2;
	s6 =	sand.u32 $0x1, s3  }
0x6: {  	s28 =	sshll.u32 s1, $0x8;
	s7 =	sshrl.u32 s1, $0x2;
	_ =	strace $0x80000047  }
0x7: {  	s8 =	sshll.u32 s6, $0x7;
	s3 =	sand.u32 $0x300, s28;
	s9 =	sshll.u32 s7, $0xA  }
0x8: {  	s7 =	smul.u32 $0x13C00, s7;
	s6 =	ssub.s32 $0x2, s6;
	s8 =	sor.u32 s8, s3  }
0x9: {  	s3 =	sadd.s32 $0x1400, s5;
	s10 =	sshrl.u32 s6, $0x1;
	s9 =	sor.u32 s9, s8  }
0xa: {  	s7 =	sor.u32 s7, s8;
	s30 =	ssub.s32 s6, s10;
	s8 =	simm.s32 $0x400  }
0xb: {  	s10 =	simm.s32 $0x2780;
	s9 =	sshrl.u32 s9, $0x3;
	s31 =	sshrl.u32 s7, $0x3  }
0xc: {  	s7 =	simm.s32 $0x80;
	s29 =	sadd.s32 s9, s5;
	s4 =	sadd.s32 s4, s31  }
0xd: {  	s5 =	smax.u32 s30, $0x1;
	s9 =	simm.s32 $0x1;
	s6 =	sadd.s32 $0x1800, s29  }
.LBB2_1:
0xe: {  	[tilespmem:s2], [sflag:$0x1] =	stream.strided.gather [hbm4b:s4+s7], $0x2780, s8, s7, $0x38;
	[tilespmem:$0x4800] =	vst v63  }
0xf: {  	_ =	swait.ge [sflag:s9], $0x2780  }
0x10: {  	[sflag:s9] =	ssyncset.done $0x0  }
0x11: {  	[sflag:s9] =	ssyncadd.s32 $0xFFFFD880  }
0x12: {  	[tilespmem:s10], [sflag:$0x1] =	stream.linear.gather [hbm4b:s3+s2], $0x2000, $0x38;
	[tilespmem:$0x4800] =	vst v63  }
0x13: {  	_ =	swait.ge [sflag:s9], $0x2000  }
0x14: {  	[sflag:s9] =	ssyncset.done $0x0  }
0x15: {  	s13 =	simm.s32 $0x0;
	[sflag:s9] =	ssyncadd.s32 $0xFFFFE000  }
.LBB2_2:
0x16: {  	s14 =	sshra.s32 s13, $0x2  }
0x17: {  	v0 =	vld [tilespmem:s14+$0x2780];
	_ =	sdelay $0x7  }
0x18: {  	v0 =	vld.idx.msk [tilespmem:v0+s2+$0x0], $0xffff;
	_ =	sdelay $0x4  }
0x19: {  	[tilespmem:$0x4780] =	vst v0  }
0x1a: {  	v0 =	vld [tilespmem:s14+$0x2790];
	_ =	sdelay $0x7  }
0x1b: {  	v0 =	vld.idx.msk [tilespmem:v0+s2+$0x0], $0xffff;
	_ =	sdelay $0x4  }
0x1c: {  	[tilespmem:$0x4790] =	vst v0  }
0x1d: {  	v0 =	vld [tilespmem:s14+$0x27A0];
	_ =	sdelay $0x7  }
0x1e: {  	v0 =	vld.idx.msk [tilespmem:v0+s2+$0x0], $0xffff;
	_ =	sdelay $0x4  }
0x1f: {  	[tilespmem:$0x47A0] =	vst v0  }
0x20: {  	v0 =	vld [tilespmem:s14+$0x27B0];
	_ =	sdelay $0x7  }
0x21: {  	v0 =	vld.idx.msk [tilespmem:v0+s2+$0x0], $0xffff;
	_ =	sdelay $0x4  }
0x22: {  	[tilespmem:$0x47B0] =	vst v0  }
0x23: {  	v0 =	vld [tilespmem:s14+$0x27C0];
	_ =	sdelay $0x7  }
0x24: {  	v0 =	vld.idx.msk [tilespmem:v0+s2+$0x0], $0xffff;
	_ =	sdelay $0x4  }
0x25: {  	[tilespmem:$0x47C0] =	vst v0  }
0x26: {  	v0 =	vld [tilespmem:s14+$0x27D0];
	_ =	sdelay $0x7  }
0x27: {  	v0 =	vld.idx.msk [tilespmem:v0+s2+$0x0], $0xffff;
	_ =	sdelay $0x4  }
0x28: {  	[tilespmem:$0x47D0] =	vst v0  }
0x29: {  	v0 =	vld [tilespmem:s14+$0x27E0];
	_ =	sdelay $0x7  }
0x2a: {  	v0 =	vld.idx.msk [tilespmem:v0+s2+$0x0], $0xffff;
	_ =	sdelay $0x4  }
0x2b: {  	[tilespmem:$0x47E0] =	vst v0  }
0x2c: {  	v0 =	vld [tilespmem:s14+$0x27F0];
	_ =	sdelay $0x7  }
0x2d: {  	v0 =	vld.idx.msk [tilespmem:v0+s2+$0x0], $0xffff;
	_ =	sdelay $0x3  }
0x2e: {  	p0 =	sne.s32 s13, $0x7E00  }
.Ltmp0:
0x2f: {  	s31 =	sadd.s32 s13, s6;
	[tilespmem:$0x47F0] =	vst v0;
	(pc) =	sbr.rel @p0 .LBB2_2-.Ltmp0, $4  }
0x30: {  	[hbm4b:s31+s2] =	stream.linear.scatter [tilespmem:s11], [sflag:$0x1], $0x80, $0x38;
	[tilespmem:$0x4800] =	vst v63  }
0x31: {  	_ =	swait.ge [sflag:s9], $0x80  }
0x32: {  	[sflag:s9] =	ssyncset.done $0x0  }
0x33: {  	s13 =	sadd.s32 $0x200, s13;
	[sflag:s9] =	ssyncadd.s32 $0xFFFFFF80  }
0x34: {  	s12 =	sadd.s32 $0x1, s12  }
0x35: {  	p0 =	sne.s32 s12, s5  }
.Ltmp1:
0x36: {  	_ = 	snop;
	(pc) =	sbr.rel @p0 .LBB2_1-.Ltmp1, $1  }
0x37: {  	_ =	sdelay $0x3  }
0x38: {  	_ =	sfence.sel $0x180000  }
0x39: {  	[bflag:$0x0] =	sbarrier.arrive $0xFFFF  }
0x3a: {  	p0 =	sne.s32 s1, $0x0;
	_ =	strace $0x90000047  }
0x3b: {  	s0 =	sadd.s32 @!p0 $0x100000, s0;
	[bflag:$0x2] =	sbarrier.arrive $0xFFFF  }
0x3c: {  	[sflag:s0] =	ssyncadd.tile.s32 @!p0 $0x1;
	_ =	shalt  }
.Lfunc_end2:
_tile_overlayer_lowered:
.L_overlay_start_2:
0x3d: {  	(tag) =	ssettag $0x2  }
0x3e: {  	s0 =	rddreg [dreg:$0x0];
	s2 =	stileid.u32  }
0x3f: {  	s1 =	rddreg [dreg:$0x1];
	p0 =	sne.s32 s2, $0x0  }
0x40: {  	s3 =	rddreg [dreg:$0x2];
	[bflag:$0x3] =	sbarrier.arrive $0xFFFF;
	s2 =	simm.s32 @!p0 $0x1C01  }
0x41: {  	[timem:s3], [sflag:s2] =	dma.local @!p0 [hbm:s0], s1  }
0x42: {  	s0 =	simm.s32 @!p0 $0x1  }
0x43: {  	_ =	swait.ge @!p0 [sflag:s0], s1  }
0x44: {  	s1 =	ssub.s32 @!p0 $0x0, s1;
	[sflag:s0] =	ssyncset.done @!p0 $0x0  }
0x45: {  	[sflag:s0] =	ssyncadd.s32 @!p0 s1  }
0x46: {  	[bflag:$0x3] =	sbarrier.arrive $0xFFFF  }
0x47: {  	_ =	shalt  }

// kernel: kernel.8.cloned.1.call-start
scs
__scs_entry_jumppad:
0x0: {  	(pc) =	sbr.rel $0x88, $3  }
0x1: {  	(tag) =	ssettag $0x0;
	lr =	simm.s32 $0x1  }
0x2: {  	[smem:$0x3F9D] =	sst lr;
	_ =	strace $0xD0000000  }
0x3: {  	_ = 	snop  }
0x4: {  	_ = 	snop  }
0x5: {  	_ = 	snop  }
0x6: {  	_ = 	snop  }
0x7: {  	_ = 	snop  }
__scs_overlays_trampoline_lowered:
0x8: {  	[smem:$0x3FAC] =	sst s0  }
0x9: {  	[smem:$0x3FAD] =	sst s1  }
0xa: {  	[smem:$0x3FAE] =	sst s2  }
0xb: {  	[smem:$0x3FAF] =	sst s3  }
0xc: {  	[smem:$0x3FB0] =	sst s4  }
0xd: {  	[smem:$0x3FB1] =	sst s5  }
0xe: {  	[smem:$0x3FB2] =	sst s6  }
0xf: {  	[smem:$0x3FB3] =	sst s7  }
0x10: {  	[smem:$0x3FB4] =	sst s8  }
0x11: {  	[smem:$0x3FB5] =	sst s9;
	s0 =	simm.s32 @!p0 $0x0  }
0x12: {  	s1 =	sld [smem:$0x3F9B];
	s0 =	simm.s32 @p0 $0x1  }
0x13: {  	[smem:$0x3FB6] =	sst s0;
	s0 =	simm.s32 @!p1 $0x0  }
0x14: {  	s2 =	sld [smem:$0x3F9A];
	s0 =	simm.s32 @p1 $0x1  }
0x15: {  	[smem:$0x3FB7] =	sst s0;
	s0 =	simm.s32 @!p2 $0x0  }
0x16: {  	s3 =	sld [smem:$0x3FDB];
	s0 =	simm.s32 @p2 $0x1  }
0x17: {  	s4 =	simm.s32 $0x1BF5;
	[smem:$0x3FB9] =	sst s0  }
0x18: {  	s0 =	sld [smem:$0x3F9C];
	_ =	swait.ge [sflag:s4], $0x0  }
0x19: {  	s7 =	sld [smem:$0x3F9D]  }
0x1a: {  	s8 =	sadd.s32 $0xFFFFE003, lr  }
0x1b: {  	s9 =	sadd.s32 $0xFFFFFEF7, lr;
	s5 =	simm.s32 $0xFFFFFFFF;
	p2 =	slt.u32 s8, $0xFFFFF086  }
0x1c: {  	p1 =	slt.u32 s9, $0xF7A;
	s5 =	simm.s32 @!p2 $0x0  }
0x1d: {  	s5 =	simm.s32 @p1 $0x1;
	p0 =	seq.s32 s7, s2  }
0x1e: {  	s7 =	smul.u32 @!p0 $0xF7A, s2;
	p2 =	seq.s32 @!p0 s5, $0x0  }
0x1f: {  	s9 =	smul.u32 $0xF7A, s1;
	s8 =	simm.s32 @!p0 $0x1BF5;
	p2 =	por !p2, p0  }
0x20: {  	[sflag:s8] =	ssyncset.s32 @!p0 $0xFFFFF086;
	s6 =	sadd.s32 @!p0 s3, s7;
	s7 =	simm.s32 @!p0 $0x108  }
0x21: {  	s3 =	sadd.s32 s3, s9;
	s6 =	sadd.s32 @!p0 $0x88, s6;
	s7 =	simm.s32 @p2 $0x1082  }
0x22: {  	[simem:s7], [sflag:s8] =	dma.local @!p0 [hbm:s6], $0xF7A  }
0x23: {  	s9 =	sor.u32 $0xD0000000, s2;
	s6 =	simm.s32 $0x108;
	_ =	swait.ge @!p0 [sflag:s8], $0x0  }
0x24: {  	s3 =	sadd.s32 $0x88, s3;
	s6 =	simm.s32 @!p1 $0x1082;
	[sflag:s4] =	ssyncset.s32 $0xFFFFF086  }
0x25: {  	[simem:s6], [sflag:s4] =	dma.local [hbm:s3], $0xF7A  }
0x26: {  	[smem:$0x3F9D] =	sst s1;
	(tag) =	ssettag s2;
	_ =	strace s9  }
0x27: {  	s1 =	sld [smem:$0x3FAD]  }
0x28: {  	s2 =	sld [smem:$0x3FAE]  }
0x29: {  	s4 =	sld [smem:$0x3FB0]  }
0x2a: {  	p0 =	seq.s32 s5, $0x0;
	s5 =	sld [smem:$0x3FB1]  }
0x2b: {  	s6 =	sld [smem:$0x3FB2]  }
0x2c: {  	s7 =	sld [smem:$0x3FB3]  }
0x2d: {  	s3 =	simm.s32 $0x108;
	s8 =	sld [smem:$0x3FB4]  }
0x2e: {  	s3 =	simm.s32 @!p0 $0x1082;
	s9 =	sld [smem:$0x3FB5]  }
0x2f: {  	lr =	sadd.s32 s0, s3;
	s0 =	sld [smem:$0x3FAC]  }
0x30: {  	s3 =	sld [smem:$0x3FAF]  }
0x31: {  	[smem:$0x3FB8] =	sst s10  }
0x32: {  	s10 =	sld [smem:$0x3FB6];
	_ =	sdelay $0x3  }
0x33: {  	p0 =	seq.s32 s10, $0x1;
	s10 =	sld [smem:$0x3FB8];
	_ =	sdelay $0x3  }
0x34: {  	[smem:$0x3FB8] =	sst s10  }
0x35: {  	s10 =	sld [smem:$0x3FB7];
	_ =	sdelay $0x3  }
0x36: {  	p1 =	seq.s32 s10, $0x1;
	s10 =	sld [smem:$0x3FB8];
	_ =	sdelay $0x3  }
0x37: {  	[smem:$0x3FB8] =	sst s10  }
0x38: {  	s10 =	sld [smem:$0x3FB9]  }
0x39: {  	_ = 	snop;
	(pc) =	sbr.ind lr, $3  }
0x3a: {  	_ = 	snop  }
0x3b: {  	_ = 	snop  }
0x3c: {  	p2 =	seq.s32 s10, $0x1;
	s10 =	sld [smem:$0x3FB8]  }
0x3d: {  	_ =	shalt  }
0x3e: {  	_ =	shalt  }
0x3f: {  	_ =	shalt  }
0x40: {  	_ =	shalt  }
0x41: {  	_ =	shalt  }
0x42: {  	_ =	shalt  }
0x43: {  	_ =	shalt  }
0x44: {  	_ =	shalt  }
0x45: {  	_ =	shalt  }
0x46: {  	_ =	shalt  }
0x47: {  	_ =	shalt  }
0x48: {  	_ =	shalt  }
0x49: {  	_ =	shalt  }
0x4a: {  	_ =	shalt  }
0x4b: {  	_ =	shalt  }
0x4c: {  	_ =	shalt  }
0x4d: {  	_ =	shalt  }
0x4e: {  	_ =	shalt  }
0x4f: {  	_ =	shalt  }
0x50: {  	_ =	shalt  }
0x51: {  	_ =	shalt  }
0x52: {  	_ =	shalt  }
0x53: {  	_ =	shalt  }
0x54: {  	_ =	shalt  }
0x55: {  	_ =	shalt  }
0x56: {  	_ =	shalt  }
0x57: {  	_ =	shalt  }
0x58: {  	_ =	shalt  }
0x59: {  	_ =	shalt  }
0x5a: {  	_ =	shalt  }
0x5b: {  	_ =	shalt  }
0x5c: {  	_ =	shalt  }
0x5d: {  	_ =	shalt  }
0x5e: {  	_ =	shalt  }
0x5f: {  	_ =	shalt  }
0x60: {  	_ =	shalt  }
0x61: {  	_ =	shalt  }
0x62: {  	_ =	shalt  }
0x63: {  	_ =	shalt  }
0x64: {  	_ =	shalt  }
0x65: {  	_ =	shalt  }
0x66: {  	_ =	shalt  }
0x67: {  	_ =	shalt  }
0x68: {  	_ =	shalt  }
0x69: {  	_ =	shalt  }
0x6a: {  	_ =	shalt  }
0x6b: {  	_ =	shalt  }
0x6c: {  	_ =	shalt  }
0x6d: {  	_ =	shalt  }
0x6e: {  	_ =	shalt  }
0x6f: {  	_ =	shalt  }
0x70: {  	_ =	shalt  }
0x71: {  	_ =	shalt  }
0x72: {  	_ =	shalt  }
0x73: {  	_ =	shalt  }
0x74: {  	_ =	shalt  }
0x75: {  	_ =	shalt  }
0x76: {  	_ =	shalt  }
0x77: {  	_ =	shalt  }
0x78: {  	_ =	shalt  }
0x79: {  	_ =	shalt  }
0x7a: {  	_ =	shalt  }
0x7b: {  	_ =	shalt  }
0x7c: {  	_ =	shalt  }
0x7d: {  	_ =	shalt  }
0x7e: {  	_ =	shalt  }
0x7f: {  	_ =	shalt  }
0x80: {  	_ =	shalt  }
0x81: {  	_ =	shalt  }
0x82: {  	_ =	shalt  }
0x83: {  	_ =	shalt  }
0x84: {  	_ =	shalt  }
0x85: {  	_ =	shalt  }
0x86: {  	_ =	shalt  }
0x87: {  	_ =	shalt  }
.Lfunc_end0:
.L_simem_size_0:
called_computation.1_lowered:
.L_overlay_start_0:
0x88: {  	s2 =	sld [smem:$0x3FD9]  }
0x89: {  	s3 =	sld [smem:$0x3FFE];
	_ =	sdelay $0x1  }
0x8a: {  	s1 =	srdreg.scid  }
0x8b: {  	s0 =	sand.u32 $0x1, s1  }
0x8c: {  	s17 =	sshll.u32 s0, $0xA;
	s2 =	sadd.s32 s3, s2  }
0x8d: {  	s2 =	sadd.s32 s2, s17  }
0x8e: {  	[smem:$0x3FC4] =	sst s2  }
0x8f: {  	_ = 	snop  }
0x90: {  	s2 =	sld [smem:$0x3FD0];
	(tm) =	ssettm $0x1  }
0x91: {  	s18 =	sld [smem:$0x3FFB];
	_ =	sdelay $0x3  }
0x92: {  	_ =	strace s18  }
0x93: {  	s3 =	sld [smem:$0x3FFC];
	_ =	sdelay $0x3  }
0x94: {  	_ =	strace s3  }
0x95: {  	s3 =	sld [smem:$0x3FFD];
	_ =	sdelay $0x3  }
0x96: {  	_ =	strace s3  }
0x97: {  	_ =	strace $0x8FFFFFFF  }
0x98: {  	s19 =	sld [smem:$0x3FDB];
	_ =	sdelay $0x1  }
0x99: {  	s4 =	simm.s32 $_scs_section_size  }
0x9a: {  	s5 =	simm.s32 $_size__tile_overlayer_lowered;
	s6 =	simm.s32 $_tile_overlayer_lowered  }
0x9b: {  	s22 =	simm.s32 $0x1BFF;
	s21 =	sshll.u32 s6, $0x1;
	s3 =	sadd.s32 s4, s19  }
0x9c: {  	s7 =	simm.s32 $0x0;
	s20 =	sshll.u32 s5, $0x1;
	s5 =	sadd.s32 s21, s3  }
0x9d: {  	[timem:s7], [sflag:s22] =	dma.local [hbm:s5], s20  }
0x9e: {  	_ =	swait.ge [sflag:s22], s20  }
0x9f: {  	s4 =	ssub.s32 $0x0, s20;
	[sflag:s22] =	ssyncset.done $0x0  }
0xa0: {  	[sflag:s22] =	ssyncadd.s32 s4;
	_ =	sdelay $0x1  }
0xa1: {  	s23 =	simm.s32 $0x1B8B  }
0xa2: {  	_ =	swait.ge [sflag:s23], $0x1  }
0xa3: {  	[sflag:s23] =	ssyncset.done $0x0  }
0xa4: {  	s25 =	simm.s32 $0x1B8E;
	s24 =	sld [smem:$0x3FFE];
	[sflag:s23] =	ssyncadd.s32 $0xFFFFFFFF  }
0xa5: {  	s26 =	simm.s32 $execute0_lowered;
	[smem:$0x3FD2] =	sst s25  }
0xa6: {  	s5 =	sshll.u32 s26, $0x1;
	_ =	strace $0x80000049;
	[dreg:$0x1] =	wrdreg $0xFFFFFFFF  }
0xa7: {  	s28 =	simm.s32 $_size_execute0_lowered;
	s3 =	sadd.s32 s3, s5;
	[dreg:$0x0] =	wrdreg $0x0  }
0xa8: {  	s5 =	sshll.u32 s28, $0x1;
	[dreg:$0x2] =	wrdreg s3  }
0xa9: {  	[dreg:$0x3] =	wrdreg s5  }
0xaa: {  	[dreg:$0x4] =	wrdreg $0xC0  }
0xab: {  	_ =	task [dreg:s7], $0x5FFFF  }
0xac: {  	[dreg:$0x1] =	wrdreg $0xFFFFFFFF  }
0xad: {  	[dreg:$0x0] =	wrdreg $0x60  }
0xae: {  	[dreg:$0x2] =	wrdreg s2  }
0xaf: {  	[dreg:$0x3] =	wrdreg s24  }
0xb0: {  	[dreg:$0x4] =	wrdreg $0x9  }
0xb1: {  	_ =	task.clear_ibuf [dreg:s7], $0x5FFFF;
	_ =	strace $0x90000049  }
0xb2: {  	s29 =	simm.s32 $0x9;
	_ =	strace $0x8000004B  }
0xb3: {  	_ =	swait.ge [sflag:s29], $0x1  }
0xb4: {  	[sflag:s29] =	ssyncadd.s32 $0xFFFFFFFF  }
0xb5: {  	_ =	strace $0x9000004B  }
0xb6: {  	_ =	sfence  }
0xb7: {  	s30 =	sld [smem:$0x0];
	_ =	sdelay $0x2  }
0xb8: {  	s31 =	sshll.u32 s1, $0xD;
	s1 =	sshrl.u32 s1, $0x2  }
0xb9: {  	s3 =	sand.u32 $0x4000, s31;
	s1 =	sadd.s32 s1, s30  }
0xba: {  	s0 =	sor.u32 s3, s0;
	s1 =	sshll.u32 s1, $0x11  }
0xbb: {  	s0 =	sor.u32 s1, s0  }
0xbc: {  	s0 =	sadd.s32 $0x8F2B, s0  }
0xbd: {  	[sflag:s0] =	ssyncadd.remote.s32 $0x1  }
0xbe: {  	_ =	sfence.sel $0xFFFF  }
0xbf: {  	[dreg:$0x0] =	wrdreg $0xFFFFFFFF;
	(pc) =	sbr.abs _section_cstart, $3  }
0xc0: {  	[dreg:$0x1] =	wrdreg $0xFFFFFFFF  }
0xc1: {  	_ =	task.clear_ibuf [dreg:s7], $0x2FFFF;
	_ =	strace $0x9FFFFFFF  }
0xc2: {  	(tm) =	ssettm $0x7FFFFFFF  }
0xc3: {  	_ =	shalt  }
tec
execute0_lowered:
.L_overlay_start_1:
0x0: {  	(tag) =	ssettag $0x1  }
0x1: {  	s5 =	rddreg [dreg:$0x0]  }
0x2: {  	s6 =	rddreg [dreg:$0x1]  }
0x3: {  	s0 =	rddreg [dreg:$0x2];
	s2 =	simm.s32 $0x0  }
0x4: {  	s3 =	srdreg.scid;
	s1 =	stileid.u32;
	s11 =	simm.s32 $0x9E00  }
0x5: {  	s12 =	simm.s32 $0x18C00;
	s13 =	simm.s32 $0x0;
	[smem:$0x7FF] =	sst s2  }
0x6: {  	s4 =	sand.u32 $0x1, s3;
	s7 =	sshll.u32 s1, $0x1;
	s3 =	sadd.s32 $0x9800, s6  }
0x7: {  	_ =	strace $0x8000004A;
	s7 =	sor.u32 s4, s7;
	s8 =	ssub.s32 $0x2, s4  }
0x8: {  	s9 =	sshll.u32 s7, $0xC;
	s10 =	sshrl.u32 s8, $0x1;
	s7 =	smul.u32 $0x13C0, s7  }
0x9: {  	s4 =	sadd.s32 $0x1800, s6;
	s6 =	sadd.s32 s9, s6;
	s8 =	ssub.s32 s8, s10  }
0xa: {  	s9 =	simm.s32 $0x13C00;
	s10 =	simm.s32 $0x17C00;
	s5 =	sadd.s32 s5, s7  }
0xb: {  	s6 =	sadd.s32 $0x16000, s6;
	s7 =	smax.u32 s8, $0x1;
	s8 =	simm.s32 $0x1  }
.LBB2_1:
0xc: {  	[tilespmem:s2], [sflag:$0x1] =	stream.linear.gather [hbm4b:s5+s2], $0x9E00, $0x38;
	[tilespmem:$0x18E00] =	vst v63  }
0xd: {  	_ =	swait.ge [sflag:s8], $0x9E00  }
0xe: {  	s14 =	simm.s32 $0x0;
	[sflag:s8] =	ssyncset.done $0x0  }
0xf: {  	s15 =	simm.s32 $0x0;
	s16 =	simm.s32 $0x0;
	[sflag:s8] =	ssyncadd.s32 $0xFFFF6200  }
.LBB2_2:
0x10: {  	s17 =	sshll.u32 s16, $0xB  }
0x11: {  	s18 =	sadd.s32 s3, s17;
	s17 =	simm.s32 $0x0  }
0x12: {  	[tilespmem:s9], [sflag:$0x1] =	stream.linear.gather [hbm4b:s18+s17], $0x4000, $0x38;
	[tilespmem:$0x18E00] =	vst v63  }
0x13: {  	_ =	swait.ge [sflag:s8], $0x4000  }
0x14: {  	[sflag:s8] =	ssyncset.done $0x0  }
0x15: {  	s19 =	simm.s32 $0x0;
	s18 =	smov.u32 s15;
	[sflag:s8] =	ssyncadd.s32 $0xFFFFC000  }
.LBB2_3:
0x16: {  	s20 =	sand.u32 $0x70, s19;
	s21 =	sand.u32 $0xC00, s17  }
0x17: {  	s20 =	sor.u32 s20, s21  }
0x18: {  	v0 =	vld [tilespmem:s20+$0x13C00];
	s21 =	sadd.s32 $0x13C00, s20  }
0x19: {  	v2 =	vld [tilespmem:s21+$0x80]  }
0x1a: {  	v6 =	vld [tilespmem:s21+$0x100]  }
0x1b: {  	v10 =	vld [tilespmem:s21+$0x180]  }
0x1c: {  	v13 =	vld [tilespmem:s21+$0x200]  }
0x1d: {  	v1 =	vshll.u32 v0, $0x2  }
0x1e: {  	v30 =	vld [tilespmem:s20+$0x14C00];
	v0 =	vand.u32 $0x7F, v0;
	v1 =	vand.u32 $0xFFFFFE00, v1  }
0x1f: {  	v18 =	vld [tilespmem:s21+$0x280];
	v3 =	vshll.u32 v2, $0x2;
	v2 =	vand.u32 $0x7F, v2;
	v0 =	vor.u32 v0, v1  }
0x20: {  	s29 =	sor.u32 s17, s19;
	v35 =	vld [tilespmem:s20+$0x14C80];
	v9 =	vshll.u32 v6, $0x2;
	v6 =	vand.u32 $0x7F, v6;
	v1 =	vor.u32 $0x80, v0  }
0x21: {  	v22 =	vld [tilespmem:s21+$0x300];
	s21 =	sor.u32 $0x380, s29;
	v43 =	vshll.u32 v10, $0x2;
	v17 =	vshll.u32 v13, $0x2;
	v5 =	vor.u32 $0x100, v0  }
0x22: {  	v27 =	vld [tilespmem:s21+$0x13C00];
	v4 =	vand.u32 $0xFFFFFE00, v3;
	v9 =	vand.u32 $0xFFFFFE00, v9;
	v7 =	vor.u32 $0x180, v0  }
0x23: {  	v2 =	vor.u32 v2, v4;
	v6 =	vor.u32 v6, v9;
	v9 =	vand.u32 $0xFFFFFE00, v43;
	v43 =	vld [tilespmem:s20+$0x14D80]  }
0x24: {  	v19 =	vand.u32 $0x7F, v13;
	v21 =	vshll.u32 v18, $0x2;
	v17 =	vand.u32 $0xFFFFFE00, v17;
	v0 =	vld.idx.msk [tilespmem:v0+s2+$0x0], $0xffff  }
0x25: {  	v18 =	vand.u32 $0x7F, v18;
	v21 =	vand.u32 $0xFFFFFE00, v21;
	v17 =	vor.u32 v19, v17;
	v4 =	vld.idx.msk [tilespmem:v1+s2+$0x0], $0xffff  }
0x26: {  	v21 =	vor.u32 v18, v21;
	v36 =	vld.idx.msk [tilespmem:v5+s2+$0x0], $0xffff  }
0x27: {  	v38 =	vld.idx.msk [tilespmem:v7+s2+$0x0], $0xffff  }
0x28: {  	v8 =	vor.u32 $0x80, v2;
	v40 =	vld.idx.msk [tilespmem:v2+s2+$0x0], $0xffff  }
0x29: {  	v37 =	vor.u32 $0x100, v2;
	v46 =	vld.idx.msk [tilespmem:v6+s2+$0x0], $0xffff  }
0x2a: {  	v25 =	vshll.u32 v22, $0x2;
	v39 =	vor.u32 $0x180, v2;
	v56 =	vld.idx.msk [tilespmem:v17+s2+$0x0], $0xffff  }
0x2b: {  	v26 =	vand.u32 $0x7F, v22;
	v41 =	vor.u32 $0x80, v6;
	v11 =	vor.u32 $0x100, v6;
	v22 =	vld.idx.msk [tilespmem:v21+s2+$0x0], $0xffff  }
0x2c: {  	v58 =	vor.u32 $0x80, v21;
	v24 =	vor.u32 $0x100, v21;
	v60 =	vor.u32 $0x180, v21;
	v21 =	vld [tilespmem:s20+$0x15C80]  }
0x2d: {  	v45 =	vand.u32 $0x7F, v10;
	v14 =	vor.u32 $0x180, v6;
	v12 =	vld.idx.msk [tilespmem:v8+s2+$0x0], $0xffff  }
0x2e: {  	v16 =	vor.u32 v45, v9;
	v42 =	vld.idx.msk [tilespmem:v37+s2+$0x0], $0xffff  }
0x2f: {  	v19 =	vor.u32 $0x80, v17;
	v44 =	vld.idx.msk [tilespmem:v39+s2+$0x0], $0xffff  }
0x30: {  	v20 =	vor.u32 $0x100, v17;
	v47 =	vld.idx.msk [tilespmem:v41+s2+$0x0], $0xffff  }
0x31: {  	v23 =	vor.u32 $0x180, v17;
	v49 =	vld.idx.msk [tilespmem:v11+s2+$0x0], $0xffff  }
0x32: {  	v51 =	vld.idx.msk [tilespmem:v14+s2+$0x0], $0xffff  }
0x33: {  	v53 =	vld.idx.msk [tilespmem:v16+s2+$0x0], $0xffff  }
0x34: {  	v25 =	vand.u32 $0xFFFFFE00, v25;
	v57 =	vld.idx.msk [tilespmem:v19+s2+$0x0], $0xffff  }
0x35: {  	v25 =	vor.u32 v26, v25;
	v59 =	vld.idx.msk [tilespmem:v20+s2+$0x0], $0xffff  }
0x36: {  	v28 =	vor.u32 $0x80, v25;
	v11 =	vld.idx.msk [tilespmem:v23+s2+$0x0], $0xffff  }
0x37: {  	v33 =	vshll.u32 v30, $0x2;
	v62 =	vor.u32 $0x100, v25;
	v26 =	vld.idx.msk [tilespmem:v58+s2+$0x0], $0xffff  }
0x38: {  	v34 =	vand.u32 $0x7F, v30;
	v33 =	vand.u32 $0xFFFFFE00, v33;
	v31 =	vor.u32 $0x180, v25;
	v61 =	vld.idx.msk [tilespmem:v24+s2+$0x0], $0xffff  }
0x39: {  	v29 =	vshll.u32 v27, $0x2;
	v33 =	vor.u32 v34, v33;
	v63 =	vld.idx.msk [tilespmem:v60+s2+$0x0], $0xffff  }
0x3a: {  	v27 =	vand.u32 $0x7F, v27;
	v29 =	vand.u32 $0xFFFFFE00, v29;
	v23 =	vld.idx.msk [tilespmem:v25+s2+$0x0], $0xffff  }
0x3b: {  	v48 =	vor.u32 $0x80, v16;
	v2 =	vor.u32 v27, v29;
	v27 =	vld.idx.msk [tilespmem:v28+s2+$0x0], $0xffff  }
0x3c: {  	v50 =	vor.u32 $0x100, v16;
	v24 =	vld.idx.msk [tilespmem:v62+s2+$0x0], $0xffff  }
0x3d: {  	v52 =	vor.u32 $0x180, v16;
	v28 =	vld.idx.msk [tilespmem:v31+s2+$0x0], $0xffff  }
0x3e: {  	v31 =	vld.idx.msk [tilespmem:v33+s2+$0x0], $0xffff  }
0x3f: {  	v62 =	vld [tilespmem:s20+$0x15C00]  }
0x40: {  	v13 =	vld.idx.msk [tilespmem:v48+s2+$0x0], $0xffff  }
0x41: {  	v54 =	vld.idx.msk [tilespmem:v50+s2+$0x0], $0xffff  }
0x42: {  	v29 =	vor.u32 $0x80, v2;
	v55 =	vld.idx.msk [tilespmem:v52+s2+$0x0], $0xffff  }
0x43: {  	v32 =	vor.u32 $0x100, v2;
	v30 =	vld.idx.msk [tilespmem:v2+s2+$0x0], $0xffff  }
0x44: {  	v3 =	vor.u32 $0x180, v2;
	[tilespmem:$0x1FF10] =	vst v38;
	v38 =	vld [tilespmem:s20+$0x14D00]  }
0x45: {  	v5 =	vor.u32 $0x100, v33;
	[tilespmem:$0x1FF40] =	vst v46;
	v46 =	vld [tilespmem:s20+$0x14E00]  }
0x46: {  	v2 =	vld [tilespmem:s20+$0x15D00]  }
0x47: {  	v34 =	vld.idx.msk [tilespmem:v29+s2+$0x0], $0xffff  }
0x48: {  	v25 =	vld.idx.msk [tilespmem:v32+s2+$0x0], $0xffff  }
0x49: {  	v37 =	vshll.u32 v35, $0x2;
	[tilespmem:$0x1FF00] =	vst v36;
	v36 =	vor.u32 $0x80, v33;
	v29 =	vld.idx.msk [tilespmem:v3+s2+$0x0], $0xffff  }
0x4a: {  	v39 =	vor.u32 $0x180, v33;
	v35 =	vand.u32 $0x7F, v35;
	v37 =	vand.u32 $0xFFFFFE00, v37;
	[tilespmem:$0x1FEF0] =	vst v40;
	v32 =	vld.idx.msk [tilespmem:v5+s2+$0x0], $0xffff  }
0x4b: {  	v45 =	vshll.u32 v43, $0x2;
	v6 =	vor.u32 v35, v37;
	[tilespmem:$0x1FF70] =	vst v51;
	v51 =	vld [tilespmem:s20+$0x14E80]  }
0x4c: {  	v43 =	vand.u32 $0x7F, v43;
	v45 =	vand.u32 $0xFFFFFE00, v45;
	v40 =	vor.u32 $0x100, v6;
	[tilespmem:$0x1FFD0] =	vst v59;
	v59 =	vld [tilespmem:s20+$0x14F80]  }
0x4d: {  	v9 =	vor.u32 v43, v45;
	[tilespmem:$0x1FF90] =	vst v54;
	v54 =	vld [tilespmem:s20+$0x14F00]  }
0x4e: {  	v45 =	vor.u32 $0x80, v9;
	v37 =	vor.u32 $0x80, v6;
	v35 =	vld.idx.msk [tilespmem:v36+s2+$0x0], $0xffff  }
0x4f: {  	v7 =	vor.u32 $0x180, v6;
	v20 =	vshll.u32 v62, $0x2;
	v62 =	vand.u32 $0x7F, v62;
	v36 =	vld.idx.msk [tilespmem:v39+s2+$0x0], $0xffff  }
0x50: {  	[tilespmem:$0x1FF20] =	vst v42;
	v1 =	vand.u32 $0xFFFFFE00, v20;
	v41 =	vshll.u32 v38, $0x2;
	v42 =	vand.u32 $0x7F, v38;
	v38 =	vld.idx.msk [tilespmem:v6+s2+$0x0], $0xffff  }
0x51: {  	v10 =	vor.u32 $0x180, v9;
	v1 =	vor.u32 v62, v1;
	v33 =	vld.idx.msk [tilespmem:v40+s2+$0x0], $0xffff  }
0x52: {  	[tilespmem:$0x1FF60] =	vst v49;
	v49 =	vshll.u32 v46, $0x2;
	v50 =	vand.u32 $0x7F, v46;
	v46 =	vld.idx.msk [tilespmem:v9+s2+$0x0], $0xffff;
	v41 =	vand.u32 $0xFFFFFE00, v41  }
0x53: {  	v41 =	vor.u32 v42, v41;
	v42 =	vld.idx.msk [tilespmem:v37+s2+$0x0], $0xffff  }
0x54: {  	v48 =	vor.u32 $0x100, v9;
	v49 =	vand.u32 $0xFFFFFE00, v49;
	v37 =	vld.idx.msk [tilespmem:v7+s2+$0x0], $0xffff  }
0x55: {  	[tilespmem:$0x1FF30] =	vst v44;
	v49 =	vor.u32 v50, v49;
	v50 =	vld.idx.msk [tilespmem:v45+s2+$0x0], $0xffff;
	v44 =	vor.u32 $0x80, v41  }
0x56: {  	v45 =	vld.idx.msk [tilespmem:v10+s2+$0x0], $0xffff;
	v8 =	vor.u32 $0x100, v41  }
0x57: {  	[tilespmem:$0x1FF50] =	vst v47;
	v47 =	vor.u32 $0x180, v41;
	v20 =	vld.idx.msk [tilespmem:v1+s2+$0x0], $0xffff  }
0x58: {  	v39 =	vld.idx.msk [tilespmem:v41+s2+$0x0], $0xffff  }
0x59: {  	v52 =	vor.u32 $0x80, v49;
	v41 =	vld.idx.msk [tilespmem:v48+s2+$0x0], $0xffff  }
0x5a: {  	[tilespmem:$0x1FF80] =	vst v53;
	v53 =	vshll.u32 v51, $0x2;
	v14 =	vor.u32 $0x100, v49;
	v43 =	vld.idx.msk [tilespmem:v44+s2+$0x0], $0xffff  }
0x5b: {  	[tilespmem:$0x1FFA0] =	vst v55;
	v51 =	vand.u32 $0x7F, v51;
	v53 =	vand.u32 $0xFFFFFE00, v53;
	v55 =	vor.u32 $0x180, v49;
	v40 =	vld.idx.msk [tilespmem:v8+s2+$0x0], $0xffff  }
0x5c: {  	v15 =	vor.u32 v51, v53;
	v44 =	vld.idx.msk [tilespmem:v47+s2+$0x0], $0xffff  }
0x5d: {  	[tilespmem:$0x1FFB0] =	vst v56;
	v53 =	vor.u32 $0x80, v15;
	v47 =	vld.idx.msk [tilespmem:v49+s2+$0x0], $0xffff  }
0x5e: {  	[tilespmem:$0x1FFC0] =	vst v57;
	v57 =	vshll.u32 v54, $0x2;
	v56 =	vor.u32 $0x100, v15;
	v51 =	vld.idx.msk [tilespmem:v52+s2+$0x0], $0xffff  }
0x5f: {  	v58 =	vand.u32 $0x7F, v54;
	v57 =	vand.u32 $0xFFFFFE00, v57;
	v16 =	vor.u32 $0x180, v15;
	v48 =	vld.idx.msk [tilespmem:v14+s2+$0x0], $0xffff  }
0x60: {  	[tilespmem:$0x1FEE0] =	vst v0;
	v57 =	vor.u32 v58, v57;
	v52 =	vld.idx.msk [tilespmem:v55+s2+$0x0], $0xffff  }
0x61: {  	[tilespmem:$0x1FFE0] =	vst v61;
	v61 =	vshll.u32 v59, $0x2;
	v60 =	vor.u32 $0x80, v57;
	v14 =	vld [tilespmem:$0x1FEE0]  }
0x62: {  	v59 =	vand.u32 $0x7F, v59;
	v61 =	vand.u32 $0xFFFFFE00, v61;
	v17 =	vor.u32 $0x100, v57;
	v58 =	vld.idx.msk [tilespmem:v53+s2+$0x0], $0xffff  }
0x63: {  	[tilespmem:$0x1FFF0] =	vst v63;
	v18 =	vor.u32 v59, v61;
	v63 =	vor.u32 $0x180, v57;
	v49 =	vld.idx.msk [tilespmem:v56+s2+$0x0], $0xffff  }
0x64: {  	v61 =	vor.u32 $0x80, v18;
	v53 =	vld.idx.msk [tilespmem:v16+s2+$0x0], $0xffff  }
0x65: {  	v16 =	vld [tilespmem:$0x1FEF0]  }
0x66: {  	v8 =	vor.u32 $0x180, v18;
	v59 =	vld.idx.msk [tilespmem:v60+s2+$0x0], $0xffff  }
0x67: {  	v56 =	vld.idx.msk [tilespmem:v17+s2+$0x0], $0xffff  }
0x68: {  	v9 =	vshll.u32 v21, $0x2;
	v60 =	vld.idx.msk [tilespmem:v63+s2+$0x0], $0xffff  }
0x69: {  	v0 =	vand.u32 $0x7F, v21;
	v10 =	vand.u32 $0xFFFFFE00, v9;
	v63 =	vld.idx.msk [tilespmem:v61+s2+$0x0], $0xffff  }
0x6a: {  	v3 =	vor.u32 v0, v10;
	v17 =	vld [tilespmem:$0x1FF00];
	v0 =	vadd.f32 $0.0e+00, v14  }
0x6b: {  	v4 =	vadd.f32 $0.0e+00, v4;
	v5 =	vor.u32 $0x100, v1;
	v61 =	vld.idx.msk [tilespmem:v8+s2+$0x0], $0xffff  }
0x6c: {  	v7 =	vadd.f32 v16, v0;
	v16 =	vld [tilespmem:$0x1FF20]  }
0x6d: {  	v8 =	vadd.f32 v12, v4;
	v12 =	vld [tilespmem:$0x1FF10]  }
0x6e: {  	v54 =	vld.idx.msk [tilespmem:v15+s2+$0x0], $0xffff  }
0x6f: {  	v62 =	vld.idx.msk [tilespmem:v18+s2+$0x0], $0xffff;
	v21 =	vadd.f32 $0.0e+00, v17  }
0x70: {  	v19 =	vor.u32 $0x100, v18;
	v18 =	vld.idx.msk [tilespmem:v5+s2+$0x0], $0xffff  }
0x71: {  	v5 =	vadd.f32 v16, v21;
	v21 =	vld [tilespmem:$0x1FF30]  }
0x72: {  	v4 =	vadd.f32 $0.0e+00, v12;
	v12 =	vld [tilespmem:$0x1FF40]  }
0x73: {  	v6 =	vor.u32 $0x180, v1;
	v15 =	vor.u32 $0x80, v1;
	v1 =	vld [tilespmem:s20+$0x15D80]  }
0x74: {  	v55 =	vld.idx.msk [tilespmem:v57+s2+$0x0], $0xffff  }
0x75: {  	v57 =	vld.idx.msk [tilespmem:v19+s2+$0x0], $0xffff  }
0x76: {  	v4 =	vadd.f32 v21, v4;
	v21 =	vld [tilespmem:$0x1FF70]  }
0x77: {  	v7 =	vadd.f32 v12, v7;
	v12 =	vld [tilespmem:$0x1FF80]  }
0x78: {  	v19 =	vld.idx.msk [tilespmem:v15+s2+$0x0], $0xffff  }
0x79: {  	v10 =	vor.u32 $0x80, v3;
	v14 =	vshll.u32 v2, $0x2;
	v15 =	vld.idx.msk [tilespmem:v3+s2+$0x0], $0xffff  }
0x7a: {  	v9 =	vor.u32 $0x100, v3;
	v2 =	vand.u32 $0x7F, v2;
	v0 =	vand.u32 $0xFFFFFE00, v14;
	v16 =	vld [tilespmem:$0x1FF60]  }
0x7b: {  	v17 =	vld.idx.msk [tilespmem:v6+s2+$0x0], $0xffff;
	v0 =	vor.u32 v2, v0;
	v2 =	vadd.f32 v21, v4;
	v21 =	vshll.u32 v1, $0x2  }
0x7c: {  	v6 =	vor.u32 $0x180, v3;
	v3 =	vadd.f32 v12, v7;
	v7 =	vand.u32 $0xFFFFFE00, v21;
	v21 =	vld [tilespmem:$0x1FF90];
	_ =	sdelay $0x2  }
0x7d: {  	v14 =	vld [tilespmem:$0x1FF50];
	v5 =	vadd.f32 v16, v5;
	_ =	sdelay $0x1  }
0x7e: {  	v5 =	vadd.f32 v21, v5;
	v21 =	vld [tilespmem:$0x1FFA0];
	_ =	sdelay $0x2  }
0x7f: {  	v8 =	vadd.f32 v14, v8;
	v14 =	vld.idx.msk [tilespmem:v10+s2+$0x0], $0xffff  }
0x80: {  	v12 =	vld.idx.msk [tilespmem:v6+s2+$0x0], $0xffff  }
0x81: {  	v2 =	vadd.f32 v21, v2;
	v21 =	vld [tilespmem:$0x1FFB0]  }
0x82: {  	v6 =	vld [tilespmem:$0x1FFC0]  }
0x83: {  	v10 =	vor.u32 $0x80, v0;
	v8 =	vadd.f32 v13, v8;
	v13 =	vld [tilespmem:s20+$0x15E00]  }
0x84: {  	v16 =	vld.idx.msk [tilespmem:v9+s2+$0x0], $0xffff;
	v1 =	vand.u32 $0x7F, v1  }
0x85: {  	v4 =	vor.u32 $0x180, v0;
	v1 =	vor.u32 v1, v7;
	v7 =	vld.idx.msk [tilespmem:v0+s2+$0x0], $0xffff  }
0x86: {  	v9 =	vor.u32 $0x100, v0;
	v0 =	vadd.f32 v21, v3;
	v21 =	vld [tilespmem:$0x1FFD0]  }
0x87: {  	v3 =	vadd.f32 v6, v8  }
0x88: {  	v8 =	vld.idx.msk [tilespmem:v10+s2+$0x0], $0xffff;
	v6 =	vor.u32 $0x80, v1;
	v0 =	vadd.f32 v22, v0  }
0x89: {  	v2 =	vadd.f32 v11, v2;
	v11 =	vor.u32 $0x100, v1;
	v3 =	vadd.f32 v26, v3;
	v26 =	vld [tilespmem:s20+$0x15E80]  }
0x8a: {  	v10 =	vld.idx.msk [tilespmem:v4+s2+$0x0], $0xffff;
	v4 =	vand.u32 $0x7F, v13;
	v22 =	vshll.u32 v13, $0x2;
	v0 =	vadd.f32 v23, v0  }
0x8b: {  	v13 =	vand.u32 $0xFFFFFE00, v22;
	v27 =	vadd.f32 v27, v3;
	v5 =	vadd.f32 v21, v5;
	v21 =	vld [tilespmem:$0x1FFE0]  }
0x8c: {  	v22 =	vor.u32 $0x180, v1;
	v4 =	vor.u32 v4, v13;
	v13 =	vld.idx.msk [tilespmem:v1+s2+$0x0], $0xffff;
	v0 =	vadd.f32 v30, v0  }
0x8d: {  	v3 =	vld.idx.msk [tilespmem:v6+s2+$0x0], $0xffff;
	v6 =	vor.u32 $0x80, v4;
	v1 =	vadd.f32 v34, v27  }
0x8e: {  	v9 =	vld.idx.msk [tilespmem:v9+s2+$0x0], $0xffff;
	v27 =	vor.u32 $0x180, v4;
	v30 =	vshll.u32 v26, $0x2;
	v0 =	vadd.f32 v31, v0  }
0x8f: {  	v11 =	vld.idx.msk [tilespmem:v11+s2+$0x0], $0xffff;
	v26 =	vand.u32 $0x7F, v26;
	v23 =	vand.u32 $0xFFFFFE00, v30;
	v1 =	vadd.f32 v35, v1  }
0x90: {  	v23 =	vor.u32 v26, v23;
	v5 =	vadd.f32 v21, v5;
	v21 =	vld [tilespmem:$0x1FFF0];
	v0 =	vadd.f32 v38, v0  }
0x91: {  	v22 =	vld.idx.msk [tilespmem:v22+s2+$0x0], $0xffff;
	v1 =	vadd.f32 v42, v1  }
0x92: {  	v34 =	vor.u32 $0x80, v23;
	v5 =	vadd.f32 v24, v5;
	v24 =	vld [tilespmem:s20+$0x15F00];
	v0 =	vadd.f32 v39, v0  }
0x93: {  	v6 =	vld.idx.msk [tilespmem:v6+s2+$0x0], $0xffff;
	v1 =	vadd.f32 v43, v1  }
0x94: {  	v26 =	vor.u32 $0x100, v23;
	v27 =	vld.idx.msk [tilespmem:v27+s2+$0x0], $0xffff;
	v5 =	vadd.f32 v25, v5;
	v0 =	vadd.f32 v46, v0  }
0x95: {  	v38 =	vor.u32 $0x180, v23;
	v23 =	vld.idx.msk [tilespmem:v23+s2+$0x0], $0xffff;
	v1 =	vadd.f32 v50, v1;
	v2 =	vadd.f32 v21, v2  }
0x96: {  	v21 =	vor.u32 $0x100, v4;
	v4 =	vld.idx.msk [tilespmem:v4+s2+$0x0], $0xffff;
	v5 =	vadd.f32 v32, v5;
	v0 =	vadd.f32 v47, v0  }
0x97: {  	v25 =	vld.idx.msk [tilespmem:v34+s2+$0x0], $0xffff;
	v1 =	vadd.f32 v51, v1;
	v2 =	vadd.f32 v28, v2;
	v35 =	vshll.u32 v24, $0x2  }
0x98: {  	v51 =	vld [tilespmem:s20+$0x16C80];
	v24 =	vand.u32 $0x7F, v24;
	v28 =	vand.u32 $0xFFFFFE00, v35;
	v5 =	vadd.f32 v33, v5  }
0x99: {  	v26 =	vld.idx.msk [tilespmem:v26+s2+$0x0], $0xffff;
	v0 =	vadd.f32 v54, v0;
	v2 =	vadd.f32 v29, v2;
	v24 =	vor.u32 v24, v28  }
0x9a: {  	v30 =	vld.idx.msk [tilespmem:v38+s2+$0x0], $0xffff;
	v1 =	vadd.f32 v58, v1;
	v28 =	vor.u32 $0x80, v24;
	v5 =	vadd.f32 v40, v5  }
0x9b: {  	v21 =	vld.idx.msk [tilespmem:v21+s2+$0x0], $0xffff;
	v42 =	vor.u32 $0x100, v24;
	v0 =	vadd.f32 v55, v0;
	v2 =	vadd.f32 v36, v2  }
0x9c: {  	v46 =	vor.u32 $0x180, v24;
	v1 =	vadd.f32 v59, v1;
	v36 =	vld [tilespmem:s20+$0x15F80];
	v5 =	vadd.f32 v41, v5  }
0x9d: {  	v55 =	vshll.u32 v51, $0x2;
	v0 =	vadd.f32 v62, v0;
	v62 =	vld [tilespmem:s20+$0x16D80];
	v2 =	vadd.f32 v37, v2  }
0x9e: {  	v1 =	vadd.f32 v63, v1;
	v40 =	vand.u32 $0xFFFFFE00, v55;
	v37 =	vand.u32 $0x7F, v51;
	v24 =	vld.idx.msk [tilespmem:v24+s2+$0x0], $0xffff  }
0x9f: {  	v5 =	vadd.f32 v48, v5;
	v37 =	vor.u32 v37, v40;
	v2 =	vadd.f32 v44, v2;
	v44 =	vld [tilespmem:s20+$0x16C00]  }
0xa0: {  	v1 =	vadd.f32 v19, v1;
	v28 =	vld.idx.msk [tilespmem:v28+s2+$0x0], $0xffff;
	v59 =	vor.u32 $0x80, v37  }
0xa1: {  	v31 =	vld.idx.msk [tilespmem:v42+s2+$0x0], $0xffff;
	v63 =	vor.u32 $0x180, v37;
	v43 =	vshll.u32 v36, $0x2;
	v5 =	vadd.f32 v49, v5  }
0xa2: {  	v34 =	vld.idx.msk [tilespmem:v46+s2+$0x0], $0xffff;
	v29 =	vand.u32 $0x7F, v36;
	v32 =	vand.u32 $0xFFFFFE00, v43;
	v2 =	vadd.f32 v45, v2  }
0xa3: {  	v0 =	vadd.f32 v20, v0;
	v29 =	vor.u32 v29, v32;
	v5 =	vadd.f32 v56, v5;
	v56 =	vld [tilespmem:s20+$0x16D00]  }
0xa4: {  	v1 =	vadd.f32 v14, v1;
	v2 =	vadd.f32 v52, v2;
	v46 =	vld.idx.msk [tilespmem:v37+s2+$0x0], $0xffff  }
0xa5: {  	v0 =	vadd.f32 v15, v0;
	v51 =	vshll.u32 v62, $0x2;
	v32 =	vor.u32 $0x80, v29;
	v47 =	vld.idx.msk [tilespmem:v59+s2+$0x0], $0xffff  }
0xa6: {  	v1 =	vadd.f32 v8, v1;
	v48 =	vor.u32 $0x100, v29;
	v2 =	vadd.f32 v53, v2;
	v53 =	vld.idx.msk [tilespmem:v63+s2+$0x0], $0xffff  }
0xa7: {  	v15 =	vand.u32 $0x7F, v62;
	v0 =	vadd.f32 v7, v0;
	v52 =	vor.u32 $0x180, v29;
	v63 =	vld [tilespmem:s20+$0x16F00]  }
0xa8: {  	v50 =	vshll.u32 v44, $0x2;
	v5 =	vadd.f32 v57, v5;
	v1 =	vadd.f32 v3, v1;
	v29 =	vld.idx.msk [tilespmem:v29+s2+$0x0], $0xffff  }
0xa9: {  	v3 =	vand.u32 $0xFFFFFE00, v51;
	v2 =	vadd.f32 v60, v2;
	v60 =	vor.u32 $0x100, v37;
	v37 =	vld [tilespmem:s20+$0x16F80]  }
0xaa: {  	v33 =	vand.u32 $0x7F, v44;
	v36 =	vand.u32 $0xFFFFFE00, v50;
	v3 =	vor.u32 v15, v3;
	v32 =	vld.idx.msk [tilespmem:v32+s2+$0x0], $0xffff  }
0xab: {  	v33 =	vor.u32 v33, v36;
	v5 =	vadd.f32 v18, v5;
	v35 =	vld.idx.msk [tilespmem:v48+s2+$0x0], $0xffff  }
0xac: {  	v0 =	vadd.f32 v13, v0;
	v57 =	vor.u32 $0x80, v3;
	v62 =	vor.u32 $0x180, v3;
	v38 =	vld.idx.msk [tilespmem:v52+s2+$0x0], $0xffff  }
0xad: {  	v5 =	vadd.f32 v16, v5;
	v52 =	vld [tilespmem:s20+$0x16E00];
	v2 =	vadd.f32 v61, v2;
	v61 =	vshll.u32 v56, $0x2  }
0xae: {  	v0 =	vadd.f32 v4, v0;
	v1 =	vadd.f32 v6, v1;
	v14 =	vand.u32 $0xFFFFFE00, v61;
	v61 =	vld [tilespmem:s20+$0x16E80]  }
0xaf: {  	v59 =	vor.u32 $0x100, v3;
	v36 =	vor.u32 $0x80, v33;
	v5 =	vadd.f32 v9, v5;
	v3 =	vld.idx.msk [tilespmem:v3+s2+$0x0], $0xffff  }
0xb0: {  	v54 =	vor.u32 $0x100, v33;
	v58 =	vor.u32 $0x180, v33;
	v44 =	vand.u32 $0x7F, v56;
	v33 =	vld.idx.msk [tilespmem:v33+s2+$0x0], $0xffff  }
0xb1: {  	v2 =	vadd.f32 v17, v2;
	v45 =	vor.u32 v44, v14;
	v6 =	vld.idx.msk [tilespmem:v57+s2+$0x0], $0xffff;
	v5 =	vadd.f32 v11, v5  }
0xb2: {  	v0 =	vadd.f32 v23, v0;
	v1 =	vadd.f32 v25, v1;
	v20 =	vld.idx.msk [tilespmem:v62+s2+$0x0], $0xffff;
	v48 =	vor.u32 $0x80, v45  }
0xb3: {  	v49 =	vld.idx.msk [tilespmem:v60+s2+$0x0], $0xffff;
	v2 =	vadd.f32 v12, v2;
	v60 =	vshll.u32 v52, $0x2;
	v5 =	vadd.f32 v21, v5  }
0xb4: {  	v19 =	vld.idx.msk [tilespmem:v36+s2+$0x0], $0xffff;
	v50 =	vor.u32 $0x100, v45;
	v13 =	vand.u32 $0x7F, v52;
	v12 =	vand.u32 $0xFFFFFE00, v60  }
0xb5: {  	v17 =	vld.idx.msk [tilespmem:v54+s2+$0x0], $0xffff;
	v2 =	vadd.f32 v10, v2;
	v12 =	vor.u32 v13, v12;
	v5 =	vadd.f32 v26, v5  }
0xb6: {  	v39 =	vshll.u32 v63, $0x2;
	v36 =	vld.idx.msk [tilespmem:v58+s2+$0x0], $0xffff;
	v54 =	vor.u32 $0x180, v45;
	v13 =	vor.u32 $0x80, v12  }
0xb7: {  	v10 =	vld.idx.msk [tilespmem:v59+s2+$0x0], $0xffff;
	v2 =	vadd.f32 v22, v2;
	v5 =	vadd.f32 v31, v5;
	v31 =	vshll.u32 v61, $0x2  }
0xb8: {  	v21 =	vand.u32 $0x7F, v63;
	v15 =	vand.u32 $0x7F, v61;
	v55 =	vld.idx.msk [tilespmem:v45+s2+$0x0], $0xffff;
	v23 =	vand.u32 $0xFFFFFE00, v31  }
0xb9: {  	v56 =	vld.idx.msk [tilespmem:v48+s2+$0x0], $0xffff;
	v2 =	vadd.f32 v27, v2;
	v27 =	vand.u32 $0xFFFFFE00, v39;
	v15 =	vor.u32 v15, v23  }
0xba: {  	v0 =	vadd.f32 v24, v0;
	v1 =	vadd.f32 v28, v1;
	v58 =	vld.idx.msk [tilespmem:v50+s2+$0x0], $0xffff;
	v42 =	vor.u32 v21, v27  }
0xbb: {  	v18 =	vld.idx.msk [tilespmem:v54+s2+$0x0], $0xffff;
	v2 =	vadd.f32 v30, v2;
	v30 =	vor.u32 $0x100, v12  }
0xbc: {  	v0 =	vadd.f32 v29, v0;
	v1 =	vadd.f32 v32, v1;
	v23 =	vor.u32 $0x80, v15;
	v13 =	vld.idx.msk [tilespmem:v13+s2+$0x0], $0xffff  }
0xbd: {  	v40 =	vor.u32 $0x180, v15;
	v2 =	vadd.f32 v34, v2;
	v34 =	vor.u32 $0x180, v12;
	v12 =	vld.idx.msk [tilespmem:v12+s2+$0x0], $0xffff  }
0xbe: {  	v25 =	vand.u32 $0x7F, v37;
	v0 =	vadd.f32 v33, v0;
	v21 =	vor.u32 $0x100, v42;
	v43 =	vld.idx.msk [tilespmem:v15+s2+$0x0], $0xffff  }
0xbf: {  	v1 =	vadd.f32 v19, v1;
	v5 =	vadd.f32 v35, v5;
	v48 =	vor.u32 $0x180, v42;
	v51 =	vld.idx.msk [tilespmem:v42+s2+$0x0], $0xffff  }
0xc0: {  	v0 =	vadd.f32 v46, v0;
	v46 =	vshll.u32 v37, $0x2;
	v2 =	vadd.f32 v38, v2;
	v22 =	vld.idx.msk [tilespmem:v30+s2+$0x0], $0xffff  }
0xc1: {  	v1 =	vadd.f32 v47, v1;
	v5 =	vadd.f32 v17, v5;
	v38 =	vor.u32 $0x100, v15;
	v45 =	vld.idx.msk [tilespmem:v23+s2+$0x0], $0xffff  }
0xc2: {  	v44 =	vor.u32 $0x80, v42;
	v23 =	vand.u32 $0xFFFFFE00, v46;
	v50 =	vld.idx.msk [tilespmem:v40+s2+$0x0], $0xffff;
	v2 =	vadd.f32 v36, v2  }
0xc3: {  	v0 =	vadd.f32 v55, v0;
	v5 =	vadd.f32 v49, v5;
	v55 =	vld.idx.msk [tilespmem:v21+s2+$0x0], $0xffff;
	v49 =	vor.u32 v25, v23  }
0xc4: {  	v1 =	vadd.f32 v56, v1;
	v57 =	vld.idx.msk [tilespmem:v48+s2+$0x0], $0xffff;
	v52 =	vor.u32 $0x80, v49;
	v2 =	vadd.f32 v53, v2  }
0xc5: {  	v0 =	vadd.f32 v3, v0;
	v5 =	vadd.f32 v58, v5;
	v41 =	vld.idx.msk [tilespmem:v34+s2+$0x0], $0xffff;
	v54 =	vor.u32 $0x100, v49  }
0xc6: {  	v1 =	vadd.f32 v6, v1;
	v56 =	vor.u32 $0x180, v49;
	v47 =	vld.idx.msk [tilespmem:v38+s2+$0x0], $0xffff;
	v2 =	vadd.f32 v18, v2  }
0xc7: {  	v5 =	vadd.f32 v10, v5;
	v0 =	vadd.f32 v12, v0;
	v53 =	vld.idx.msk [tilespmem:v44+s2+$0x0], $0xffff  }
0xc8: {  	v1 =	vadd.f32 v13, v1;
	v9 =	vld.idx.msk [tilespmem:v49+s2+$0x0], $0xffff;
	v2 =	vadd.f32 v20, v2  }
0xc9: {  	v0 =	vadd.f32 v43, v0;
	v5 =	vadd.f32 v22, v5;
	v58 =	vld.idx.msk [tilespmem:v52+s2+$0x0], $0xffff  }
0xca: {  	v1 =	vadd.f32 v45, v1;
	v59 =	vld.idx.msk [tilespmem:v54+s2+$0x0], $0xffff;
	v2 =	vadd.f32 v41, v2  }
0xcb: {  	v0 =	vadd.f32 v51, v0;
	v60 =	vld.idx.msk [tilespmem:v56+s2+$0x0], $0xffff;
	v5 =	vadd.f32 v47, v5  }
0xcc: {  	v1 =	vadd.f32 v53, v1;
	v2 =	vadd.f32 v50, v2  }
0xcd: {  	v61 =	vadd.f32 v55, v5;
	v0 =	vadd.f32 v9, v0  }
0xce: {  	s30 =	sadd.s32 s19, s14;
	v1 =	vadd.f32 v58, v1;
	v2 =	vadd.f32 v57, v2  }
0xcf: {  	s31 =	sand.u32 $0x1FE00, s18;
	p0 =	sne.s32 s19, $0x180;
	s20 =	sand.u32 $0x70, s30;
	v3 =	vadd.f32 v59, v61;
	v0 =	vmul.f32 $3.125000000e-02, v0  }
.Ltmp0:
0xd0: {  	s20 =	sor.u32 s20, s31;
	v1 =	vmul.f32 $3.125000000e-02, v1;
	v2 =	vadd.f32 v60, v2;
	(pc) =	sbr.rel @p0 .LBB2_3-.Ltmp0, $4  }
0xd1: {  	[tilespmem:s20+$0x9E00] =	vst v0;
	v62 =	vmul.f32 $3.125000000e-02, v3  }
0xd2: {  	[tilespmem:s20+$0x9E80] =	vst v1;
	v63 =	vmul.f32 $3.125000000e-02, v2  }
0xd3: {  	[tilespmem:s20+$0x9F00] =	vst v62  }
0xd4: {  	s17 =	sadd.s32 $0x80, s17;
	s18 =	sadd.s32 $0x40, s18;
	s19 =	sadd.s32 $0x10, s19;
	[tilespmem:s20+$0x9F80] =	vst v63  }
0xd5: {  	s16 =	sadd.s32 $0x1, s16  }
0xd6: {  	p0 =	sne.s32 s16, $0x19  }
.Ltmp1:
0xd7: {  	_ = 	snop;
	(pc) =	sbr.rel @p0 .LBB2_2-.Ltmp1, $2  }
0xd8: {  	_ =	sdelay $0x2  }
0xd9: {  	s15 =	sadd.s32 $0x640, s15;
	s14 =	sadd.s32 $0x190, s14  }
0xda: {  	s14 =	simm.s32 $0x0  }
.LBB2_6:
0xdb: {  	s15 =	sshll.u32 s14, $0x9  }
0xdc: {  	s15 =	sadd.s32 s4, s15  }
0xdd: {  	[tilespmem:s10], [sflag:$0x1] =	stream.linear.gather [hbm4b:s15+s2], $0x1000, $0x38;
	[tilespmem:$0x18E00] =	vst v63  }
0xde: {  	_ =	swait.ge [sflag:s8], $0x1000  }
0xdf: {  	[sflag:s8] =	ssyncset.done $0x0  }
0xe0: {  	s15 =	simm.s32 $0xFFFFFF80;
	[sflag:s8] =	ssyncadd.s32 $0xFFFFF000  }
0xe1: {  	v0 =	vld [tilespmem:s15+$0x17C80]  }
0xe2: {  	v1 =	vld [tilespmem:s15+$0x17D00]  }
0xe3: {  	v2 =	vld [tilespmem:s15+$0x17D80]  }
0xe4: {  	v3 =	vld [tilespmem:s15+$0x17E00]  }
0xe5: {  	v4 =	vld [tilespmem:s15+$0x17E80]  }
0xe6: {  	v7 =	vld [tilespmem:s15+$0x17F00]  }
0xe7: {  	v8 =	vld [tilespmem:s15+$0x17F80];
	v5 =	vshll.u32 v0, $0x2  }
0xe8: {  	v10 =	vld [tilespmem:s15+$0x18000];
	v0 =	vand.u32 $0x7F, v0;
	v5 =	vand.u32 $0xFFFFFE00, v5  }
0xe9: {  	v11 =	vld [tilespmem:s15+$0x18080];
	v15 =	vshll.u32 v2, $0x2;
	v20 =	vand.u32 $0x7F, v2;
	v0 =	vor.u32 v0, v5  }
0xea: {  	v16 =	vld [tilespmem:s15+$0x18180];
	v22 =	vshll.u32 v3, $0x2;
	v3 =	vand.u32 $0x7F, v3;
	v18 =	vand.u32 $0xFFFFFE00, v15  }
0xeb: {  	v12 =	vld [tilespmem:s15+$0x18100];
	v15 =	vand.u32 $0xFFFFFE00, v22;
	v5 =	vshll.u32 v1, $0x2;
	v21 =	vor.u32 v20, v18  }
0xec: {  	v17 =	vld [tilespmem:s15+$0x18200];
	v1 =	vand.u32 $0x7F, v1;
	v3 =	vor.u32 v3, v15;
	v5 =	vand.u32 $0xFFFFFE00, v5  }
0xed: {  	v59 =	vld [tilespmem:s15+$0x18400];
	v6 =	vor.u32 $0x80, v0;
	v1 =	vor.u32 v1, v5  }
0xee: {  	v9 =	vor.u32 $0x100, v0;
	v13 =	vor.u32 $0x180, v0;
	v26 =	vld.idx.msk [tilespmem:v0+s11+$0x0], $0xffff;
	v0 =	vor.u32 $0x100, v1  }
0xef: {  	v48 =	vshll.u32 v16, $0x2;
	v60 =	vand.u32 $0x7F, v16;
	v16 =	vld [tilespmem:s15+$0x18380]  }
0xf0: {  	v33 =	vld.idx.msk [tilespmem:v21+s11+$0x0], $0xffff  }
0xf1: {  	v37 =	vld.idx.msk [tilespmem:v3+s11+$0x0], $0xffff  }
0xf2: {  	v23 =	vor.u32 $0x80, v21;
	v5 =	vld.idx.msk [tilespmem:v6+s11+$0x0], $0xffff  }
0xf3: {  	v28 =	vld.idx.msk [tilespmem:v0+s11+$0x0], $0xffff;
	v0 =	vor.u32 $0x100, v21  }
0xf4: {  	v15 =	vor.u32 $0x180, v3;
	v25 =	vld.idx.msk [tilespmem:v9+s11+$0x0], $0xffff  }
0xf5: {  	v14 =	vor.u32 $0x80, v1;
	v19 =	vor.u32 $0x180, v1;
	v41 =	vld.idx.msk [tilespmem:v1+s11+$0x0], $0xffff;
	v1 =	vor.u32 $0x180, v21  }
0xf6: {  	v2 =	vld.idx.msk [tilespmem:v13+s11+$0x0], $0xffff  }
0xf7: {  	v24 =	vshll.u32 v4, $0x2;
	v9 =	vld.idx.msk [tilespmem:v23+s11+$0x0], $0xffff  }
0xf8: {  	v4 =	vand.u32 $0x7F, v4;
	v13 =	vand.u32 $0xFFFFFE00, v24;
	v34 =	vld.idx.msk [tilespmem:v0+s11+$0x0], $0xffff;
	v0 =	vor.u32 $0x100, v3  }
0xf9: {  	v46 =	vld.idx.msk [tilespmem:v15+s11+$0x0], $0xffff;
	v4 =	vor.u32 v4, v13  }
0xfa: {  	v27 =	vor.u32 $0x80, v3;
	v49 =	vld.idx.msk [tilespmem:v1+s11+$0x0], $0xffff;
	v1 =	vshll.u32 v7, $0x2  }
0xfb: {  	v6 =	vld.idx.msk [tilespmem:v14+s11+$0x0], $0xffff;
	v7 =	vand.u32 $0x7F, v7;
	v1 =	vand.u32 $0xFFFFFE00, v1  }
0xfc: {  	v45 =	vld.idx.msk [tilespmem:v19+s11+$0x0], $0xffff;
	v1 =	vor.u32 v7, v1;
	v3 =	vor.u32 $0x100, v4  }
0xfd: {  	v36 =	vld.idx.msk [tilespmem:v0+s11+$0x0], $0xffff;
	v0 =	vor.u32 $0x180, v1  }
0xfe: {  	v13 =	vor.u32 $0x80, v4;
	v18 =	vor.u32 $0x180, v4;
	v38 =	vld.idx.msk [tilespmem:v4+s11+$0x0], $0xffff;
	v4 =	vshll.u32 v8, $0x2  }
0xff: {  	v14 =	vld.idx.msk [tilespmem:v27+s11+$0x0], $0xffff;
	v8 =	vand.u32 $0x7F, v8;
	v4 =	vand.u32 $0xFFFFFE00, v4  }
0x100: {  	v21 =	vld [tilespmem:s15+$0x18300];
	v4 =	vor.u32 v8, v4  }
0x101: {  	v32 =	vld.idx.msk [tilespmem:v3+s11+$0x0], $0xffff;
	v3 =	vor.u32 $0x100, v1  }
0x102: {  	v50 =	vld.idx.msk [tilespmem:v0+s11+$0x0], $0xffff;
	v0 =	vor.u32 $0x80, v4  }
0x103: {  	v29 =	vshll.u32 v10, $0x2;
	v7 =	vor.u32 $0x80, v1;
	v42 =	vld.idx.msk [tilespmem:v1+s11+$0x0], $0xffff;
	v1 =	vor.u32 $0x100, v4  }
0x104: {  	v10 =	vand.u32 $0x7F, v10;
	v15 =	vld.idx.msk [tilespmem:v13+s11+$0x0], $0xffff;
	v8 =	vand.u32 $0xFFFFFE00, v29  }
0x105: {  	v30 =	vor.u32 $0x180, v4;
	v8 =	vor.u32 v10, v8;
	v43 =	vld.idx.msk [tilespmem:v4+s11+$0x0], $0xffff  }
0x106: {  	v23 =	vld.idx.msk [tilespmem:v3+s11+$0x0], $0xffff;
	v3 =	vor.u32 $0x180, v8  }
0x107: {  	v4 =	vshll.u32 v11, $0x2;
	v20 =	vld.idx.msk [tilespmem:v0+s11+$0x0], $0xffff;
	v0 =	vor.u32 $0x80, v8  }
0x108: {  	v31 =	vand.u32 $0x7F, v11;
	v19 =	vld.idx.msk [tilespmem:v1+s11+$0x0], $0xffff;
	v1 =	vor.u32 $0x100, v8;
	v4 =	vand.u32 $0xFFFFFE00, v4  }
0x109: {  	v22 =	vld.idx.msk [tilespmem:v7+s11+$0x0], $0xffff;
	v4 =	vor.u32 v31, v4  }
0x10a: {  	v55 =	vld.idx.msk [tilespmem:v30+s11+$0x0], $0xffff;
	v44 =	vor.u32 $0x100, v4  }
0x10b: {  	v35 =	vshll.u32 v12, $0x2;
	v51 =	vld.idx.msk [tilespmem:v3+s11+$0x0], $0xffff;
	v3 =	vor.u32 $0x80, v4  }
0x10c: {  	v47 =	vand.u32 $0x7F, v12;
	v7 =	vand.u32 $0xFFFFFE00, v35;
	v31 =	vld.idx.msk [tilespmem:v0+s11+$0x0], $0xffff;
	v0 =	vor.u32 $0x180, v4  }
0x10d: {  	v29 =	vld.idx.msk [tilespmem:v1+s11+$0x0], $0xffff;
	v1 =	vor.u32 v47, v7  }
0x10e: {  	v40 =	vld.idx.msk [tilespmem:v4+s11+$0x0], $0xffff  }
0x10f: {  	v27 =	vld.idx.msk [tilespmem:v44+s11+$0x0], $0xffff;
	v4 =	vor.u32 $0x80, v1  }
0x110: {  	v7 =	vand.u32 $0xFFFFFE00, v48;
	v30 =	vld.idx.msk [tilespmem:v3+s11+$0x0], $0xffff;
	v3 =	vor.u32 $0x100, v1  }
0x111: {  	v56 =	vld.idx.msk [tilespmem:v0+s11+$0x0], $0xffff;
	v0 =	vor.u32 v60, v7  }
0x112: {  	v52 =	vor.u32 $0x180, v1;
	v44 =	vld.idx.msk [tilespmem:v1+s11+$0x0], $0xffff;
	v1 =	vor.u32 $0x80, v0  }
0x113: {  	v53 =	vld.idx.msk [tilespmem:v18+s11+$0x0], $0xffff  }
0x114: {  	v11 =	vld.idx.msk [tilespmem:v4+s11+$0x0], $0xffff;
	v7 =	vor.u32 $0x100, v0  }
0x115: {  	v4 =	vshll.u32 v17, $0x2;
	v12 =	vld.idx.msk [tilespmem:v3+s11+$0x0], $0xffff  }
0x116: {  	v3 =	vand.u32 $0xFFFFFE00, v4;
	v4 =	vand.u32 $0x7F, v17;
	v47 =	vld.idx.msk [tilespmem:v0+s11+$0x0], $0xffff  }
0x117: {  	v4 =	vor.u32 v4, v3;
	v3 =	vld.idx.msk [tilespmem:v1+s11+$0x0], $0xffff  }
0x118: {  	v1 =	vld [tilespmem:s15+$0x18280]  }
0x119: {  	v10 =	vor.u32 $0x180, v0;
	v63 =	vor.u32 $0x100, v4;
	v0 =	vld.idx.msk [tilespmem:v7+s11+$0x0], $0xffff  }
0x11a: {  	v39 =	vld.idx.msk [tilespmem:v8+s11+$0x0], $0xffff  }
0x11b: {  	v57 =	vld.idx.msk [tilespmem:v52+s11+$0x0], $0xffff  }
0x11c: {  	v60 =	vld [tilespmem:s15+$0x18480];
	v61 =	vor.u32 $0x180, v4  }
0x11d: {  	v62 =	vor.u32 $0x80, v4;
	v35 =	vld.idx.msk [tilespmem:v4+s11+$0x0], $0xffff;
	v4 =	vshll.u32 v1, $0x2  }
0x11e: {  	[tilespmem:$0x1FEB0] =	vst v0;
	v1 =	vand.u32 $0x7F, v1;
	v0 =	vld.idx.msk [tilespmem:v63+s11+$0x0], $0xffff;
	v4 =	vand.u32 $0xFFFFFE00, v4  }
0x11f: {  	v17 =	vld [tilespmem:s15+$0x18500];
	v63 =	vshll.u32 v21, $0x2;
	v4 =	vor.u32 v1, v4  }
0x120: {  	v13 =	vand.u32 $0x7F, v21;
	v58 =	vld.idx.msk [tilespmem:v10+s11+$0x0], $0xffff;
	v10 =	vand.u32 $0xFFFFFE00, v63  }
0x121: {  	v26 =	vadd.f32 $0.0e+00, v26;
	v54 =	vld.idx.msk [tilespmem:v61+s11+$0x0], $0xffff;
	v52 =	vor.u32 v13, v10  }
0x122: {  	v25 =	vadd.f32 $0.0e+00, v25;
	v8 =	vld.idx.msk [tilespmem:v62+s11+$0x0], $0xffff;
	v24 =	vor.u32 $0x80, v4  }
0x123: {  	v41 =	vadd.f32 v41, v26;
	v18 =	vor.u32 $0x100, v4;
	[tilespmem:$0x1FEC0] =	vst v0;
	v0 =	vadd.f32 $0.0e+00, v2;
	v2 =	vld [tilespmem:s15+$0x18680]  }
0x124: {  	v13 =	vshll.u32 v16, $0x2;
	v16 =	vand.u32 $0x7F, v16;
	v21 =	vor.u32 $0x180, v4;
	v48 =	vld.idx.msk [tilespmem:v4+s11+$0x0], $0xffff  }
0x125: {  	v61 =	vor.u32 $0x80, v52;
	v10 =	vand.u32 $0xFFFFFE00, v13;
	v0 =	vadd.f32 v45, v0;
	v45 =	vld [tilespmem:s15+$0x18600]  }
0x126: {  	v25 =	vadd.f32 v28, v25;
	v28 =	vadd.f32 v33, v41;
	v10 =	vor.u32 v16, v10;
	v41 =	vld.idx.msk [tilespmem:v52+s11+$0x0], $0xffff  }
0x127: {  	v13 =	vld.idx.msk [tilespmem:v24+s11+$0x0], $0xffff  }
0x128: {  	v62 =	vor.u32 $0x100, v10;
	v4 =	vor.u32 $0x180, v52;
	v24 =	vshll.u32 v17, $0x2;
	v7 =	vld.idx.msk [tilespmem:v18+s11+$0x0], $0xffff  }
0x129: {  	v18 =	vor.u32 $0x80, v10;
	v17 =	vand.u32 $0x7F, v17;
	v16 =	vand.u32 $0xFFFFFE00, v24;
	v24 =	vld.idx.msk [tilespmem:v21+s11+$0x0], $0xffff  }
0x12a: {  	v0 =	vadd.f32 v49, v0;
	v49 =	vshll.u32 v60, $0x2;
	v63 =	vor.u32 v17, v16;
	v16 =	vld.idx.msk [tilespmem:v61+s11+$0x0], $0xffff  }
0x12b: {  	v60 =	vand.u32 $0x7F, v60;
	v17 =	vor.u32 $0x180, v10;
	v10 =	vld.idx.msk [tilespmem:v10+s11+$0x0], $0xffff;
	v49 =	vand.u32 $0xFFFFFE00, v49  }
0x12c: {  	v0 =	vadd.f32 v46, v0;
	v46 =	vor.u32 v60, v49;
	v49 =	vld [tilespmem:s15+$0x18780]  }
0x12d: {  	v60 =	vld [tilespmem:s15+$0x18800]  }
0x12e: {  	v28 =	vadd.f32 v37, v28;
	v61 =	vor.u32 $0x80, v63;
	v21 =	vld.idx.msk [tilespmem:v4+s11+$0x0], $0xffff;
	v4 =	vshll.u32 v59, $0x2  }
0x12f: {  	v34 =	vadd.f32 v34, v25;
	v59 =	vand.u32 $0x7F, v59;
	v4 =	vand.u32 $0xFFFFFE00, v4;
	v18 =	vld.idx.msk [tilespmem:v18+s11+$0x0], $0xffff  }
0x130: {  	v5 =	vadd.f32 $0.0e+00, v5;
	v0 =	vadd.f32 v53, v0;
	v59 =	vor.u32 v59, v4;
	v4 =	vld.idx.msk [tilespmem:v62+s11+$0x0], $0xffff  }
0x131: {  	v34 =	vadd.f32 v36, v34;
	v36 =	vadd.f32 v38, v28;
	v38 =	vor.u32 $0x100, v63;
	v17 =	vld.idx.msk [tilespmem:v17+s11+$0x0], $0xffff  }
0x132: {  	v5 =	vadd.f32 v6, v5;
	v33 =	vor.u32 $0x80, v46;
	v0 =	vadd.f32 v50, v0;
	v50 =	vld [tilespmem:s15+$0x18880]  }
0x133: {  	v53 =	vor.u32 $0x180, v46;
	v1 =	vld.idx.msk [tilespmem:v61+s11+$0x0], $0xffff  }
0x134: {  	v5 =	vadd.f32 v9, v5;
	v62 =	vor.u32 $0x80, v59;
	v61 =	vld [tilespmem:s15+$0x18580]  }
0x135: {  	v28 =	vld.idx.msk [tilespmem:v46+s11+$0x0], $0xffff  }
0x136: {  	v14 =	vadd.f32 v14, v5;
	v36 =	vadd.f32 v42, v36;
	v5 =	vld.idx.msk [tilespmem:v38+s11+$0x0], $0xffff  }
0x137: {  	v9 =	vadd.f32 v32, v34;
	v33 =	vld.idx.msk [tilespmem:v33+s11+$0x0], $0xffff  }
0x138: {  	v36 =	vadd.f32 v43, v36;
	v37 =	vor.u32 $0x100, v46;
	v0 =	vadd.f32 v55, v0;
	v32 =	vld.idx.msk [tilespmem:v53+s11+$0x0], $0xffff  }
0x139: {  	v26 =	vld.idx.msk [tilespmem:v62+s11+$0x0], $0xffff;
	v62 =	vor.u32 $0x100, v59  }
0x13a: {  	v36 =	vadd.f32 v39, v36;
	v0 =	vadd.f32 v51, v0;
	v43 =	vld.idx.msk [tilespmem:v59+s11+$0x0], $0xffff;
	v55 =	vshll.u32 v61, $0x2  }
0x13b: {  	[tilespmem:$0x1FED0] =	vst v1;
	v1 =	vld [tilespmem:s15+$0x18700];
	v46 =	vand.u32 $0x7F, v61;
	v61 =	vor.u32 $0x180, v63;
	v6 =	vand.u32 $0xFFFFFE00, v55  }
0x13c: {  	v40 =	vadd.f32 v40, v36;
	v55 =	vld [tilespmem:s15+$0x18900];
	v42 =	vor.u32 v46, v6  }
0x13d: {  	v0 =	vadd.f32 v56, v0;
	v56 =	vshll.u32 v45, $0x2;
	v6 =	vld.idx.msk [tilespmem:v37+s11+$0x0], $0xffff;
	v37 =	vor.u32 $0x80, v42  }
0x13e: {  	v53 =	vand.u32 $0x7F, v45;
	v34 =	vand.u32 $0xFFFFFE00, v56;
	v38 =	vor.u32 $0x100, v42;
	v25 =	vld.idx.msk [tilespmem:v62+s11+$0x0], $0xffff  }
0x13f: {  	v46 =	vor.u32 $0x180, v42;
	v62 =	vadd.f32 v15, v14;
	v15 =	vor.u32 v53, v34;
	v34 =	vld.idx.msk [tilespmem:v63+s11+$0x0], $0xffff  }
0x140: {  	v0 =	vadd.f32 v57, v0;
	v14 =	vld.idx.msk [tilespmem:v61+s11+$0x0], $0xffff  }
0x141: {  	v56 =	vadd.f32 v22, v62;
	v62 =	vadd.f32 v44, v40;
	v44 =	vld [tilespmem:s15+$0x18A80]  }
0x142: {  	v45 =	vor.u32 $0x180, v59;
	v22 =	vld.idx.msk [tilespmem:v37+s11+$0x0], $0xffff  }
0x143: {  	v23 =	vadd.f32 v23, v9;
	v0 =	vadd.f32 v58, v0;
	v57 =	vor.u32 $0x80, v15;
	v9 =	vld.idx.msk [tilespmem:v38+s11+$0x0], $0xffff  }
0x144: {  	v59 =	vor.u32 $0x100, v15;
	v61 =	vor.u32 $0x180, v15;
	v53 =	vshll.u32 v1, $0x2;
	v36 =	vld.idx.msk [tilespmem:v46+s11+$0x0], $0xffff  }
0x145: {  	v1 =	vand.u32 $0x7F, v1;
	v20 =	vadd.f32 v20, v56;
	v37 =	vld.idx.msk [tilespmem:v42+s11+$0x0], $0xffff;
	v56 =	vand.u32 $0xFFFFFE00, v53  }
0x146: {  	v19 =	vadd.f32 v19, v23;
	v38 =	vor.u32 v1, v56;
	v1 =	vld [tilespmem:s15+$0x18980]  }
0x147: {  	v46 =	vadd.f32 v54, v0;
	v0 =	vadd.f32 v31, v20;
	v31 =	vld.idx.msk [tilespmem:v45+s11+$0x0], $0xffff  }
0x148: {  	v63 =	vshll.u32 v2, $0x2;
	v2 =	vand.u32 $0x7F, v2;
	v54 =	vadd.f32 v29, v19;
	v19 =	vld.idx.msk [tilespmem:v57+s11+$0x0], $0xffff  }
0x149: {  	v58 =	vshll.u32 v49, $0x2;
	v56 =	vand.u32 $0x7F, v60;
	v45 =	vadd.f32 v47, v62;
	v23 =	vld.idx.msk [tilespmem:v59+s11+$0x0], $0xffff  }
0x14a: {  	v29 =	vld.idx.msk [tilespmem:v61+s11+$0x0], $0xffff;
	v57 =	vand.u32 $0xFFFFFE00, v63;
	v27 =	vadd.f32 v27, v54;
	v59 =	vshll.u32 v60, $0x2  }
0x14b: {  	v20 =	vld [tilespmem:s15+$0x18A00];
	v62 =	vor.u32 $0x100, v52;
	v63 =	vand.u32 $0x7F, v49;
	v2 =	vor.u32 v2, v57  }
0x14c: {  	v52 =	vld [tilespmem:s15+$0x18B00];
	v39 =	vand.u32 $0xFFFFFE00, v59;
	v57 =	vor.u32 $0x180, v38;
	v0 =	vadd.f32 v30, v0  }
0x14d: {  	v30 =	vand.u32 $0xFFFFFE00, v58;
	v35 =	vadd.f32 v35, v45;
	v45 =	vld [tilespmem:s15+$0x18B80];
	v58 =	vshll.u32 v50, $0x2  }
0x14e: {  	v59 =	vand.u32 $0x7F, v50;
	v61 =	vor.u32 $0x180, v2;
	v47 =	vand.u32 $0xFFFFFE00, v58;
	v58 =	vld [tilespmem:$0x1FEB0]  }
0x14f: {  	v39 =	vor.u32 v56, v39;
	v0 =	vadd.f32 v11, v0;
	v11 =	vadd.f32 v12, v27;
	v27 =	vld [tilespmem:s15+$0x18C00]  }
0x150: {  	v24 =	vadd.f32 v24, v46;
	v50 =	vor.u32 $0x180, v39;
	v47 =	vor.u32 v59, v47;
	v59 =	vld [tilespmem:$0x1FEC0]  }
0x151: {  	v30 =	vor.u32 v63, v30;
	v42 =	vld.idx.msk [tilespmem:v62+s11+$0x0], $0xffff  }
0x152: {  	v21 =	vadd.f32 v21, v24;
	v12 =	vor.u32 $0x180, v30;
	v51 =	vld.idx.msk [tilespmem:v57+s11+$0x0], $0xffff  }
0x153: {  	v60 =	vshll.u32 v55, $0x2;
	v35 =	vadd.f32 v48, v35;
	v48 =	vor.u32 $0x80, v30;
	v40 =	vld.idx.msk [tilespmem:v61+s11+$0x0], $0xffff  }
0x154: {  	v17 =	vadd.f32 v17, v21;
	v62 =	vand.u32 $0x7F, v55;
	v63 =	vor.u32 $0x180, v47;
	v55 =	vld.idx.msk [tilespmem:v39+s11+$0x0], $0xffff  }
0x155: {  	v50 =	vld.idx.msk [tilespmem:v50+s11+$0x0], $0xffff  }
0x156: {  	v53 =	vand.u32 $0xFFFFFE00, v60;
	v0 =	vadd.f32 v3, v0;
	v17 =	vadd.f32 v31, v17;
	v31 =	vld.idx.msk [tilespmem:v30+s11+$0x0], $0xffff  }
0x157: {  	v60 =	vor.u32 $0x80, v47;
	v49 =	vor.u32 v62, v53;
	v61 =	vor.u32 $0x100, v38;
	v12 =	vld.idx.msk [tilespmem:v12+s11+$0x0], $0xffff  }
0x158: {  	v3 =	vshll.u32 v1, $0x2;
	v53 =	vor.u32 $0x180, v49;
	v8 =	vadd.f32 v8, v0;
	v48 =	vld.idx.msk [tilespmem:v48+s11+$0x0], $0xffff  }
0x159: {  	v1 =	vand.u32 $0x7F, v1;
	v3 =	vand.u32 $0xFFFFFE00, v3;
	v11 =	vadd.f32 v58, v11;
	v54 =	vld.idx.msk [tilespmem:v63+s11+$0x0], $0xffff  }
0x15a: {  	v57 =	vor.u32 v1, v3;
	v0 =	vshll.u32 v27, $0x2;
	v8 =	vadd.f32 v13, v8;
	v13 =	vld.idx.msk [tilespmem:v38+s11+$0x0], $0xffff  }
0x15b: {  	v3 =	vor.u32 $0x180, v57;
	v11 =	vadd.f32 v59, v11;
	v59 =	vadd.f32 v32, v17;
	v17 =	vld.idx.msk [tilespmem:v47+s11+$0x0], $0xffff  }
0x15c: {  	v35 =	vadd.f32 v41, v35;
	v1 =	vand.u32 $0x7F, v27;
	v0 =	vand.u32 $0xFFFFFE00, v0;
	v27 =	vld.idx.msk [tilespmem:v61+s11+$0x0], $0xffff  }
0x15d: {  	v0 =	vor.u32 v1, v0;
	v1 =	vor.u32 $0x100, v47;
	v41 =	vld.idx.msk [tilespmem:v53+s11+$0x0], $0xffff  }
0x15e: {  	v10 =	vadd.f32 v10, v35;
	v8 =	vadd.f32 v16, v8;
	v16 =	vld.idx.msk [tilespmem:v60+s11+$0x0], $0xffff  }
0x15f: {  	v62 =	vor.u32 $0x100, v39;
	v7 =	vadd.f32 v7, v11;
	v24 =	vld.idx.msk [tilespmem:v57+s11+$0x0], $0xffff  }
0x160: {  	v10 =	vadd.f32 v43, v10;
	v43 =	vor.u32 $0x100, v57;
	v56 =	vld.idx.msk [tilespmem:v3+s11+$0x0], $0xffff  }
0x161: {  	v47 =	vor.u32 $0x80, v38;
	v3 =	vadd.f32 v18, v8;
	v7 =	vadd.f32 v42, v7;
	v42 =	vld [tilespmem:$0x1FED0]  }
0x162: {  	v46 =	vor.u32 $0x100, v0;
	v61 =	vshll.u32 v45, $0x2;
	v58 =	vadd.f32 v28, v10;
	v11 =	vld.idx.msk [tilespmem:v1+s11+$0x0], $0xffff  }
0x163: {  	v60 =	vor.u32 $0x100, v2;
	v10 =	vadd.f32 v14, v59;
	v18 =	vadd.f32 v26, v3;
	v3 =	vld.idx.msk [tilespmem:v0+s11+$0x0], $0xffff  }
0x164: {  	v53 =	vor.u32 $0x100, v30;
	v59 =	vshll.u32 v44, $0x2;
	v26 =	vld.idx.msk [tilespmem:v62+s11+$0x0], $0xffff;
	v4 =	vadd.f32 v4, v7  }
0x165: {  	v63 =	vand.u32 $0xFFFFFE00, v61;
	v61 =	vshll.u32 v52, $0x2;
	v1 =	vand.u32 $0x7F, v45;
	v45 =	vld.idx.msk [tilespmem:v15+s11+$0x0], $0xffff  }
0x166: {  	v30 =	vand.u32 $0xFFFFFE00, v59;
	v62 =	vor.u32 $0x80, v2;
	v2 =	vld.idx.msk [tilespmem:v2+s11+$0x0], $0xffff;
	v4 =	vadd.f32 v25, v4  }
0x167: {  	v32 =	vand.u32 $0xFFFFFE00, v61;
	v10 =	vadd.f32 v36, v10;
	v8 =	vor.u32 v1, v63;
	v1 =	vld.idx.msk [tilespmem:v46+s11+$0x0], $0xffff  }
0x168: {  	v63 =	vand.u32 $0x7F, v52;
	v52 =	vld.idx.msk [tilespmem:v60+s11+$0x0], $0xffff;
	v46 =	vor.u32 $0x100, v8;
	v4 =	vadd.f32 v6, v4  }
0x169: {  	v61 =	vand.u32 $0x7F, v44;
	v10 =	vadd.f32 v29, v10;
	v29 =	vld.idx.msk [tilespmem:v53+s11+$0x0], $0xffff;
	v18 =	vadd.f32 v33, v18  }
0x16a: {  	v7 =	vadd.f32 v34, v58;
	v58 =	vor.u32 $0x80, v57;
	v6 =	vld.idx.msk [tilespmem:v43+s11+$0x0], $0xffff;
	v4 =	vadd.f32 v5, v4  }
0x16b: {  	v30 =	vor.u32 v61, v30;
	v18 =	vadd.f32 v42, v18;
	v42 =	vld.idx.msk [tilespmem:v49+s11+$0x0], $0xffff  }
0x16c: {  	v7 =	vadd.f32 v37, v7;
	v5 =	vld.idx.msk [tilespmem:v62+s11+$0x0], $0xffff;
	v4 =	vadd.f32 v9, v4  }
0x16d: {  	v35 =	vor.u32 $0x100, v49;
	v60 =	vor.u32 $0x80, v39;
	v21 =	vld.idx.msk [tilespmem:v46+s11+$0x0], $0xffff;
	v46 =	vadd.f32 v22, v18  }
0x16e: {  	v38 =	vshll.u32 v20, $0x2;
	v7 =	vadd.f32 v45, v7;
	v18 =	vld.idx.msk [tilespmem:v47+s11+$0x0], $0xffff;
	v4 =	vadd.f32 v23, v4  }
0x16f: {  	v20 =	vand.u32 $0x7F, v20;
	v32 =	vor.u32 v63, v32;
	v36 =	vld.idx.msk [tilespmem:v58+s11+$0x0], $0xffff;
	v15 =	vadd.f32 v19, v46  }
0x170: {  	v63 =	vor.u32 $0x100, v30;
	v45 =	vld.idx.msk [tilespmem:v30+s11+$0x0], $0xffff;
	v2 =	vadd.f32 v2, v7;
	v4 =	vadd.f32 v52, v4  }
0x171: {  	v37 =	vor.u32 $0x80, v49;
	v33 =	vld.idx.msk [tilespmem:v8+s11+$0x0], $0xffff;
	v62 =	vor.u32 $0x100, v32;
	v5 =	vadd.f32 v5, v15  }
0x172: {  	v39 =	vld.idx.msk [tilespmem:v60+s11+$0x0], $0xffff;
	v2 =	vadd.f32 v13, v2;
	v13 =	vand.u32 $0xFFFFFE00, v38;
	v4 =	vadd.f32 v27, v4  }
0x173: {  	v10 =	vadd.f32 v40, v10;
	v7 =	vld.idx.msk [tilespmem:v35+s11+$0x0], $0xffff;
	v13 =	vor.u32 v20, v13;
	v5 =	vadd.f32 v18, v5  }
0x174: {  	v9 =	vld.idx.msk [tilespmem:v32+s11+$0x0], $0xffff;
	v40 =	vor.u32 $0x100, v13;
	v2 =	vadd.f32 v31, v2;
	v4 =	vadd.f32 v29, v4  }
0x175: {  	v10 =	vadd.f32 v51, v10;
	v19 =	vld.idx.msk [tilespmem:v63+s11+$0x0], $0xffff;
	v43 =	vor.u32 $0x80, v13;
	v5 =	vadd.f32 v48, v5  }
0x176: {  	v46 =	vor.u32 $0x80, v30;
	v15 =	vld.idx.msk [tilespmem:v37+s11+$0x0], $0xffff;
	v2 =	vadd.f32 v55, v2;
	v4 =	vadd.f32 v26, v4  }
0x177: {  	v10 =	vadd.f32 v12, v10;
	v14 =	vld.idx.msk [tilespmem:v62+s11+$0x0], $0xffff;
	v44 =	vor.u32 $0x180, v13;
	v5 =	vadd.f32 v39, v5  }
0x178: {  	v47 =	vor.u32 $0x180, v30;
	v13 =	vld.idx.msk [tilespmem:v13+s11+$0x0], $0xffff;
	v2 =	vadd.f32 v17, v2;
	v4 =	vadd.f32 v11, v4  }
0x179: {  	v49 =	vor.u32 $0x80, v32;
	v10 =	vadd.f32 v50, v10;
	v48 =	vld.idx.msk [tilespmem:v40+s11+$0x0], $0xffff;
	v5 =	vadd.f32 v16, v5  }
0x17a: {  	v50 =	vor.u32 $0x180, v32;
	v51 =	vld.idx.msk [tilespmem:v43+s11+$0x0], $0xffff;
	v2 =	vadd.f32 v42, v2;
	v4 =	vadd.f32 v7, v4  }
0x17b: {  	v52 =	vadd.f32 v54, v10;
	v54 =	vor.u32 $0x80, v8;
	v55 =	vld.idx.msk [tilespmem:v46+s11+$0x0], $0xffff;
	v5 =	vadd.f32 v15, v5  }
0x17c: {  	v59 =	vor.u32 $0x80, v0;
	v53 =	vld.idx.msk [tilespmem:v44+s11+$0x0], $0xffff;
	v2 =	vadd.f32 v24, v2;
	v4 =	vadd.f32 v6, v4  }
0x17d: {  	v8 =	vor.u32 $0x180, v8;
	v58 =	vld.idx.msk [tilespmem:v47+s11+$0x0], $0xffff;
	v57 =	vadd.f32 v41, v52;
	v5 =	vadd.f32 v36, v5  }
0x17e: {  	v17 =	vld.idx.msk [tilespmem:v49+s11+$0x0], $0xffff;
	v2 =	vadd.f32 v13, v2;
	v4 =	vadd.f32 v48, v4  }
0x17f: {  	v0 =	vor.u32 $0x180, v0;
	v60 =	vld.idx.msk [tilespmem:v50+s11+$0x0], $0xffff;
	v6 =	vadd.f32 v56, v57;
	v5 =	vadd.f32 v51, v5  }
0x180: {  	v61 =	vld.idx.msk [tilespmem:v54+s11+$0x0], $0xffff;
	v2 =	vadd.f32 v45, v2;
	v4 =	vadd.f32 v19, v4  }
0x181: {  	v62 =	vld.idx.msk [tilespmem:v59+s11+$0x0], $0xffff;
	v6 =	vadd.f32 v53, v6;
	v5 =	vadd.f32 v55, v5  }
0x182: {  	v8 =	vld.idx.msk [tilespmem:v8+s11+$0x0], $0xffff;
	v2 =	vadd.f32 v9, v2;
	v4 =	vadd.f32 v14, v4  }
0x183: {  	v6 =	vadd.f32 v58, v6;
	v5 =	vadd.f32 v17, v5  }
0x184: {  	v63 =	vld.idx.msk [tilespmem:v0+s11+$0x0], $0xffff;
	v0 =	vadd.f32 v33, v2;
	v2 =	vadd.f32 v21, v4  }
0x185: {  	v5 =	vadd.f32 v61, v5;
	v4 =	vadd.f32 v60, v6  }
0x186: {  	v0 =	vadd.f32 v3, v0;
	v1 =	vadd.f32 v1, v2  }
0x187: {  	v3 =	vadd.f32 v8, v4;
	v4 =	vadd.f32 v62, v5  }
0x188: {  	v2 =	vmul.f32 $3.125000000e-02, v1  }
0x189: {  	s16 =	simm.s32 $0xFFFFFE40;
	v0 =	vmul.f32 $3.125000000e-02, v0;
	v1 =	vadd.f32 v63, v3;
	v3 =	vmul.f32 $3.125000000e-02, v4  }
.LBB2_7:
0x18a: {  	s17 =	sshra.s32 s16, $0x2;
	p0 =	sne.s32 s16, $0xFFFFFFC0;
	s16 =	sadd.s32 $0x40, s16;
	[tilespmem:s15+$0x18D80] =	vst v2  }
0x18b: {  	v2 =	vld [tilespmem:s17+$0x17C80];
	[tilespmem:s15+$0x18D00] =	vst v3;
	v1 =	vmul.f32 $3.125000000e-02, v1  }
0x18c: {  	v3 =	vld [tilespmem:s17+$0x17D00];
	[tilespmem:s15+$0x18C80] =	vst v0  }
0x18d: {  	v4 =	vld [tilespmem:s17+$0x17D80];
	[tilespmem:s15+$0x18E00] =	vst v1;
	s15 =	smov.u32 s17  }
0x18e: {  	v6 =	vld [tilespmem:s15+$0x17E00]  }
0x18f: {  	v0 =	vld [tilespmem:s15+$0x17E80]  }
0x190: {  	v1 =	vshll.u32 v2, $0x2;
	v7 =	vld [tilespmem:s15+$0x17F00]  }
0x191: {  	v2 =	vand.u32 $0x7F, v2;
	v1 =	vand.u32 $0xFFFFFE00, v1;
	v5 =	vshll.u32 v3, $0x2;
	v8 =	vld [tilespmem:s15+$0x17F80]  }
0x192: {  	v1 =	vor.u32 v2, v1;
	v2 =	vand.u32 $0xFFFFFE00, v5;
	v5 =	vshll.u32 v4, $0x2;
	v9 =	vld [tilespmem:s15+$0x18000]  }
0x193: {  	v3 =	vand.u32 $0x7F, v3;
	v10 =	vor.u32 $0x80, v1;
	v11 =	vand.u32 $0xFFFFFE00, v5;
	v12 =	vld [tilespmem:s15+$0x18080]  }
0x194: {  	v13 =	vor.u32 $0x100, v1;
	v14 =	vand.u32 $0x7F, v0;
	v0 =	vshll.u32 v0, $0x2;
	v5 =	vld [tilespmem:s15+$0x18100]  }
0x195: {  	v15 =	vor.u32 $0x180, v1;
	v16 =	vor.u32 v3, v2;
	v2 =	vshll.u32 v6, $0x2;
	v3 =	vld [tilespmem:s15+$0x18180]  }
0x196: {  	v17 =	vor.u32 $0x80, v16;
	v18 =	vand.u32 $0xFFFFFE00, v2;
	v0 =	vand.u32 $0xFFFFFE00, v0;
	v2 =	vld [tilespmem:s15+$0x18200]  }
0x197: {  	v20 =	vor.u32 $0x100, v16;
	v14 =	vor.u32 v14, v0;
	v19 =	vld.idx.msk [tilespmem:v1+s11+$0x0], $0xffff;
	v1 =	vshll.u32 v9, $0x2  }
0x198: {  	v21 =	vshll.u32 v8, $0x2;
	v0 =	vld.idx.msk [tilespmem:v10+s11+$0x0], $0xffff;
	v10 =	vshll.u32 v7, $0x2;
	v22 =	vand.u32 $0xFFFFFE00, v1  }
0x199: {  	v23 =	vor.u32 $0x180, v16;
	v1 =	vand.u32 $0x7F, v4;
	v13 =	vld.idx.msk [tilespmem:v13+s11+$0x0], $0xffff;
	v10 =	vand.u32 $0xFFFFFE00, v10  }
0x19a: {  	v11 =	vor.u32 v1, v11;
	v4 =	vld.idx.msk [tilespmem:v15+s11+$0x0], $0xffff;
	v15 =	vand.u32 $0xFFFFFE00, v21;
	v21 =	vshll.u32 v12, $0x2  }
0x19b: {  	v24 =	vshll.u32 v5, $0x2;
	v25 =	vshll.u32 v3, $0x2;
	v1 =	vld.idx.msk [tilespmem:v17+s11+$0x0], $0xffff;
	v17 =	vor.u32 $0x80, v11  }
0x19c: {  	v6 =	vand.u32 $0x7F, v6;
	v26 =	vor.u32 $0x100, v11;
	v24 =	vand.u32 $0xFFFFFE00, v24;
	v20 =	vld.idx.msk [tilespmem:v20+s11+$0x0], $0xffff  }
0x19d: {  	v6 =	vor.u32 v6, v18;
	v27 =	vor.u32 $0x180, v11;
	v18 =	vand.u32 $0xFFFFFE00, v25;
	v16 =	vld.idx.msk [tilespmem:v16+s11+$0x0], $0xffff  }
0x19e: {  	v25 =	vor.u32 $0x180, v6;
	v28 =	vshll.u32 v2, $0x2;
	v23 =	vld.idx.msk [tilespmem:v23+s11+$0x0], $0xffff  }
0x19f: {  	v28 =	vand.u32 $0xFFFFFE00, v28;
	v13 =	vadd.f32 $0.0e+00, v13;
	v11 =	vld.idx.msk [tilespmem:v11+s11+$0x0], $0xffff  }
0x1a0: {  	v29 =	vadd.f32 $0.0e+00, v4;
	v4 =	vld.idx.msk [tilespmem:v17+s11+$0x0], $0xffff;
	v17 =	vor.u32 $0x80, v6  }
0x1a1: {  	v30 =	vor.u32 $0x100, v6;
	v19 =	vadd.f32 $0.0e+00, v19;
	v26 =	vld.idx.msk [tilespmem:v26+s11+$0x0], $0xffff  }
0x1a2: {  	v13 =	vadd.f32 v20, v13;
	v20 =	vld.idx.msk [tilespmem:v27+s11+$0x0], $0xffff  }
0x1a3: {  	v16 =	vadd.f32 v16, v19;
	v19 =	vld.idx.msk [tilespmem:v25+s11+$0x0], $0xffff;
	v25 =	vor.u32 $0x80, v14  }
0x1a4: {  	v7 =	vand.u32 $0x7F, v7;
	v23 =	vadd.f32 v23, v29;
	v29 =	vor.u32 $0x100, v14;
	v27 =	vld.idx.msk [tilespmem:v6+s11+$0x0], $0xffff  }
0x1a5: {  	v7 =	vor.u32 v7, v10;
	v11 =	vadd.f32 v11, v16;
	v16 =	vor.u32 $0x180, v14;
	v6 =	vld.idx.msk [tilespmem:v17+s11+$0x0], $0xffff  }
0x1a6: {  	v17 =	vor.u32 $0x180, v7;
	v10 =	vld.idx.msk [tilespmem:v30+s11+$0x0], $0xffff  }
0x1a7: {  	v13 =	vadd.f32 v26, v13;
	v14 =	vld.idx.msk [tilespmem:v14+s11+$0x0], $0xffff  }
0x1a8: {  	v20 =	vadd.f32 v20, v23;
	v23 =	vld.idx.msk [tilespmem:v25+s11+$0x0], $0xffff;
	v25 =	vor.u32 $0x80, v7  }
0x1a9: {  	v8 =	vand.u32 $0x7F, v8;
	v26 =	vld.idx.msk [tilespmem:v29+s11+$0x0], $0xffff;
	v29 =	vor.u32 $0x100, v7  }
0x1aa: {  	v8 =	vor.u32 v8, v15;
	v19 =	vadd.f32 v19, v20;
	v16 =	vld.idx.msk [tilespmem:v16+s11+$0x0], $0xffff  }
0x1ab: {  	v15 =	vld.idx.msk [tilespmem:v17+s11+$0x0], $0xffff;
	v17 =	vor.u32 $0x80, v8  }
0x1ac: {  	v9 =	vand.u32 $0x7F, v9;
	v10 =	vadd.f32 v10, v13;
	v13 =	vor.u32 $0x100, v8;
	v7 =	vld.idx.msk [tilespmem:v7+s11+$0x0], $0xffff  }
0x1ad: {  	v9 =	vor.u32 v9, v22;
	v20 =	vld.idx.msk [tilespmem:v25+s11+$0x0], $0xffff;
	v25 =	vor.u32 $0x180, v8  }
0x1ae: {  	v22 =	vld.idx.msk [tilespmem:v29+s11+$0x0], $0xffff;
	v29 =	vor.u32 $0x180, v9  }
0x1af: {  	v10 =	vadd.f32 v26, v10;
	v8 =	vld.idx.msk [tilespmem:v8+s11+$0x0], $0xffff  }
0x1b0: {  	v16 =	vadd.f32 v16, v19;
	v19 =	vor.u32 $0x80, v9;
	v17 =	vld.idx.msk [tilespmem:v17+s11+$0x0], $0xffff  }
0x1b1: {  	v12 =	vand.u32 $0x7F, v12;
	v21 =	vand.u32 $0xFFFFFE00, v21;
	v26 =	vor.u32 $0x100, v9;
	v13 =	vld.idx.msk [tilespmem:v13+s11+$0x0], $0xffff  }
0x1b2: {  	v12 =	vor.u32 v12, v21;
	v11 =	vadd.f32 v27, v11;
	v15 =	vadd.f32 v15, v16;
	v16 =	vld.idx.msk [tilespmem:v25+s11+$0x0], $0xffff  }
0x1b3: {  	v25 =	vor.u32 $0x80, v12;
	v21 =	vld.idx.msk [tilespmem:v29+s11+$0x0], $0xffff  }
0x1b4: {  	v11 =	vadd.f32 v14, v11;
	v14 =	vadd.f32 v22, v10;
	v22 =	vor.u32 $0x100, v12;
	v9 =	vld.idx.msk [tilespmem:v9+s11+$0x0], $0xffff  }
0x1b5: {  	v5 =	vand.u32 $0x7F, v5;
	v10 =	vld.idx.msk [tilespmem:v19+s11+$0x0], $0xffff;
	v19 =	vor.u32 $0x180, v12  }
0x1b6: {  	v24 =	vor.u32 v5, v24;
	v7 =	vadd.f32 v7, v11;
	v26 =	vld.idx.msk [tilespmem:v26+s11+$0x0], $0xffff  }
0x1b7: {  	v14 =	vadd.f32 v13, v14;
	v13 =	vor.u32 $0x80, v24;
	v12 =	vld.idx.msk [tilespmem:v12+s11+$0x0], $0xffff  }
0x1b8: {  	v7 =	vadd.f32 v8, v7;
	v8 =	vadd.f32 v16, v15;
	v15 =	vor.u32 $0x100, v24;
	v5 =	vld.idx.msk [tilespmem:v25+s11+$0x0], $0xffff  }
0x1b9: {  	v3 =	vand.u32 $0x7F, v3;
	v16 =	vor.u32 $0x180, v24;
	v11 =	vld.idx.msk [tilespmem:v22+s11+$0x0], $0xffff  }
0x1ba: {  	v3 =	vor.u32 v3, v18;
	v7 =	vadd.f32 v9, v7;
	v8 =	vadd.f32 v21, v8;
	v9 =	vld.idx.msk [tilespmem:v19+s11+$0x0], $0xffff  }
0x1bb: {  	v19 =	vor.u32 $0x80, v3;
	v18 =	vld.idx.msk [tilespmem:v24+s11+$0x0], $0xffff  }
0x1bc: {  	v2 =	vand.u32 $0x7F, v2;
	v21 =	vld.idx.msk [tilespmem:v13+s11+$0x0], $0xffff;
	v13 =	vor.u32 $0x100, v3  }
0x1bd: {  	v2 =	vor.u32 v2, v28;
	v22 =	vadd.f32 v12, v7;
	v7 =	vor.u32 $0x180, v3;
	v15 =	vld.idx.msk [tilespmem:v15+s11+$0x0], $0xffff  }
0x1be: {  	v12 =	vld.idx.msk [tilespmem:v16+s11+$0x0], $0xffff;
	v16 =	vor.u32 $0x180, v2  }
0x1bf: {  	v3 =	vld.idx.msk [tilespmem:v3+s11+$0x0], $0xffff  }
0x1c0: {  	v24 =	vor.u32 $0x80, v2;
	v19 =	vld.idx.msk [tilespmem:v19+s11+$0x0], $0xffff  }
0x1c1: {  	v25 =	vld.idx.msk [tilespmem:v13+s11+$0x0], $0xffff;
	v13 =	vor.u32 $0x100, v2  }
0x1c2: {  	v7 =	vld.idx.msk [tilespmem:v7+s11+$0x0], $0xffff  }
0x1c3: {  	v16 =	vld.idx.msk [tilespmem:v16+s11+$0x0], $0xffff  }
0x1c4: {  	v0 =	vadd.f32 $0.0e+00, v0;
	v8 =	vadd.f32 v9, v8;
	v2 =	vld.idx.msk [tilespmem:v2+s11+$0x0], $0xffff  }
0x1c5: {  	v24 =	vld.idx.msk [tilespmem:v24+s11+$0x0], $0xffff  }
0x1c6: {  	v0 =	vadd.f32 v1, v0;
	v1 =	vadd.f32 v12, v8;
	v27 =	vld.idx.msk [tilespmem:v13+s11+$0x0], $0xffff  }
0x1c7: {  	v8 =	vld [tilespmem:s15+$0x18280]  }
0x1c8: {  	v0 =	vadd.f32 v4, v0;
	v1 =	vadd.f32 v7, v1;
	v4 =	vld [tilespmem:s15+$0x18300]  }
0x1c9: {  	v28 =	vld [tilespmem:s15+$0x18380]  }
0x1ca: {  	v0 =	vadd.f32 v6, v0;
	v1 =	vadd.f32 v16, v1;
	v16 =	vld [tilespmem:s15+$0x18400]  }
0x1cb: {  	v29 =	vld [tilespmem:s15+$0x18480]  }
0x1cc: {  	v0 =	vadd.f32 v23, v0;
	v6 =	vshll.u32 v8, $0x2;
	v9 =	vld [tilespmem:s15+$0x18500]  }
0x1cd: {  	v7 =	vand.u32 $0x7F, v8;
	v6 =	vand.u32 $0xFFFFFE00, v6;
	v12 =	vand.u32 $0x7F, v4;
	v23 =	vld [tilespmem:s15+$0x18580]  }
0x1ce: {  	v0 =	vadd.f32 v20, v0;
	v13 =	vor.u32 v7, v6;
	v7 =	vshll.u32 v28, $0x2;
	v6 =	vld [tilespmem:s15+$0x18600]  }
0x1cf: {  	v20 =	vor.u32 $0x80, v13;
	v30 =	vand.u32 $0xFFFFFE00, v7;
	v31 =	vshll.u32 v16, $0x2;
	v7 =	vld [tilespmem:s15+$0x18680]  }
0x1d0: {  	v4 =	vshll.u32 v4, $0x2;
	v32 =	vor.u32 $0x100, v13;
	v33 =	vor.u32 $0x180, v13;
	v34 =	vld [tilespmem:s15+$0x18700]  }
0x1d1: {  	v0 =	vadd.f32 v17, v0;
	v4 =	vand.u32 $0xFFFFFE00, v4;
	v17 =	vshll.u32 v9, $0x2;
	v8 =	vld [tilespmem:s15+$0x18780]  }
0x1d2: {  	v12 =	vor.u32 v12, v4;
	v4 =	vand.u32 $0x7F, v9;
	v17 =	vand.u32 $0xFFFFFE00, v17;
	v9 =	vld [tilespmem:s15+$0x18800]  }
0x1d3: {  	v36 =	vor.u32 $0x80, v12;
	v35 =	vld.idx.msk [tilespmem:v13+s11+$0x0], $0xffff;
	v17 =	vor.u32 v4, v17;
	v37 =	vand.u32 $0x7F, v6  }
0x1d4: {  	v4 =	vld.idx.msk [tilespmem:v20+s11+$0x0], $0xffff;
	v20 =	vshll.u32 v29, $0x2;
	v38 =	vor.u32 $0x80, v17;
	v13 =	vshll.u32 v7, $0x2  }
0x1d5: {  	v28 =	vand.u32 $0x7F, v28;
	v39 =	vor.u32 $0x180, v12;
	v32 =	vld.idx.msk [tilespmem:v32+s11+$0x0], $0xffff;
	v40 =	vshll.u32 v34, $0x2  }
0x1d6: {  	v14 =	vadd.f32 v26, v14;
	v28 =	vor.u32 v28, v30;
	v30 =	vand.u32 $0x7F, v34;
	v26 =	vld.idx.msk [tilespmem:v33+s11+$0x0], $0xffff  }
0x1d7: {  	v0 =	vadd.f32 v10, v0;
	v10 =	vadd.f32 v18, v22;
	v22 =	vor.u32 $0x80, v28;
	v18 =	vld.idx.msk [tilespmem:v12+s11+$0x0], $0xffff  }
0x1d8: {  	v16 =	vand.u32 $0x7F, v16;
	v31 =	vand.u32 $0xFFFFFE00, v31;
	v34 =	vor.u32 $0x100, v28;
	v33 =	vld.idx.msk [tilespmem:v36+s11+$0x0], $0xffff  }
0x1d9: {  	v3 =	vadd.f32 v3, v10;
	v10 =	vor.u32 $0x180, v28;
	v31 =	vor.u32 v16, v31;
	v36 =	vld [tilespmem:s15+$0x18880]  }
0x1da: {  	v0 =	vadd.f32 v5, v0;
	v5 =	vadd.f32 v11, v14;
	v14 =	vor.u32 $0x180, v31;
	v11 =	vld.idx.msk [tilespmem:v39+s11+$0x0], $0xffff  }
0x1db: {  	v2 =	vadd.f32 v2, v3;
	v3 =	vand.u32 $0xFFFFFE00, v20;
	v20 =	vand.u32 $0xFFFFFE00, v40;
	v39 =	vld [tilespmem:s15+$0x18900]  }
0x1dc: {  	v0 =	vadd.f32 v21, v0;
	v5 =	vadd.f32 v15, v5;
	v21 =	vor.u32 $0x80, v31;
	v15 =	vld.idx.msk [tilespmem:v28+s11+$0x0], $0xffff  }
0x1dd: {  	v16 =	vand.u32 $0x7F, v29;
	v2 =	vadd.f32 v35, v2;
	v28 =	vor.u32 $0x100, v31;
	v22 =	vld.idx.msk [tilespmem:v22+s11+$0x0], $0xffff  }
0x1de: {  	v19 =	vadd.f32 v19, v0;
	v3 =	vor.u32 v16, v3;
	v0 =	vld.idx.msk [tilespmem:v34+s11+$0x0], $0xffff;
	v16 =	vand.u32 $0x7F, v36  }
0x1df: {  	v5 =	vadd.f32 v25, v5;
	v2 =	vadd.f32 v18, v2;
	v18 =	vor.u32 $0x80, v3;
	v10 =	vld.idx.msk [tilespmem:v10+s11+$0x0], $0xffff  }
0x1e0: {  	v19 =	vadd.f32 v24, v19;
	v24 =	vor.u32 $0x100, v3;
	v1 =	vadd.f32 v26, v1;
	v25 =	vld.idx.msk [tilespmem:v38+s11+$0x0], $0xffff  }
0x1e1: {  	v5 =	vadd.f32 v27, v5;
	v27 =	vshll.u32 v23, $0x2;
	v26 =	vor.u32 $0x180, v3;
	v21 =	vld.idx.msk [tilespmem:v21+s11+$0x0], $0xffff  }
0x1e2: {  	v4 =	vadd.f32 v4, v19;
	v19 =	vor.u32 $0x100, v17;
	v11 =	vadd.f32 v11, v1;
	v1 =	vld.idx.msk [tilespmem:v28+s11+$0x0], $0xffff  }
0x1e3: {  	v5 =	vadd.f32 v32, v5;
	v15 =	vadd.f32 v15, v2;
	v28 =	vld.idx.msk [tilespmem:v3+s11+$0x0], $0xffff;
	v3 =	vand.u32 $0xFFFFFE00, v27  }
0x1e4: {  	v23 =	vand.u32 $0x7F, v23;
	v4 =	vadd.f32 v33, v4;
	v27 =	vor.u32 $0x180, v17;
	v18 =	vld.idx.msk [tilespmem:v18+s11+$0x0], $0xffff  }
0x1e5: {  	v29 =	vadd.f32 v10, v11;
	v10 =	vor.u32 v23, v3;
	v23 =	vand.u32 $0x7F, v39;
	v2 =	vld.idx.msk [tilespmem:v24+s11+$0x0], $0xffff  }
0x1e6: {  	v11 =	vadd.f32 v22, v4;
	v4 =	vor.u32 v30, v20;
	v24 =	vor.u32 $0x80, v10;
	v22 =	vld.idx.msk [tilespmem:v26+s11+$0x0], $0xffff  }
0x1e7: {  	v20 =	vshll.u32 v36, $0x2;
	v26 =	vshll.u32 v39, $0x2;
	v3 =	vld.idx.msk [tilespmem:v19+s11+$0x0], $0xffff;
	v19 =	vor.u32 $0x100, v10  }
0x1e8: {  	v6 =	vshll.u32 v6, $0x2;
	v11 =	vadd.f32 v21, v11;
	v21 =	vor.u32 $0x180, v10;
	v30 =	vld.idx.msk [tilespmem:v31+s11+$0x0], $0xffff  }
0x1e9: {  	v6 =	vand.u32 $0xFFFFFE00, v6;
	v32 =	vshll.u32 v9, $0x2;
	v31 =	vshll.u32 v8, $0x2;
	v27 =	vld.idx.msk [tilespmem:v27+s11+$0x0], $0xffff  }
0x1ea: {  	v18 =	vadd.f32 v18, v11;
	v11 =	vor.u32 v37, v6;
	v31 =	vand.u32 $0xFFFFFE00, v31;
	v17 =	vld.idx.msk [tilespmem:v17+s11+$0x0], $0xffff  }
0x1eb: {  	v32 =	vand.u32 $0xFFFFFE00, v32;
	v33 =	vor.u32 $0x80, v11;
	v24 =	vld.idx.msk [tilespmem:v24+s11+$0x0], $0xffff  }
0x1ec: {  	v18 =	vadd.f32 v25, v18;
	v6 =	vld.idx.msk [tilespmem:v19+s11+$0x0], $0xffff;
	v19 =	vor.u32 $0x100, v11  }
0x1ed: {  	v25 =	vor.u32 $0x180, v11;
	v21 =	vld.idx.msk [tilespmem:v21+s11+$0x0], $0xffff  }
0x1ee: {  	v15 =	vadd.f32 v30, v15;
	v30 =	vld.idx.msk [tilespmem:v10+s11+$0x0], $0xffff  }
0x1ef: {  	v34 =	vld.idx.msk [tilespmem:v14+s11+$0x0], $0xffff  }
0x1f0: {  	v14 =	vadd.f32 v28, v15;
	v15 =	vld.idx.msk [tilespmem:v33+s11+$0x0], $0xffff  }
0x1f1: {  	v18 =	vadd.f32 v24, v18;
	v10 =	vld.idx.msk [tilespmem:v19+s11+$0x0], $0xffff  }
0x1f2: {  	v7 =	vand.u32 $0x7F, v7;
	v13 =	vand.u32 $0xFFFFFE00, v13;
	v14 =	vadd.f32 v17, v14;
	v17 =	vld.idx.msk [tilespmem:v25+s11+$0x0], $0xffff  }
0x1f3: {  	v12 =	vor.u32 $0x100, v12;
	v19 =	vor.u32 v7, v13;
	v7 =	vld [tilespmem:s15+$0x18980]  }
0x1f4: {  	v8 =	vand.u32 $0x7F, v8;
	v24 =	vor.u32 $0x180, v19;
	v14 =	vadd.f32 v30, v14;
	v25 =	vld [tilespmem:s15+$0x18A00]  }
0x1f5: {  	v9 =	vand.u32 $0x7F, v9;
	v20 =	vand.u32 $0xFFFFFE00, v20;
	v28 =	vadd.f32 v34, v29;
	v29 =	vld [tilespmem:s15+$0x18A80]  }
0x1f6: {  	v30 =	vor.u32 v9, v32;
	v13 =	vadd.f32 v15, v18;
	v18 =	vor.u32 $0x180, v4;
	v32 =	vld [tilespmem:s15+$0x18B00]  }
0x1f7: {  	v9 =	vadd.f32 v22, v28;
	v22 =	vor.u32 v8, v31;
	v8 =	vand.u32 $0xFFFFFE00, v26;
	v26 =	vld [tilespmem:s15+$0x18B80]  }
0x1f8: {  	v28 =	vor.u32 $0x180, v22;
	v8 =	vor.u32 v23, v8;
	v15 =	vshll.u32 v7, $0x2;
	v23 =	vld [tilespmem:s15+$0x18C00]  }
0x1f9: {  	v9 =	vadd.f32 v27, v9;
	v27 =	vor.u32 $0x80, v22;
	v24 =	vld.idx.msk [tilespmem:v24+s11+$0x0], $0xffff;
	v31 =	vand.u32 $0xFFFFFE00, v15  }
0x1fa: {  	v15 =	vor.u32 $0x80, v8;
	v34 =	vshll.u32 v25, $0x2;
	v33 =	vld.idx.msk [tilespmem:v12+s11+$0x0], $0xffff;
	v12 =	vor.u32 $0x180, v30  }
0x1fb: {  	v20 =	vor.u32 v16, v20;
	v9 =	vadd.f32 v21, v9;
	v21 =	vor.u32 $0x100, v4;
	v18 =	vld.idx.msk [tilespmem:v18+s11+$0x0], $0xffff  }
0x1fc: {  	v35 =	vor.u32 $0x180, v20;
	v16 =	vld.idx.msk [tilespmem:v30+s11+$0x0], $0xffff;
	v36 =	vshll.u32 v26, $0x2  }
0x1fd: {  	v9 =	vadd.f32 v17, v9;
	v17 =	vld.idx.msk [tilespmem:v28+s11+$0x0], $0xffff;
	v28 =	vand.u32 $0xFFFFFE00, v36;
	v36 =	vshll.u32 v23, $0x2  }
0x1fe: {  	v37 =	vor.u32 $0x180, v8;
	v7 =	vand.u32 $0x7F, v7;
	v27 =	vld.idx.msk [tilespmem:v27+s11+$0x0], $0xffff;
	v36 =	vand.u32 $0xFFFFFE00, v36  }
0x1ff: {  	v31 =	vor.u32 v7, v31;
	v7 =	vand.u32 $0x7F, v23;
	v9 =	vadd.f32 v24, v9;
	v24 =	vld.idx.msk [tilespmem:v12+s11+$0x0], $0xffff  }
0x200: {  	v25 =	vand.u32 $0x7F, v25;
	v23 =	vor.u32 $0x180, v31;
	v12 =	vor.u32 v7, v36;
	v21 =	vld.idx.msk [tilespmem:v21+s11+$0x0], $0xffff  }
0x201: {  	v7 =	vadd.f32 v18, v9;
	v9 =	vor.u32 $0x100, v20;
	v18 =	vld.idx.msk [tilespmem:v35+s11+$0x0], $0xffff  }
0x202: {  	v36 =	vor.u32 $0x100, v12;
	v35 =	vld.idx.msk [tilespmem:v4+s11+$0x0], $0xffff  }
0x203: {  	v7 =	vadd.f32 v17, v7;
	v37 =	vld.idx.msk [tilespmem:v37+s11+$0x0], $0xffff  }
0x204: {  	v38 =	vor.u32 $0x80, v20;
	v39 =	vld.idx.msk [tilespmem:v31+s11+$0x0], $0xffff  }
0x205: {  	v40 =	vor.u32 $0x100, v30;
	v7 =	vadd.f32 v24, v7;
	v23 =	vld.idx.msk [tilespmem:v23+s11+$0x0], $0xffff  }
0x206: {  	v24 =	vld.idx.msk [tilespmem:v9+s11+$0x0], $0xffff;
	v9 =	vand.u32 $0x7F, v26  }
0x207: {  	v18 =	vadd.f32 v18, v7;
	v26 =	vor.u32 v9, v28;
	v7 =	vld.idx.msk [tilespmem:v36+s11+$0x0], $0xffff  }
0x208: {  	v28 =	vor.u32 $0x100, v26;
	v17 =	vor.u32 $0x180, v26;
	v9 =	vld.idx.msk [tilespmem:v12+s11+$0x0], $0xffff  }
0x209: {  	v18 =	vadd.f32 v37, v18;
	v36 =	vld.idx.msk [tilespmem:v38+s11+$0x0], $0xffff  }
0x20a: {  	v5 =	vadd.f32 v33, v5;
	v33 =	vld.idx.msk [tilespmem:v40+s11+$0x0], $0xffff  }
0x20b: {  	v18 =	vadd.f32 v23, v18;
	v20 =	vld.idx.msk [tilespmem:v20+s11+$0x0], $0xffff  }
0x20c: {  	v0 =	vadd.f32 v0, v5;
	v5 =	vor.u32 $0x100, v19;
	v37 =	vshll.u32 v32, $0x2;
	v23 =	vld.idx.msk [tilespmem:v22+s11+$0x0], $0xffff  }
0x20d: {  	v32 =	vand.u32 $0x7F, v32;
	v38 =	vor.u32 $0x80, v19;
	v37 =	vand.u32 $0xFFFFFE00, v37;
	v28 =	vld.idx.msk [tilespmem:v28+s11+$0x0], $0xffff  }
0x20e: {  	v0 =	vadd.f32 v1, v0;
	v1 =	vor.u32 v32, v37;
	v32 =	vld.idx.msk [tilespmem:v26+s11+$0x0], $0xffff  }
0x20f: {  	v37 =	vor.u32 $0x100, v31;
	v40 =	vor.u32 $0x180, v1;
	v19 =	vld.idx.msk [tilespmem:v19+s11+$0x0], $0xffff  }
0x210: {  	v4 =	vor.u32 $0x80, v4;
	v0 =	vadd.f32 v2, v0;
	v2 =	vld.idx.msk [tilespmem:v11+s11+$0x0], $0xffff  }
0x211: {  	v11 =	vor.u32 $0x100, v22;
	v5 =	vld.idx.msk [tilespmem:v5+s11+$0x0], $0xffff  }
0x212: {  	v0 =	vadd.f32 v3, v0;
	v22 =	vor.u32 $0x80, v31;
	v31 =	vshll.u32 v29, $0x2;
	v3 =	vld.idx.msk [tilespmem:v38+s11+$0x0], $0xffff  }
0x213: {  	v30 =	vor.u32 $0x80, v30;
	v29 =	vand.u32 $0x7F, v29;
	v31 =	vand.u32 $0xFFFFFE00, v31;
	v38 =	vld.idx.msk [tilespmem:v1+s11+$0x0], $0xffff  }
0x214: {  	v0 =	vadd.f32 v6, v0;
	v29 =	vor.u32 v29, v31;
	v31 =	vor.u32 $0x100, v1;
	v6 =	vld.idx.msk [tilespmem:v37+s11+$0x0], $0xffff  }
0x215: {  	v37 =	vor.u32 $0x100, v29;
	v4 =	vld.idx.msk [tilespmem:v4+s11+$0x0], $0xffff  }
0x216: {  	v0 =	vadd.f32 v10, v0;
	v2 =	vadd.f32 v2, v14;
	v10 =	vld.idx.msk [tilespmem:v11+s11+$0x0], $0xffff;
	v11 =	vor.u32 $0x100, v8  }
0x217: {  	v14 =	vld.idx.msk [tilespmem:v22+s11+$0x0], $0xffff  }
0x218: {  	v0 =	vadd.f32 v5, v0;
	v2 =	vadd.f32 v19, v2;
	v5 =	vld.idx.msk [tilespmem:v30+s11+$0x0], $0xffff  }
0x219: {  	v3 =	vadd.f32 v3, v13;
	v13 =	vand.u32 $0xFFFFFE00, v34;
	v19 =	vld.idx.msk [tilespmem:v31+s11+$0x0], $0xffff  }
0x21a: {  	v0 =	vadd.f32 v21, v0;
	v13 =	vor.u32 v25, v13;
	v2 =	vadd.f32 v35, v2;
	v21 =	vld.idx.msk [tilespmem:v37+s11+$0x0], $0xffff  }
0x21b: {  	v3 =	vadd.f32 v4, v3;
	v4 =	vld.idx.msk [tilespmem:v11+s11+$0x0], $0xffff;
	v11 =	vor.u32 $0x100, v13  }
0x21c: {  	v2 =	vadd.f32 v23, v2;
	v0 =	vadd.f32 v10, v0;
	v10 =	vor.u32 $0x80, v13;
	v8 =	vld.idx.msk [tilespmem:v8+s11+$0x0], $0xffff  }
0x21d: {  	v22 =	vor.u32 $0x180, v13;
	v3 =	vadd.f32 v27, v3;
	v15 =	vld.idx.msk [tilespmem:v15+s11+$0x0], $0xffff  }
0x21e: {  	v23 =	vor.u32 $0x80, v29;
	v2 =	vadd.f32 v16, v2;
	v0 =	vadd.f32 v33, v0;
	v16 =	vld.idx.msk [tilespmem:v29+s11+$0x0], $0xffff  }
0x21f: {  	v3 =	vadd.f32 v5, v3;
	v5 =	vld.idx.msk [tilespmem:v13+s11+$0x0], $0xffff;
	v13 =	vor.u32 $0x180, v29  }
0x220: {  	v1 =	vor.u32 $0x80, v1;
	v2 =	vadd.f32 v20, v2;
	v0 =	vadd.f32 v24, v0;
	v11 =	vld.idx.msk [tilespmem:v11+s11+$0x0], $0xffff  }
0x221: {  	v3 =	vadd.f32 v36, v3;
	v10 =	vld.idx.msk [tilespmem:v10+s11+$0x0], $0xffff  }
0x222: {  	v2 =	vadd.f32 v8, v2;
	v0 =	vadd.f32 v4, v0;
	v8 =	vor.u32 $0x80, v26;
	v4 =	vld.idx.msk [tilespmem:v22+s11+$0x0], $0xffff  }
0x223: {  	v3 =	vadd.f32 v15, v3;
	v15 =	vld.idx.msk [tilespmem:v23+s11+$0x0], $0xffff  }
0x224: {  	v2 =	vadd.f32 v39, v2;
	v0 =	vadd.f32 v6, v0;
	v6 =	vld.idx.msk [tilespmem:v13+s11+$0x0], $0xffff;
	v13 =	vor.u32 $0x80, v12  }
0x225: {  	v3 =	vadd.f32 v14, v3;
	v12 =	vor.u32 $0x180, v12;
	v1 =	vld.idx.msk [tilespmem:v1+s11+$0x0], $0xffff  }
0x226: {  	v2 =	vadd.f32 v5, v2;
	v0 =	vadd.f32 v11, v0;
	v5 =	vld.idx.msk [tilespmem:v40+s11+$0x0], $0xffff  }
0x227: {  	v3 =	vadd.f32 v10, v3;
	v8 =	vld.idx.msk [tilespmem:v8+s11+$0x0], $0xffff  }
0x228: {  	v2 =	vadd.f32 v16, v2;
	v0 =	vadd.f32 v21, v0;
	v10 =	vld.idx.msk [tilespmem:v17+s11+$0x0], $0xffff  }
0x229: {  	v4 =	vadd.f32 v4, v18;
	v3 =	vadd.f32 v15, v3;
	v11 =	vld.idx.msk [tilespmem:v13+s11+$0x0], $0xffff  }
0x22a: {  	v2 =	vadd.f32 v38, v2;
	v0 =	vadd.f32 v19, v0;
	v12 =	vld.idx.msk [tilespmem:v12+s11+$0x0], $0xffff  }
0x22b: {  	v4 =	vadd.f32 v6, v4;
	v1 =	vadd.f32 v1, v3  }
0x22c: {  	v2 =	vadd.f32 v32, v2;
	v0 =	vadd.f32 v28, v0  }
.Ltmp2:
0x22d: {  	v3 =	vadd.f32 v5, v4;
	v1 =	vadd.f32 v8, v1;
	(pc) =	sbr.rel @p0 .LBB2_7-.Ltmp2, $4  }
0x22e: {  	v2 =	vadd.f32 v9, v2;
	v4 =	vadd.f32 v7, v0  }
0x22f: {  	v3 =	vadd.f32 v10, v3;
	v5 =	vadd.f32 v11, v1  }
0x230: {  	v0 =	vmul.f32 $3.125000000e-02, v2;
	v2 =	vmul.f32 $3.125000000e-02, v4  }
0x231: {  	v1 =	vadd.f32 v12, v3;
	v3 =	vmul.f32 $3.125000000e-02, v5  }
0x232: {  	[tilespmem:s15+$0x18D80] =	vst v2  }
0x233: {  	[tilespmem:s15+$0x18C80] =	vst v0;
	s16 =	sshll.u32 s14, $0x6;
	s14 =	sadd.s32 $0x1, s14;
	v1 =	vmul.f32 $3.125000000e-02, v1  }
0x234: {  	[tilespmem:s15+$0x18D00] =	vst v3;
	p0 =	sne.s32 s14, $0x40  }
.Ltmp3:
0x235: {  	s31 =	sadd.s32 s16, s6;
	[tilespmem:s15+$0x18E00] =	vst v1;
	(pc) =	sbr.rel @p0 .LBB2_6-.Ltmp3, $4  }
0x236: {  	[hbm4b:s31+s2] =	stream.linear.scatter [tilespmem:s12], [sflag:$0x1], $0x200, $0x38;
	[tilespmem:$0x18E00] =	vst v63  }
0x237: {  	_ =	swait.ge [sflag:s8], $0x200  }
0x238: {  	[sflag:s8] =	ssyncset.done $0x0  }
0x239: {  	[sflag:s8] =	ssyncadd.s32 $0xFFFFFE00  }
0x23a: {  	s13 =	sadd.s32 $0x1, s13  }
0x23b: {  	p0 =	sne.s32 s13, s7  }
.Ltmp4:
0x23c: {  	_ = 	snop;
	(pc) =	sbr.rel @p0 .LBB2_1-.Ltmp4, $1  }
0x23d: {  	_ =	sdelay $0x3  }
0x23e: {  	_ =	sfence.sel $0x180000  }
0x23f: {  	[bflag:$0x0] =	sbarrier.arrive $0xFFFF  }
0x240: {  	p0 =	sne.s32 s1, $0x0;
	_ =	strace $0x9000004A  }
0x241: {  	s0 =	sadd.s32 @!p0 $0x100000, s0;
	[bflag:$0x2] =	sbarrier.arrive $0xFFFF  }
0x242: {  	[sflag:s0] =	ssyncadd.tile.s32 @!p0 $0x1;
	_ =	shalt  }
.Lfunc_end2:
_tile_overlayer_lowered:
.L_overlay_start_2:
0x243: {  	(tag) =	ssettag $0x2  }
0x244: {  	s0 =	rddreg [dreg:$0x0];
	s2 =	stileid.u32  }
0x245: {  	s1 =	rddreg [dreg:$0x1];
	p0 =	sne.s32 s2, $0x0  }
0x246: {  	s3 =	rddreg [dreg:$0x2];
	[bflag:$0x3] =	sbarrier.arrive $0xFFFF;
	s2 =	simm.s32 @!p0 $0x1C01  }
0x247: {  	[timem:s3], [sflag:s2] =	dma.local @!p0 [hbm:s0], s1  }
0x248: {  	s0 =	simm.s32 @!p0 $0x1  }
0x249: {  	_ =	swait.ge @!p0 [sflag:s0], s1  }
0x24a: {  	s1 =	ssub.s32 @!p0 $0x0, s1;
	[sflag:s0] =	ssyncset.done @!p0 $0x0  }
0x24b: {  	[sflag:s0] =	ssyncadd.s32 @!p0 s1  }
0x24c: {  	[bflag:$0x3] =	sbarrier.arrive $0xFFFF  }
0x24d: {  	_ =	shalt  }

</sc_bundles>
